<compile_context>
chip_gen: v7x
topology: tpu7x:2x2x1
jax: 0.10.2.dev20260603
libtpu: 0.0.44.dev20260713+nightly
codegen_flags: <defaults>
</compile_context>

<pallas_src>
import jax
import jax.numpy as jnp
from jax import lax
from jax.experimental import pallas as pl
from jax.experimental.pallas import tpu as pltpu
from jax.experimental.pallas import tpu_sc as plsc

_OUT = 7
_C = 256
_M = 1024
_ACC = _C * _OUT * _OUT
_NC = 2
_NS = 16
_BPW = _M // (_NC * _NS)


def _splat(x):
    return jnp.full((16,), x, jnp.int32)


def _ld(ref, r, c):
    return plsc.load_gather(ref, [_splat(r), _splat(c)])


def _roi_body(table, bx, out, bbuf, pf, pi, xi, yi, wxv, wyv, idx, idx1,
              rows, rows1, acc, sem, sem1):
    wid = lax.axis_index("s") * _NC + lax.axis_index("c")
    lanes = jnp.arange(16, dtype=jnp.int32)
    flo = lax.shift_right_logical(lanes, 1).astype(jnp.float32)
    frac = flo + ((lanes & 1).astype(jnp.float32) + 0.5) * 0.5
    lanes98 = lanes * 98

    def group_body(grp, _):
        gbase = wid * _BPW + grp * 16
        for f in range(5):
            pltpu.sync_copy(bx.at[pl.ds(f * _M + gbase, 16)],
                            bbuf.at[pl.ds(f * 16, 16)])
        bb = bbuf[pl.ds(0, 16)]
        bx0 = bbuf[pl.ds(16, 16)]
        by0 = bbuf[pl.ds(32, 16)]
        bx1 = bbuf[pl.ds(48, 16)]
        by1 = bbuf[pl.ds(64, 16)]
        area = (bx1 - bx0) * (by1 - by0)
        lvi = (jnp.where(area >= 12544.0, 1, 0)
               + jnp.where(area >= 50176.0, 1, 0)
               + jnp.where(area >= 200704.0, 1, 0))
        scale = jnp.where(lvi == 0, 0.25,
                          jnp.where(lvi == 1, 0.125,
                                    jnp.where(lvi == 2, 0.0625, 0.03125)))
        dim = jnp.where(lvi == 0, 128,
                        jnp.where(lvi == 1, 64,
                                  jnp.where(lvi == 2, 32, 16)))
        lbase = jnp.where(lvi == 0, 0,
                          jnp.where(lvi == 1, 16384,
                                    jnp.where(lvi == 2, 20480, 21504)))
        x1s = bx0 * scale - 0.5
        y1s = by0 * scale - 0.5
        x2s = bx1 * scale - 0.5
        y2s = by1 * scale - 0.5
        pf[0, :] = x1s
        pf[1, :] = y1s
        pf[2, :] = (x2s - x1s) / 7.0
        pf[3, :] = (y2s - y1s) / 7.0
        pi[0, :] = lbase + bb.astype(jnp.int32) * 21760
        pi[1, :] = dim

        def box_body(bi, _):
            x1c = _ld(pf, 0, bi)
            y1c = _ld(pf, 1, bi)
            binw = _ld(pf, 2, bi)
            binh = _ld(pf, 3, bi)
            base = _ld(pi, 0, bi)
            d = _ld(pi, 1, bi)
            df = d.astype(jnp.float32)

            xs = x1c + frac * binw
            vx = jnp.where((xs > -1.0) & (xs < df), 1.0, 0.0)
            xcl = jnp.maximum(xs, 0.0)
            xlo = jnp.minimum(xcl.astype(jnp.int32), d - 1)
            xhi = jnp.minimum(xlo + 1, d - 1)
            xcl = jnp.where(xlo >= d - 1, xlo.astype(jnp.float32), xcl)
            tx = xcl - xlo.astype(jnp.float32)
            xi[0, :] = xlo
            xi[1, :] = xhi
            wxv[0, :] = (1.0 - tx) * vx
            wxv[1, :] = tx * vx

            ys = y1c + frac * binh
            vy = jnp.where((ys > -1.0) & (ys < df), 0.25, 0.0)
            ycl = jnp.maximum(ys, 0.0)
            ylo = jnp.minimum(ycl.astype(jnp.int32), d - 1)
            yhi = jnp.minimum(ylo + 1, d - 1)
            ycl = jnp.where(ylo >= d - 1, ylo.astype(jnp.float32), ycl)
            ty = ycl - ylo.astype(jnp.float32)
            yi[0, :] = ylo
            yi[1, :] = yhi
            wyv[0, :] = (1.0 - ty) * vy
            wyv[1, :] = ty * vy

            def issue(ib, rowsr, semr):
                g0 = 2 * ib
                xlo_v = xi[0, :]
                xhi_v = xi[1, :]
                handles = []
                for gg in range(2):
                    rl = base + _ld(yi, 0, g0 + gg) * d
                    rh = base + _ld(yi, 1, g0 + gg) * d
                    o = gg * 64
                    for k, iv in enumerate((rl + xlo_v, rl + xhi_v,
                                            rh + xlo_v, rh + xhi_v)):
                        handles.append(pltpu.async_copy(
                            table.at[iv],
                            rowsr.at[pl.ds(o + k * 16, 16)], semr))
                return handles

            def compute(ib, rowsr):
                g0 = 2 * ib
                wyf = []
                for gg in range(2):
                    for yc in range(2):
                        wyf.append(_ld(wyv, yc, g0 + gg))

                def j_body(jb, _):
                    h0 = 2 * jb
                    wxp = []
                    for dd in range(2):
                        for xc in range(2):
                            w = _ld(wxv, xc, h0 + dd)
                            wxp.append(plsc.pack(
                                w, w, format=plsc.PackFormat.INTERLEAVED))
                    bin_id = ib * 7 + jb
                    for cc in range(8):
                        cs = pl.ds(cc * 16, 16)
                        ve = None
                        vo = None
                        for gg in range(2):
                            for yc in range(2):
                                gsum = None
                                for dd in range(2):
                                    for xc in range(2):
                                        ro = gg * 64 + (yc * 2 + xc) * 16 \
                                            + h0 + dd
                                        t = plsc.bitcast(
                                            rowsr[ro, cs], jnp.bfloat16
                                        ) * wxp[dd * 2 + xc]
                                        gsum = t if gsum is None else gsum + t
                                ge, go = plsc.unpack(
                                    gsum, format=plsc.PackFormat.INTERLEAVED)
                                wy = wyf[gg * 2 + yc]
                                te = ge * wy
                                to = go * wy
                                ve = te if ve is None else ve + te
                                vo = to if vo is None else vo + to
                        ie = lanes98 + (cc * 1568 + bin_id)
                        plsc.store_scatter(acc, [ie], ve)
                        plsc.store_scatter(acc, [ie + 49], vo)
                    return _

                lax.fori_loop(0, 7, j_body, None)

            def i_body(ib, _):
                for h in issue(ib, rows, sem):
                    h.wait()
                compute(ib, rows)
                return _

            lax.fori_loop(0, 7, i_body, None)
            pltpu.sync_copy(acc, out.at[gbase + bi])
            return _

        lax.fori_loop(0, 16, box_body, None)
        return _

    lax.fori_loop(0, _BPW // 16, group_body, None)


def kernel(feat_p2, feat_p3, feat_p4, feat_p5, pooler_fmt_boxes):
    flat = jnp.concatenate(
        [f.reshape(2, _C, -1) for f in (feat_p2, feat_p3, feat_p4, feat_p5)],
        axis=2)
    tb = jnp.transpose(flat, (0, 2, 1)).astype(jnp.bfloat16)
    table = lax.bitcast_convert_type(
        tb.reshape(2 * 21760, _C // 2, 2), jnp.int32)
    bx = pooler_fmt_boxes.T.reshape(-1)
    mesh = plsc.VectorSubcoreMesh(core_axis_name="c", subcore_axis_name="s")
    run = pl.kernel(
        _roi_body,
        out_type=jax.ShapeDtypeStruct((_M, _ACC), jnp.float32),
        mesh=mesh,
        compiler_params=pltpu.CompilerParams(needs_layout_passes=False),
        scratch_types=[
            pltpu.VMEM((80,), jnp.float32),
            pltpu.VMEM((4, 16), jnp.float32),
            pltpu.VMEM((2, 16), jnp.int32),
            pltpu.VMEM((2, 16), jnp.int32),
            pltpu.VMEM((2, 16), jnp.int32),
            pltpu.VMEM((2, 16), jnp.float32),
            pltpu.VMEM((2, 16), jnp.float32),
            pltpu.VMEM((128,), jnp.int32),
            pltpu.VMEM((128,), jnp.int32),
            pltpu.VMEM((128, _C // 2), jnp.int32),
            pltpu.VMEM((128, _C // 2), jnp.int32),
            pltpu.VMEM((_ACC,), jnp.float32),
            pltpu.SemaphoreType.DMA,
            pltpu.SemaphoreType.DMA,
        ],
    )
    out = run(table, bx)
    return out.reshape(_M, _C, _OUT, _OUT)

# --- scband reference (transcript-rebuilt; emitter-appended) ---
"""Pipeline reference for scband-roipooler-59064390255258 (READ-ONLY COPY).

The authoritative reference and input builder live on the scoring server;
editing this copy changes nothing except your own understanding.
"""

import jax, jax.numpy as jnp
import numpy as np

OUT = 7
RATIO = 2
SCALES = (0.25, 0.125, 0.0625, 0.03125)
MIN_LEVEL = 2
MAX_LEVEL = 5
CANONICAL_BOX_SIZE = 224.0
CANONICAL_LEVEL = 4.0
EPS = 2.220446049250313e-16


def roi_align(feat, boxes, scale):
    # ROIAlign with aligned=True (ROIAlignV2), fixed sampling_ratio=RATIO
    N, C, H, W = feat.shape
    M = boxes.shape[0]
    b = boxes[:, 0].astype(jnp.int32)
    offset = 0.5
    x1 = boxes[:, 1] * scale - offset
    y1 = boxes[:, 2] * scale - offset
    x2 = boxes[:, 3] * scale - offset
    y2 = boxes[:, 4] * scale - offset
    bin_w = (x2 - x1) / OUT
    bin_h = (y2 - y1) / OUT
    g = jnp.arange(OUT * RATIO)
    frac = (g // RATIO).astype(jnp.float32) + ((g % RATIO).astype(jnp.float32) + 0.5) / RATIO
    ys = y1[:, None] + frac[None, :] * bin_h[:, None]  # [M, OUT*RATIO]
    xs = x1[:, None] + frac[None, :] * bin_w[:, None]
    P = OUT * RATIO
    Y = jnp.broadcast_to(ys[:, :, None], (M, P, P)).reshape(M, P * P)
    X = jnp.broadcast_to(xs[:, None, :], (M, P, P)).reshape(M, P * P)
    valid = (Y > -1.0) & (Y < H) & (X > -1.0) & (X < W)
    y = jnp.maximum(Y, 0.0)
    x = jnp.maximum(X, 0.0)
    y_low = jnp.minimum(jnp.floor(y).astype(jnp.int32), H - 1)
    x_low = jnp.minimum(jnp.floor(x).astype(jnp.int32), W - 1)
    y_high = jnp.minimum(y_low + 1, H - 1)
    x_high = jnp.minimum(x_low + 1, W - 1)
    y = jnp.where(y_low >= H - 1, y_low.astype(y.dtype), y)
    x = jnp.where(x_low >= W - 1, x_low.astype(x.dtype), x)
    ly = y - y_low.astype(y.dtype)
    lx = x - x_low.astype(x.dtype)
    hy = 1.0 - ly
    hx = 1.0 - lx
    bb = b[:, None]
    v = ((hy * hx)[..., None] * feat[bb, :, y_low, x_low]
         + (hy * lx)[..., None] * feat[bb, :, y_low, x_high]
         + (ly * hx)[..., None] * feat[bb, :, y_high, x_low]
         + (ly * lx)[..., None] * feat[bb, :, y_high, x_high])  # [M, P*P, C]
    v = jnp.where(valid[..., None], v, 0.0)
    v = v.reshape(M, OUT, RATIO, OUT, RATIO, C)
    pooled = v.mean(axis=(2, 4))  # [M, OUT, OUT, C]
    return jnp.transpose(pooled, (0, 3, 1, 2))


def assign_levels(boxes):
    sizes = jnp.sqrt((boxes[:, 3] - boxes[:, 1]) * (boxes[:, 4] - boxes[:, 2]))
    lv = jnp.floor(CANONICAL_LEVEL + jnp.log2(sizes / CANONICAL_BOX_SIZE + EPS))
    lv = jnp.clip(lv, MIN_LEVEL, MAX_LEVEL)
    return lv.astype(jnp.int32) - MIN_LEVEL


def setup_inputs(seed: int = 0):
    key = jax.random.key(seed)
    k = jax.random.split(key, 10)
    N, C, M = 2, 256, 1024
    feat_p2 = jax.random.normal(k[0], (N, C, 128, 128), dtype=jnp.float32)
    feat_p3 = jax.random.normal(k[1], (N, C, 64, 64), dtype=jnp.float32)
    feat_p4 = jax.random.normal(k[2], (N, C, 32, 32), dtype=jnp.float32)
    feat_p5 = jax.random.normal(k[3], (N, C, 16, 16), dtype=jnp.float32)
    # valid detector-style boxes in 512x512 image coords: (batch_idx, x0, y0, x1, y1)
    x0 = jax.random.uniform(k[4], (M,)) * 448.0
    y0 = jax.random.uniform(k[5], (M,)) * 448.0
    w = 16.0 + jax.random.uniform(k[6], (M,)) * 460.0
    h = 16.0 + jax.random.uniform(k[7], (M,)) * 460.0
    x1 = jnp.minimum(x0 + w, 512.0)
    y1 = jnp.minimum(y0 + h, 512.0)
    bidx = jax.random.randint(k[8], (M,), 0, N).astype(jnp.float32)
    boxes = jnp.stack([bidx, x0, y0, x1, y1], axis=1)
    return {"feat_p2": feat_p2, "feat_p3": feat_p3, "feat_p4": feat_p4, "feat_p5": feat_p5, "pooler_fmt_boxes": boxes}


def reference(feat_p2, feat_p3, feat_p4, feat_p5, pooler_fmt_boxes):
    feats = [feat_p2, feat_p3, feat_p4, feat_p5]
    lv = assign_levels(pooler_fmt_boxes)
    out = jnp.zeros((pooler_fmt_boxes.shape[0], feats[0].shape[1], OUT, OUT), dtype=feats[0].dtype)
    for i, (ft, sc) in enumerate(zip(feats, SCALES)):
        pooled = roi_align(ft, pooler_fmt_boxes, sc)
        out = jnp.where((lv == i)[:, None, None, None], pooled, out)
    return out

if __name__ == "__main__":
    import jax
    _d = setup_inputs()
    print(jax.jit(kernel)(*tuple(_d.values())))

</pallas_src>

<mosaic_0001>
#map = affine_map<(d0, d1) -> (0, 0)>
#map1 = affine_map<(d0, d1) -> (0)>
module attributes {stable_mosaic.version = 14 : i64} {
  func.func @_roi_body(%arg0: i32, %arg1: i32, %arg2: memref<43520x128xi32, #tpu.memory_space<hbm>>, %arg3: memref<5120xf32, #tpu.memory_space<hbm>>, %arg4: memref<1024x12544xf32, #tpu.memory_space<hbm>>, %arg5: memref<80xf32, #tpu.memory_space<vmem>>, %arg6: memref<4x16xf32, #tpu.memory_space<vmem>>, %arg7: memref<2x16xi32, #tpu.memory_space<vmem>>, %arg8: memref<2x16xi32, #tpu.memory_space<vmem>>, %arg9: memref<2x16xi32, #tpu.memory_space<vmem>>, %arg10: memref<2x16xf32, #tpu.memory_space<vmem>>, %arg11: memref<2x16xf32, #tpu.memory_space<vmem>>, %arg12: memref<128xi32, #tpu.memory_space<vmem>>, %arg13: memref<128xi32, #tpu.memory_space<vmem>>, %arg14: memref<128x128xi32, #tpu.memory_space<vmem>>, %arg15: memref<128x128xi32, #tpu.memory_space<vmem>>, %arg16: memref<12544xf32, #tpu.memory_space<vmem>>, %arg17: memref<!tpu.dma_semaphore, #tpu.memory_space<semaphore_mem>>, %arg18: memref<!tpu.dma_semaphore, #tpu.memory_space<semaphore_mem>>) attributes {dimension_semantics = [#tpu.dimension_semantics<core_parallel>, #tpu.dimension_semantics<subcore_parallel>], iteration_bounds = array<i64: 2, 16>, scalar_prefetch = 0 : i64, scratch_operands = 14 : i64, tpu.core_type = #tpu.core_type<sc_vector_subcore>, window_params = [{transform_indices = #map}, {transform_indices = #map1}, {transform_indices = #map}]} {
    %mul3A = arith.constant 2 : i32
    %mul3A_0 = arith.muli %arg1, %mul3A : i32
    %add3A = arith.addi %mul3A_0, %arg0 : i32
    %iota3A = tpu.iota {dimensions = array<i32: 0>} : vector<16xi32>
    %shift_right_logical3A = arith.constant 1 : i32
    %shift_right_logical3A_1 = vector.broadcast %shift_right_logical3A : i32 to vector<16xi32>
    %shift_right_logical3A_2 = arith.shrui %iota3A, %shift_right_logical3A_1 : vector<16xi32>
    %convert_element_type3A = arith.sitofp %shift_right_logical3A_2 : vector<16xi32> to vector<16xf32>
    %and3A = arith.constant 1 : i32
    %and3A_3 = vector.broadcast %and3A : i32 to vector<16xi32>
    %and3A_4 = arith.andi %iota3A, %and3A_3 : vector<16xi32>
    %convert_element_type3A_5 = arith.sitofp %and3A_4 : vector<16xi32> to vector<16xf32>
    %add3A_6 = arith.constant 5.000000e-01 : f32
    %add3A_7 = vector.broadcast %add3A_6 : f32 to vector<16xf32>
    %add3A_8 = arith.addf %convert_element_type3A_5, %add3A_7 : vector<16xf32>
    %mul3A_9 = arith.constant 5.000000e-01 : f32
    %mul3A_10 = vector.broadcast %mul3A_9 : f32 to vector<16xf32>
    %mul3A_11 = arith.mulf %add3A_8, %mul3A_10 : vector<16xf32>
    %add3A_12 = arith.addf %convert_element_type3A, %mul3A_11 : vector<16xf32>
    %mul3A_13 = arith.constant 98 : i32
    %mul3A_14 = vector.broadcast %mul3A_13 : i32 to vector<16xi32>
    %mul3A_15 = arith.muli %iota3A, %mul3A_14 : vector<16xi32>
    %scan3A = arith.constant 0 : i32
    %scan3A_16 = arith.constant 2 : i32
    %scan3A_17 = arith.addi %scan3A, %scan3A_16 : i32
    %scan3A_18 = arith.constant 1 : i32
    scf.for %scan3A_20 = %scan3A to %scan3A_17 step %scan3A_18  : i32 {
      %mul3A_21 = arith.constant 32 : i32
      %mul3A_22 = arith.muli %add3A, %mul3A_21 : i32
      %mul3A_23 = arith.constant 16 : i32
      %mul3A_24 = arith.muli %scan3A_20, %mul3A_23 : i32
      %add3A_25 = arith.addi %mul3A_22, %mul3A_24 : i32
      %add3A_26 = arith.constant 0 : i32
      %add3A_27 = arith.addi %add3A_26, %add3A_25 : i32
      "tpu.region"() ({
        %run_scoped3A = tpu.sem_alloc : memref<!tpu.dma_semaphore, #tpu.memory_space<semaphore_mem>>
        %dma_start3A = arith.constant 0 : i32
        %dma_start3A_184 = tpu.memref_slice %arg5[%dma_start3A] : memref<80xf32, #tpu.memory_space<vmem>> -> memref<16xf32, #tpu.memory_space<vmem>>
        %dma_start3A_185 = tpu.memref_slice %arg3[%add3A_27] : memref<5120xf32, #tpu.memory_space<hbm>> -> memref<16xf32, #tpu.memory_space<hbm>>
        %dma_start3A_186 = arith.constant 0 : i32
        %dma_start3A_187 = tpu.memref_slice %arg5[%dma_start3A_186] : memref<80xf32, #tpu.memory_space<vmem>> -> memref<16xf32, #tpu.memory_space<vmem>>
        %dma_start3A_188 = tpu.memref_slice %arg3[%add3A_27] : memref<5120xf32, #tpu.memory_space<hbm>> -> memref<16xf32, #tpu.memory_space<hbm>>
        tpu.enqueue_dma source(%dma_start3A_188 : memref<16xf32, #tpu.memory_space<hbm>>) target(%dma_start3A_187 : memref<16xf32, #tpu.memory_space<vmem>>) target_semaphore(%run_scoped3A : memref<!tpu.dma_semaphore, #tpu.memory_space<semaphore_mem>>)
        %dma_wait3A = arith.constant 0 : i32
        %dma_wait3A_189 = tpu.memref_slice %arg5[%dma_wait3A] : memref<80xf32, #tpu.memory_space<vmem>> -> memref<16xf32, #tpu.memory_space<vmem>>
        %dma_wait3A_190 = tpu.memref_slice %arg3[%add3A_27] : memref<5120xf32, #tpu.memory_space<hbm>> -> memref<16xf32, #tpu.memory_space<hbm>>
        %dma_wait3A_191 = arith.constant 0 : i32
        %dma_wait3A_192 = tpu.memref_slice %arg5[%dma_wait3A_191] : memref<80xf32, #tpu.memory_space<vmem>> -> memref<16xf32, #tpu.memory_space<vmem>>
        %dma_wait3A_193 = tpu.memref_slice %arg3[%add3A_27] : memref<5120xf32, #tpu.memory_space<hbm>> -> memref<16xf32, #tpu.memory_space<hbm>>
        tpu.wait_dma2 semaphore(%run_scoped3A : memref<!tpu.dma_semaphore, #tpu.memory_space<semaphore_mem>>) src(%dma_wait3A_193 : memref<16xf32, #tpu.memory_space<hbm>>) dst(%dma_wait3A_192 : memref<16xf32, #tpu.memory_space<vmem>>)
        tpu.yield
      }) : () -> ()
      %add3A_28 = arith.constant 1024 : i32
      %add3A_29 = arith.addi %add3A_28, %add3A_25 : i32
      "tpu.region"() ({
        %run_scoped3A = tpu.sem_alloc : memref<!tpu.dma_semaphore, #tpu.memory_space<semaphore_mem>>
        %dma_start3A = arith.constant 16 : i32
        %dma_start3A_184 = tpu.memref_slice %arg5[%dma_start3A] : memref<80xf32, #tpu.memory_space<vmem>> -> memref<16xf32, #tpu.memory_space<vmem>>
        %dma_start3A_185 = tpu.memref_slice %arg3[%add3A_29] : memref<5120xf32, #tpu.memory_space<hbm>> -> memref<16xf32, #tpu.memory_space<hbm>>
        %dma_start3A_186 = arith.constant 16 : i32
        %dma_start3A_187 = tpu.memref_slice %arg5[%dma_start3A_186] : memref<80xf32, #tpu.memory_space<vmem>> -> memref<16xf32, #tpu.memory_space<vmem>>
        %dma_start3A_188 = tpu.memref_slice %arg3[%add3A_29] : memref<5120xf32, #tpu.memory_space<hbm>> -> memref<16xf32, #tpu.memory_space<hbm>>
        tpu.enqueue_dma source(%dma_start3A_188 : memref<16xf32, #tpu.memory_space<hbm>>) target(%dma_start3A_187 : memref<16xf32, #tpu.memory_space<vmem>>) target_semaphore(%run_scoped3A : memref<!tpu.dma_semaphore, #tpu.memory_space<semaphore_mem>>)
        %dma_wait3A = arith.constant 16 : i32
        %dma_wait3A_189 = tpu.memref_slice %arg5[%dma_wait3A] : memref<80xf32, #tpu.memory_space<vmem>> -> memref<16xf32, #tpu.memory_space<vmem>>
        %dma_wait3A_190 = tpu.memref_slice %arg3[%add3A_29] : memref<5120xf32, #tpu.memory_space<hbm>> -> memref<16xf32, #tpu.memory_space<hbm>>
        %dma_wait3A_191 = arith.constant 16 : i32
        %dma_wait3A_192 = tpu.memref_slice %arg5[%dma_wait3A_191] : memref<80xf32, #tpu.memory_space<vmem>> -> memref<16xf32, #tpu.memory_space<vmem>>
        %dma_wait3A_193 = tpu.memref_slice %arg3[%add3A_29] : memref<5120xf32, #tpu.memory_space<hbm>> -> memref<16xf32, #tpu.memory_space<hbm>>
        tpu.wait_dma2 semaphore(%run_scoped3A : memref<!tpu.dma_semaphore, #tpu.memory_space<semaphore_mem>>) src(%dma_wait3A_193 : memref<16xf32, #tpu.memory_space<hbm>>) dst(%dma_wait3A_192 : memref<16xf32, #tpu.memory_space<vmem>>)
        tpu.yield
      }) : () -> ()
      %add3A_30 = arith.constant 2048 : i32
      %add3A_31 = arith.addi %add3A_30, %add3A_25 : i32
      "tpu.region"() ({
        %run_scoped3A = tpu.sem_alloc : memref<!tpu.dma_semaphore, #tpu.memory_space<semaphore_mem>>
        %dma_start3A = arith.constant 32 : i32
        %dma_start3A_184 = tpu.memref_slice %arg5[%dma_start3A] : memref<80xf32, #tpu.memory_space<vmem>> -> memref<16xf32, #tpu.memory_space<vmem>>
        %dma_start3A_185 = tpu.memref_slice %arg3[%add3A_31] : memref<5120xf32, #tpu.memory_space<hbm>> -> memref<16xf32, #tpu.memory_space<hbm>>
        %dma_start3A_186 = arith.constant 32 : i32
        %dma_start3A_187 = tpu.memref_slice %arg5[%dma_start3A_186] : memref<80xf32, #tpu.memory_space<vmem>> -> memref<16xf32, #tpu.memory_space<vmem>>
        %dma_start3A_188 = tpu.memref_slice %arg3[%add3A_31] : memref<5120xf32, #tpu.memory_space<hbm>> -> memref<16xf32, #tpu.memory_space<hbm>>
        tpu.enqueue_dma source(%dma_start3A_188 : memref<16xf32, #tpu.memory_space<hbm>>) target(%dma_start3A_187 : memref<16xf32, #tpu.memory_space<vmem>>) target_semaphore(%run_scoped3A : memref<!tpu.dma_semaphore, #tpu.memory_space<semaphore_mem>>)
        %dma_wait3A = arith.constant 32 : i32
        %dma_wait3A_189 = tpu.memref_slice %arg5[%dma_wait3A] : memref<80xf32, #tpu.memory_space<vmem>> -> memref<16xf32, #tpu.memory_space<vmem>>
        %dma_wait3A_190 = tpu.memref_slice %arg3[%add3A_31] : memref<5120xf32, #tpu.memory_space<hbm>> -> memref<16xf32, #tpu.memory_space<hbm>>
        %dma_wait3A_191 = arith.constant 32 : i32
        %dma_wait3A_192 = tpu.memref_slice %arg5[%dma_wait3A_191] : memref<80xf32, #tpu.memory_space<vmem>> -> memref<16xf32, #tpu.memory_space<vmem>>
        %dma_wait3A_193 = tpu.memref_slice %arg3[%add3A_31] : memref<5120xf32, #tpu.memory_space<hbm>> -> memref<16xf32, #tpu.memory_space<hbm>>
        tpu.wait_dma2 semaphore(%run_scoped3A : memref<!tpu.dma_semaphore, #tpu.memory_space<semaphore_mem>>) src(%dma_wait3A_193 : memref<16xf32, #tpu.memory_space<hbm>>) dst(%dma_wait3A_192 : memref<16xf32, #tpu.memory_space<vmem>>)
        tpu.yield
      }) : () -> ()
      %add3A_32 = arith.constant 3072 : i32
      %add3A_33 = arith.addi %add3A_32, %add3A_25 : i32
      "tpu.region"() ({
        %run_scoped3A = tpu.sem_alloc : memref<!tpu.dma_semaphore, #tpu.memory_space<semaphore_mem>>
        %dma_start3A = arith.constant 48 : i32
        %dma_start3A_184 = tpu.memref_slice %arg5[%dma_start3A] : memref<80xf32, #tpu.memory_space<vmem>> -> memref<16xf32, #tpu.memory_space<vmem>>
        %dma_start3A_185 = tpu.memref_slice %arg3[%add3A_33] : memref<5120xf32, #tpu.memory_space<hbm>> -> memref<16xf32, #tpu.memory_space<hbm>>
        %dma_start3A_186 = arith.constant 48 : i32
        %dma_start3A_187 = tpu.memref_slice %arg5[%dma_start3A_186] : memref<80xf32, #tpu.memory_space<vmem>> -> memref<16xf32, #tpu.memory_space<vmem>>
        %dma_start3A_188 = tpu.memref_slice %arg3[%add3A_33] : memref<5120xf32, #tpu.memory_space<hbm>> -> memref<16xf32, #tpu.memory_space<hbm>>
        tpu.enqueue_dma source(%dma_start3A_188 : memref<16xf32, #tpu.memory_space<hbm>>) target(%dma_start3A_187 : memref<16xf32, #tpu.memory_space<vmem>>) target_semaphore(%run_scoped3A : memref<!tpu.dma_semaphore, #tpu.memory_space<semaphore_mem>>)
        %dma_wait3A = arith.constant 48 : i32
        %dma_wait3A_189 = tpu.memref_slice %arg5[%dma_wait3A] : memref<80xf32, #tpu.memory_space<vmem>> -> memref<16xf32, #tpu.memory_space<vmem>>
        %dma_wait3A_190 = tpu.memref_slice %arg3[%add3A_33] : memref<5120xf32, #tpu.memory_space<hbm>> -> memref<16xf32, #tpu.memory_space<hbm>>
        %dma_wait3A_191 = arith.constant 48 : i32
        %dma_wait3A_192 = tpu.memref_slice %arg5[%dma_wait3A_191] : memref<80xf32, #tpu.memory_space<vmem>> -> memref<16xf32, #tpu.memory_space<vmem>>
        %dma_wait3A_193 = tpu.memref_slice %arg3[%add3A_33] : memref<5120xf32, #tpu.memory_space<hbm>> -> memref<16xf32, #tpu.memory_space<hbm>>
        tpu.wait_dma2 semaphore(%run_scoped3A : memref<!tpu.dma_semaphore, #tpu.memory_space<semaphore_mem>>) src(%dma_wait3A_193 : memref<16xf32, #tpu.memory_space<hbm>>) dst(%dma_wait3A_192 : memref<16xf32, #tpu.memory_space<vmem>>)
        tpu.yield
      }) : () -> ()
      %add3A_34 = arith.constant 4096 : i32
      %add3A_35 = arith.addi %add3A_34, %add3A_25 : i32
      "tpu.region"() ({
        %run_scoped3A = tpu.sem_alloc : memref<!tpu.dma_semaphore, #tpu.memory_space<semaphore_mem>>
        %dma_start3A = arith.constant 64 : i32
        %dma_start3A_184 = tpu.memref_slice %arg5[%dma_start3A] : memref<80xf32, #tpu.memory_space<vmem>> -> memref<16xf32, #tpu.memory_space<vmem>>
        %dma_start3A_185 = tpu.memref_slice %arg3[%add3A_35] : memref<5120xf32, #tpu.memory_space<hbm>> -> memref<16xf32, #tpu.memory_space<hbm>>
        %dma_start3A_186 = arith.constant 64 : i32
        %dma_start3A_187 = tpu.memref_slice %arg5[%dma_start3A_186] : memref<80xf32, #tpu.memory_space<vmem>> -> memref<16xf32, #tpu.memory_space<vmem>>
        %dma_start3A_188 = tpu.memref_slice %arg3[%add3A_35] : memref<5120xf32, #tpu.memory_space<hbm>> -> memref<16xf32, #tpu.memory_space<hbm>>
        tpu.enqueue_dma source(%dma_start3A_188 : memref<16xf32, #tpu.memory_space<hbm>>) target(%dma_start3A_187 : memref<16xf32, #tpu.memory_space<vmem>>) target_semaphore(%run_scoped3A : memref<!tpu.dma_semaphore, #tpu.memory_space<semaphore_mem>>)
        %dma_wait3A = arith.constant 64 : i32
        %dma_wait3A_189 = tpu.memref_slice %arg5[%dma_wait3A] : memref<80xf32, #tpu.memory_space<vmem>> -> memref<16xf32, #tpu.memory_space<vmem>>
        %dma_wait3A_190 = tpu.memref_slice %arg3[%add3A_35] : memref<5120xf32, #tpu.memory_space<hbm>> -> memref<16xf32, #tpu.memory_space<hbm>>
        %dma_wait3A_191 = arith.constant 64 : i32
        %dma_wait3A_192 = tpu.memref_slice %arg5[%dma_wait3A_191] : memref<80xf32, #tpu.memory_space<vmem>> -> memref<16xf32, #tpu.memory_space<vmem>>
        %dma_wait3A_193 = tpu.memref_slice %arg3[%add3A_35] : memref<5120xf32, #tpu.memory_space<hbm>> -> memref<16xf32, #tpu.memory_space<hbm>>
        tpu.wait_dma2 semaphore(%run_scoped3A : memref<!tpu.dma_semaphore, #tpu.memory_space<semaphore_mem>>) src(%dma_wait3A_193 : memref<16xf32, #tpu.memory_space<hbm>>) dst(%dma_wait3A_192 : memref<16xf32, #tpu.memory_space<vmem>>)
        tpu.yield
      }) : () -> ()
      %get3A = arith.constant 0 : index
      %get3A_36 = tpu.vector_load %arg5[%get3A] {strides = array<i32>} : memref<80xf32, #tpu.memory_space<vmem>>, vector<16xf32>,
      %get3A_37 = arith.constant 16 : index
      %get3A_38 = tpu.vector_load %arg5[%get3A_37] {strides = array<i32>} : memref<80xf32, #tpu.memory_space<vmem>>, vector<16xf32>,
      %get3A_39 = arith.constant 32 : index
      %get3A_40 = tpu.vector_load %arg5[%get3A_39] {strides = array<i32>} : memref<80xf32, #tpu.memory_space<vmem>>, vector<16xf32>,
      %get3A_41 = arith.constant 48 : index
      %get3A_42 = tpu.vector_load %arg5[%get3A_41] {strides = array<i32>} : memref<80xf32, #tpu.memory_space<vmem>>, vector<16xf32>,
      %get3A_43 = arith.constant 64 : index
      %get3A_44 = tpu.vector_load %arg5[%get3A_43] {strides = array<i32>} : memref<80xf32, #tpu.memory_space<vmem>>, vector<16xf32>,
      %sub3A = arith.subf %get3A_42, %get3A_38 : vector<16xf32>
      %sub3A_45 = arith.subf %get3A_44, %get3A_40 : vector<16xf32>
      %mul3A_46 = arith.mulf %sub3A, %sub3A_45 : vector<16xf32>
      %ge3A = arith.constant 1.254400e+04 : f32
      %ge3A_47 = vector.broadcast %ge3A : f32 to vector<16xf32>
      %ge3A_48 = arith.cmpf oge, %mul3A_46, %ge3A_47 : vector<16xf32>
      %jit3A = arith.constant 1 : i32
      %jit3A_49 = arith.constant 0 : i32
      %broadcast_in_dim3A = vector.broadcast %jit3A : i32 to vector<16xi32>
      %broadcast_in_dim3A_50 = vector.broadcast %jit3A_49 : i32 to vector<16xi32>
      %select_n3A = arith.select %ge3A_48, %broadcast_in_dim3A, %broadcast_in_dim3A_50 : vector<16xi1>, vector<16xi32>
      %ge3A_51 = arith.constant 5.017600e+04 : f32
      %ge3A_52 = vector.broadcast %ge3A_51 : f32 to vector<16xf32>
      %ge3A_53 = arith.cmpf oge, %mul3A_46, %ge3A_52 : vector<16xf32>
      %jit3A_54 = arith.constant 1 : i32
      %jit3A_55 = arith.constant 0 : i32
      %broadcast_in_dim3A_56 = vector.broadcast %jit3A_54 : i32 to vector<16xi32>
      %broadcast_in_dim3A_57 = vector.broadcast %jit3A_55 : i32 to vector<16xi32>
      %select_n3A_58 = arith.select %ge3A_53, %broadcast_in_dim3A_56, %broadcast_in_dim3A_57 : vector<16xi1>, vector<16xi32>
      %add3A_59 = arith.addi %select_n3A, %select_n3A_58 : vector<16xi32>
      %ge3A_60 = arith.constant 2.007040e+05 : f32
      %ge3A_61 = vector.broadcast %ge3A_60 : f32 to vector<16xf32>
      %ge3A_62 = arith.cmpf oge, %mul3A_46, %ge3A_61 : vector<16xf32>
      %jit3A_63 = arith.constant 1 : i32
      %jit3A_64 = arith.constant 0 : i32
      %broadcast_in_dim3A_65 = vector.broadcast %jit3A_63 : i32 to vector<16xi32>
      %broadcast_in_dim3A_66 = vector.broadcast %jit3A_64 : i32 to vector<16xi32>
      %select_n3A_67 = arith.select %ge3A_62, %broadcast_in_dim3A_65, %broadcast_in_dim3A_66 : vector<16xi1>, vector<16xi32>
      %add3A_68 = arith.addi %add3A_59, %select_n3A_67 : vector<16xi32>
      %eq3A = arith.constant 0 : i32
      %eq3A_69 = vector.broadcast %eq3A : i32 to vector<16xi32>
      %eq3A_70 = arith.cmpi eq, %add3A_68, %eq3A_69 : vector<16xi32>
      %eq3A_71 = arith.constant 1 : i32
      %eq3A_72 = vector.broadcast %eq3A_71 : i32 to vector<16xi32>
      %eq3A_73 = arith.cmpi eq, %add3A_68, %eq3A_72 : vector<16xi32>
      %eq3A_74 = arith.constant 2 : i32
      %eq3A_75 = vector.broadcast %eq3A_74 : i32 to vector<16xi32>
      %eq3A_76 = arith.cmpi eq, %add3A_68, %eq3A_75 : vector<16xi32>
      %jit3A_77 = arith.constant 6.250000e-02 : f32
      %jit3A_78 = arith.constant 3.125000e-02 : f32
      %broadcast_in_dim3A_79 = vector.broadcast %jit3A_77 : f32 to vector<16xf32>
      %broadcast_in_dim3A_80 = vector.broadcast %jit3A_78 : f32 to vector<16xf32>
      %select_n3A_81 = arith.select %eq3A_76, %broadcast_in_dim3A_79, %broadcast_in_dim3A_80 : vector<16xi1>, vector<16xf32>
      %jit3A_82 = arith.constant 1.250000e-01 : f32
      %broadcast_in_dim3A_83 = vector.broadcast %jit3A_82 : f32 to vector<16xf32>
      %select_n3A_84 = arith.select %eq3A_73, %broadcast_in_dim3A_83, %select_n3A_81 : vector<16xi1>, vector<16xf32>
      %jit3A_85 = arith.constant 2.500000e-01 : f32
      %broadcast_in_dim3A_86 = vector.broadcast %jit3A_85 : f32 to vector<16xf32>
      %select_n3A_87 = arith.select %eq3A_70, %broadcast_in_dim3A_86, %select_n3A_84 : vector<16xi1>, vector<16xf32>
      %eq3A_88 = arith.constant 0 : i32
      %eq3A_89 = vector.broadcast %eq3A_88 : i32 to vector<16xi32>
      %eq3A_90 = arith.cmpi eq, %add3A_68, %eq3A_89 : vector<16xi32>
      %eq3A_91 = arith.constant 1 : i32
      %eq3A_92 = vector.broadcast %eq3A_91 : i32 to vector<16xi32>
      %eq3A_93 = arith.cmpi eq, %add3A_68, %eq3A_92 : vector<16xi32>
      %eq3A_94 = arith.constant 2 : i32
      %eq3A_95 = vector.broadcast %eq3A_94 : i32 to vector<16xi32>
      %eq3A_96 = arith.cmpi eq, %add3A_68, %eq3A_95 : vector<16xi32>
      %jit3A_97 = arith.constant 32 : i32
      %jit3A_98 = arith.constant 16 : i32
      %broadcast_in_dim3A_99 = vector.broadcast %jit3A_97 : i32 to vector<16xi32>
      %broadcast_in_dim3A_100 = vector.broadcast %jit3A_98 : i32 to vector<16xi32>
      %select_n3A_101 = arith.select %eq3A_96, %broadcast_in_dim3A_99, %broadcast_in_dim3A_100 : vector<16xi1>, vector<16xi32>
      %jit3A_102 = arith.constant 64 : i32
      %broadcast_in_dim3A_103 = vector.broadcast %jit3A_102 : i32 to vector<16xi32>
      %select_n3A_104 = arith.select %eq3A_93, %broadcast_in_dim3A_103, %select_n3A_101 : vector<16xi1>, vector<16xi32>
      %jit3A_105 = arith.constant 128 : i32
      %broadcast_in_dim3A_106 = vector.broadcast %jit3A_105 : i32 to vector<16xi32>
      %select_n3A_107 = arith.select %eq3A_90, %broadcast_in_dim3A_106, %select_n3A_104 : vector<16xi1>, vector<16xi32>
      %eq3A_108 = arith.constant 0 : i32
      %eq3A_109 = vector.broadcast %eq3A_108 : i32 to vector<16xi32>
      %eq3A_110 = arith.cmpi eq, %add3A_68, %eq3A_109 : vector<16xi32>
      %eq3A_111 = arith.constant 1 : i32
      %eq3A_112 = vector.broadcast %eq3A_111 : i32 to vector<16xi32>
      %eq3A_113 = arith.cmpi eq, %add3A_68, %eq3A_112 : vector<16xi32>
      %eq3A_114 = arith.constant 2 : i32
      %eq3A_115 = vector.broadcast %eq3A_114 : i32 to vector<16xi32>
      %eq3A_116 = arith.cmpi eq, %add3A_68, %eq3A_115 : vector<16xi32>
      %jit3A_117 = arith.constant 20480 : i32
      %jit3A_118 = arith.constant 21504 : i32
      %broadcast_in_dim3A_119 = vector.broadcast %jit3A_117 : i32 to vector<16xi32>
      %broadcast_in_dim3A_120 = vector.broadcast %jit3A_118 : i32 to vector<16xi32>
      %select_n3A_121 = arith.select %eq3A_116, %broadcast_in_dim3A_119, %broadcast_in_dim3A_120 : vector<16xi1>, vector<16xi32>
      %jit3A_122 = arith.constant 16384 : i32
      %broadcast_in_dim3A_123 = vector.broadcast %jit3A_122 : i32 to vector<16xi32>
      %select_n3A_124 = arith.select %eq3A_113, %broadcast_in_dim3A_123, %select_n3A_121 : vector<16xi1>, vector<16xi32>
      %jit3A_125 = arith.constant 0 : i32
      %broadcast_in_dim3A_126 = vector.broadcast %jit3A_125 : i32 to vector<16xi32>
      %select_n3A_127 = arith.select %eq3A_110, %broadcast_in_dim3A_126, %select_n3A_124 : vector<16xi1>, vector<16xi32>
      %mul3A_128 = arith.mulf %get3A_38, %select_n3A_87 : vector<16xf32>
      %sub3A_129 = arith.constant 5.000000e-01 : f32
      %sub3A_130 = vector.broadcast %sub3A_129 : f32 to vector<16xf32>
      %sub3A_131 = arith.subf %mul3A_128, %sub3A_130 : vector<16xf32>
      %mul3A_132 = arith.mulf %get3A_40, %select_n3A_87 : vector<16xf32>
      %sub3A_133 = arith.constant 5.000000e-01 : f32
      %sub3A_134 = vector.broadcast %sub3A_133 : f32 to vector<16xf32>
      %sub3A_135 = arith.subf %mul3A_132, %sub3A_134 : vector<16xf32>
      %mul3A_136 = arith.mulf %get3A_42, %select_n3A_87 : vector<16xf32>
      %sub3A_137 = arith.constant 5.000000e-01 : f32
      %sub3A_138 = vector.broadcast %sub3A_137 : f32 to vector<16xf32>
      %sub3A_139 = arith.subf %mul3A_136, %sub3A_138 : vector<16xf32>
      %mul3A_140 = arith.mulf %get3A_44, %select_n3A_87 : vector<16xf32>
      %sub3A_141 = arith.constant 5.000000e-01 : f32
      %sub3A_142 = vector.broadcast %sub3A_141 : f32 to vector<16xf32>
      %sub3A_143 = arith.subf %mul3A_140, %sub3A_142 : vector<16xf32>
      %swap3A = arith.constant 0 : i32
      %swap3A_144 = arith.index_cast %swap3A : i32 to index
      %swap3A_145 = arith.constant 0 : index
      %swap3A_146 = tpu.vector_load %arg6[%swap3A_144, %swap3A_145] {strides = array<i32>} : memref<4x16xf32, #tpu.memory_space<vmem>>, vector<16xf32>,
      tpu.vector_store %arg6[%swap3A_144, %swap3A_145], %sub3A_131 {strides = array<i32>} : memref<4x16xf32, #tpu.memory_space<vmem>>, vector<16xf32>,
      %swap3A_147 = arith.constant 1 : i32
      %swap3A_148 = arith.index_cast %swap3A_147 : i32 to index
      %swap3A_149 = arith.constant 0 : index
      %swap3A_150 = tpu.vector_load %arg6[%swap3A_148, %swap3A_149] {strides = array<i32>} : memref<4x16xf32, #tpu.memory_space<vmem>>, vector<16xf32>,
      tpu.vector_store %arg6[%swap3A_148, %swap3A_149], %sub3A_135 {strides = array<i32>} : memref<4x16xf32, #tpu.memory_space<vmem>>, vector<16xf32>,
      %sub3A_151 = arith.subf %sub3A_139, %sub3A_131 : vector<16xf32>
      %div3A = arith.constant 7.000000e+00 : f32
      %div3A_152 = vector.broadcast %div3A : f32 to vector<16xf32>
      %div3A_153 = arith.divf %sub3A_151, %div3A_152 : vector<16xf32>
      %swap3A_154 = arith.constant 2 : i32
      %swap3A_155 = arith.index_cast %swap3A_154 : i32 to index
      %swap3A_156 = arith.constant 0 : index
      %swap3A_157 = tpu.vector_load %arg6[%swap3A_155, %swap3A_156] {strides = array<i32>} : memref<4x16xf32, #tpu.memory_space<vmem>>, vector<16xf32>,
      tpu.vector_store %arg6[%swap3A_155, %swap3A_156], %div3A_153 {strides = array<i32>} : memref<4x16xf32, #tpu.memory_space<vmem>>, vector<16xf32>,
      %sub3A_158 = arith.subf %sub3A_143, %sub3A_135 : vector<16xf32>
      %div3A_159 = arith.constant 7.000000e+00 : f32
      %div3A_160 = vector.broadcast %div3A_159 : f32 to vector<16xf32>
      %div3A_161 = arith.divf %sub3A_158, %div3A_160 : vector<16xf32>
      %swap3A_162 = arith.constant 3 : i32
      %swap3A_163 = arith.index_cast %swap3A_162 : i32 to index
      %swap3A_164 = arith.constant 0 : index
      %swap3A_165 = tpu.vector_load %arg6[%swap3A_163, %swap3A_164] {strides = array<i32>} : memref<4x16xf32, #tpu.memory_space<vmem>>, vector<16xf32>,
      tpu.vector_store %arg6[%swap3A_163, %swap3A_164], %div3A_161 {strides = array<i32>} : memref<4x16xf32, #tpu.memory_space<vmem>>, vector<16xf32>,
      %convert_element_type3A_166 = arith.fptosi %get3A_36 : vector<16xf32> to vector<16xi32>
      %mul3A_167 = arith.constant 21760 : i32
      %mul3A_168 = vector.broadcast %mul3A_167 : i32 to vector<16xi32>
      %mul3A_169 = arith.muli %convert_element_type3A_166, %mul3A_168 : vector<16xi32>
      %add3A_170 = arith.addi %select_n3A_127, %mul3A_169 : vector<16xi32>
      %swap3A_171 = arith.constant 0 : i32
      %swap3A_172 = arith.index_cast %swap3A_171 : i32 to index
      %swap3A_173 = arith.constant 0 : index
      %swap3A_174 = tpu.vector_load %arg7[%swap3A_172, %swap3A_173] {strides = array<i32>} : memref<2x16xi32, #tpu.memory_space<vmem>>, vector<16xi32>,
      tpu.vector_store %arg7[%swap3A_172, %swap3A_173], %add3A_170 {strides = array<i32>} : memref<2x16xi32, #tpu.memory_space<vmem>>, vector<16xi32>,
      %swap3A_175 = arith.constant 1 : i32
      %swap3A_176 = arith.index_cast %swap3A_175 : i32 to index
      %swap3A_177 = arith.constant 0 : index
      %swap3A_178 = tpu.vector_load %arg7[%swap3A_176, %swap3A_177] {strides = array<i32>} : memref<2x16xi32, #tpu.memory_space<vmem>>, vector<16xi32>,
      tpu.vector_store %arg7[%swap3A_176, %swap3A_177], %select_n3A_107 {strides = array<i32>} : memref<2x16xi32, #tpu.memory_space<vmem>>, vector<16xi32>,
      %scan3A_179 = arith.constant 0 : i32
      %scan3A_180 = arith.constant 16 : i32
      %scan3A_181 = arith.addi %scan3A_179, %scan3A_180 : i32
      %scan3A_182 = arith.constant 1 : i32
      scf.for %scan3A_184 = %scan3A_179 to %scan3A_181 step %scan3A_182  : i32 {
        %broadcast_in_dim3A_185 = arith.constant 0 : i32
        %broadcast_in_dim3A_186 = vector.broadcast %broadcast_in_dim3A_185 : i32 to vector<16xi32>
        %broadcast_in_dim3A_187 = vector.broadcast %scan3A_184 : i32 to vector<16xi32>
        %gather3A = tpu.vector_load_idx %arg6[%broadcast_in_dim3A_186, %broadcast_in_dim3A_187] : memref<4x16xf32, #tpu.memory_space<vmem>>[vector<16xi32>, vector<16xi32>], vector<16xf32>,
        %broadcast_in_dim3A_188 = arith.constant 1 : i32
        %broadcast_in_dim3A_189 = vector.broadcast %broadcast_in_dim3A_188 : i32 to vector<16xi32>
        %broadcast_in_dim3A_190 = vector.broadcast %scan3A_184 : i32 to vector<16xi32>
        %gather3A_191 = tpu.vector_load_idx %arg6[%broadcast_in_dim3A_189, %broadcast_in_dim3A_190] : memref<4x16xf32, #tpu.memory_space<vmem>>[vector<16xi32>, vector<16xi32>], vector<16xf32>,
        %broadcast_in_dim3A_192 = arith.constant 2 : i32
        %broadcast_in_dim3A_193 = vector.broadcast %broadcast_in_dim3A_192 : i32 to vector<16xi32>
        %broadcast_in_dim3A_194 = vector.broadcast %scan3A_184 : i32 to vector<16xi32>
        %gather3A_195 = tpu.vector_load_idx %arg6[%broadcast_in_dim3A_193, %broadcast_in_dim3A_194] : memref<4x16xf32, #tpu.memory_space<vmem>>[vector<16xi32>, vector<16xi32>], vector<16xf32>,
        %broadcast_in_dim3A_196 = arith.constant 3 : i32
        %broadcast_in_dim3A_197 = vector.broadcast %broadcast_in_dim3A_196 : i32 to vector<16xi32>
        %broadcast_in_dim3A_198 = vector.broadcast %scan3A_184 : i32 to vector<16xi32>
        %gather3A_199 = tpu.vector_load_idx %arg6[%broadcast_in_dim3A_197, %broadcast_in_dim3A_198] : memref<4x16xf32, #tpu.memory_space<vmem>>[vector<16xi32>, vector<16xi32>], vector<16xf32>,
        %broadcast_in_dim3A_200 = arith.constant 0 : i32
        %broadcast_in_dim3A_201 = vector.broadcast %broadcast_in_dim3A_200 : i32 to vector<16xi32>
        %broadcast_in_dim3A_202 = vector.broadcast %scan3A_184 : i32 to vector<16xi32>
        %gather3A_203 = tpu.vector_load_idx %arg7[%broadcast_in_dim3A_201, %broadcast_in_dim3A_202] : memref<2x16xi32, #tpu.memory_space<vmem>>[vector<16xi32>, vector<16xi32>], vector<16xi32>,
        %broadcast_in_dim3A_204 = arith.constant 1 : i32
        %broadcast_in_dim3A_205 = vector.broadcast %broadcast_in_dim3A_204 : i32 to vector<16xi32>
        %broadcast_in_dim3A_206 = vector.broadcast %scan3A_184 : i32 to vector<16xi32>
        %gather3A_207 = tpu.vector_load_idx %arg7[%broadcast_in_dim3A_205, %broadcast_in_dim3A_206] : memref<2x16xi32, #tpu.memory_space<vmem>>[vector<16xi32>, vector<16xi32>], vector<16xi32>,
        %convert_element_type3A_208 = arith.sitofp %gather3A_207 : vector<16xi32> to vector<16xf32>
        %mul3A_209 = arith.mulf %add3A_12, %gather3A_195 : vector<16xf32>
        %add3A_210 = arith.addf %gather3A, %mul3A_209 : vector<16xf32>
        %gt3A = arith.constant -1.000000e+00 : f32
        %gt3A_211 = vector.broadcast %gt3A : f32 to vector<16xf32>
        %gt3A_212 = arith.cmpf ogt, %add3A_210, %gt3A_211 : vector<16xf32>
        %lt3A = arith.cmpf olt, %add3A_210, %convert_element_type3A_208 : vector<16xf32>
        %and3A_213 = arith.andi %gt3A_212, %lt3A : vector<16xi1>
        %jit3A_214 = arith.constant 1.000000e+00 : f32
        %jit3A_215 = arith.constant 0.000000e+00 : f32
        %broadcast_in_dim3A_216 = vector.broadcast %jit3A_214 : f32 to vector<16xf32>
        %broadcast_in_dim3A_217 = vector.broadcast %jit3A_215 : f32 to vector<16xf32>
        %select_n3A_218 = arith.select %and3A_213, %broadcast_in_dim3A_216, %broadcast_in_dim3A_217 : vector<16xi1>, vector<16xf32>
        %max3A = arith.constant 0.000000e+00 : f32
        %max3A_219 = vector.broadcast %max3A : f32 to vector<16xf32>
        %max3A_220 = arith.maximumf %add3A_210, %max3A_219 : vector<16xf32>
        %convert_element_type3A_221 = arith.fptosi %max3A_220 : vector<16xf32> to vector<16xi32>
        %sub3A_222 = arith.constant 1 : i32
        %sub3A_223 = vector.broadcast %sub3A_222 : i32 to vector<16xi32>
        %sub3A_224 = arith.subi %gather3A_207, %sub3A_223 : vector<16xi32>
        %min3A = arith.minsi %convert_element_type3A_221, %sub3A_224 : vector<16xi32>
        %add3A_225 = arith.constant 1 : i32
        %add3A_226 = vector.broadcast %add3A_225 : i32 to vector<16xi32>
        %add3A_227 = arith.addi %min3A, %add3A_226 : vector<16xi32>
        %sub3A_228 = arith.constant 1 : i32
        %sub3A_229 = vector.broadcast %sub3A_228 : i32 to vector<16xi32>
        %sub3A_230 = arith.subi %gather3A_207, %sub3A_229 : vector<16xi32>
        %min3A_231 = arith.minsi %add3A_227, %sub3A_230 : vector<16xi32>
        %sub3A_232 = arith.constant 1 : i32
        %sub3A_233 = vector.broadcast %sub3A_232 : i32 to vector<16xi32>
        %sub3A_234 = arith.subi %gather3A_207, %sub3A_233 : vector<16xi32>
        %ge3A_235 = arith.cmpi sge, %min3A, %sub3A_234 : vector<16xi32>
        %convert_element_type3A_236 = arith.sitofp %min3A : vector<16xi32> to vector<16xf32>
        %select_n3A_237 = arith.select %ge3A_235, %convert_element_type3A_236, %max3A_220 : vector<16xi1>, vector<16xf32>
        %convert_element_type3A_238 = arith.sitofp %min3A : vector<16xi32> to vector<16xf32>
        %sub3A_239 = arith.subf %select_n3A_237, %convert_element_type3A_238 : vector<16xf32>
        %swap3A_240 = arith.constant 0 : i32
        %swap3A_241 = arith.index_cast %swap3A_240 : i32 to index
        %swap3A_242 = arith.constant 0 : index
        %swap3A_243 = tpu.vector_load %arg8[%swap3A_241, %swap3A_242] {strides = array<i32>} : memref<2x16xi32, #tpu.memory_space<vmem>>, vector<16xi32>,
        tpu.vector_store %arg8[%swap3A_241, %swap3A_242], %min3A {strides = array<i32>} : memref<2x16xi32, #tpu.memory_space<vmem>>, vector<16xi32>,
        %swap3A_244 = arith.constant 1 : i32
        %swap3A_245 = arith.index_cast %swap3A_244 : i32 to index
        %swap3A_246 = arith.constant 0 : index
        %swap3A_247 = tpu.vector_load %arg8[%swap3A_245, %swap3A_246] {strides = array<i32>} : memref<2x16xi32, #tpu.memory_space<vmem>>, vector<16xi32>,
        tpu.vector_store %arg8[%swap3A_245, %swap3A_246], %min3A_231 {strides = array<i32>} : memref<2x16xi32, #tpu.memory_space<vmem>>, vector<16xi32>,
        %sub3A_248 = arith.constant 1.000000e+00 : f32
        %sub3A_249 = vector.broadcast %sub3A_248 : f32 to vector<16xf32>
        %sub3A_250 = arith.subf %sub3A_249, %sub3A_239 : vector<16xf32>
        %mul3A_251 = arith.mulf %sub3A_250, %select_n3A_218 : vector<16xf32>
        %swap3A_252 = arith.constant 0 : i32
        %swap3A_253 = arith.index_cast %swap3A_252 : i32 to index
        %swap3A_254 = arith.constant 0 : index
        %swap3A_255 = tpu.vector_load %arg10[%swap3A_253, %swap3A_254] {strides = array<i32>} : memref<2x16xf32, #tpu.memory_space<vmem>>, vector<16xf32>,
        tpu.vector_store %arg10[%swap3A_253, %swap3A_254], %mul3A_251 {strides = array<i32>} : memref<2x16xf32, #tpu.memory_space<vmem>>, vector<16xf32>,
        %mul3A_256 = arith.mulf %sub3A_239, %select_n3A_218 : vector<16xf32>
        %swap3A_257 = arith.constant 1 : i32
        %swap3A_258 = arith.index_cast %swap3A_257 : i32 to index
        %swap3A_259 = arith.constant 0 : index
        %swap3A_260 = tpu.vector_load %arg10[%swap3A_258, %swap3A_259] {strides = array<i32>} : memref<2x16xf32, #tpu.memory_space<vmem>>, vector<16xf32>,
        tpu.vector_store %arg10[%swap3A_258, %swap3A_259], %mul3A_256 {strides = array<i32>} : memref<2x16xf32, #tpu.memory_space<vmem>>, vector<16xf32>,
        %mul3A_261 = arith.mulf %add3A_12, %gather3A_199 : vector<16xf32>
        %add3A_262 = arith.addf %gather3A_191, %mul3A_261 : vector<16xf32>
        %gt3A_263 = arith.constant -1.000000e+00 : f32
        %gt3A_264 = vector.broadcast %gt3A_263 : f32 to vector<16xf32>
        %gt3A_265 = arith.cmpf ogt, %add3A_262, %gt3A_264 : vector<16xf32>
        %lt3A_266 = arith.cmpf olt, %add3A_262, %convert_element_type3A_208 : vector<16xf32>
        %and3A_267 = arith.andi %gt3A_265, %lt3A_266 : vector<16xi1>
        %jit3A_268 = arith.constant 2.500000e-01 : f32
        %jit3A_269 = arith.constant 0.000000e+00 : f32
        %broadcast_in_dim3A_270 = vector.broadcast %jit3A_268 : f32 to vector<16xf32>
        %broadcast_in_dim3A_271 = vector.broadcast %jit3A_269 : f32 to vector<16xf32>
        %select_n3A_272 = arith.select %and3A_267, %broadcast_in_dim3A_270, %broadcast_in_dim3A_271 : vector<16xi1>, vector<16xf32>
        %max3A_273 = arith.constant 0.000000e+00 : f32
        %max3A_274 = vector.broadcast %max3A_273 : f32 to vector<16xf32>
        %max3A_275 = arith.maximumf %add3A_262, %max3A_274 : vector<16xf32>
        %convert_element_type3A_276 = arith.fptosi %max3A_275 : vector<16xf32> to vector<16xi32>
        %sub3A_277 = arith.constant 1 : i32
        %sub3A_278 = vector.broadcast %sub3A_277 : i32 to vector<16xi32>
        %sub3A_279 = arith.subi %gather3A_207, %sub3A_278 : vector<16xi32>
        %min3A_280 = arith.minsi %convert_element_type3A_276, %sub3A_279 : vector<16xi32>
        %add3A_281 = arith.constant 1 : i32
        %add3A_282 = vector.broadcast %add3A_281 : i32 to vector<16xi32>
        %add3A_283 = arith.addi %min3A_280, %add3A_282 : vector<16xi32>
        %sub3A_284 = arith.constant 1 : i32
        %sub3A_285 = vector.broadcast %sub3A_284 : i32 to vector<16xi32>
        %sub3A_286 = arith.subi %gather3A_207, %sub3A_285 : vector<16xi32>
        %min3A_287 = arith.minsi %add3A_283, %sub3A_286 : vector<16xi32>
        %sub3A_288 = arith.constant 1 : i32
        %sub3A_289 = vector.broadcast %sub3A_288 : i32 to vector<16xi32>
        %sub3A_290 = arith.subi %gather3A_207, %sub3A_289 : vector<16xi32>
        %ge3A_291 = arith.cmpi sge, %min3A_280, %sub3A_290 : vector<16xi32>
        %convert_element_type3A_292 = arith.sitofp %min3A_280 : vector<16xi32> to vector<16xf32>
        %select_n3A_293 = arith.select %ge3A_291, %convert_element_type3A_292, %max3A_275 : vector<16xi1>, vector<16xf32>
        %convert_element_type3A_294 = arith.sitofp %min3A_280 : vector<16xi32> to vector<16xf32>
        %sub3A_295 = arith.subf %select_n3A_293, %convert_element_type3A_294 : vector<16xf32>
        %swap3A_296 = arith.constant 0 : i32
        %swap3A_297 = arith.index_cast %swap3A_296 : i32 to index
        %swap3A_298 = arith.constant 0 : index
        %swap3A_299 = tpu.vector_load %arg9[%swap3A_297, %swap3A_298] {strides = array<i32>} : memref<2x16xi32, #tpu.memory_space<vmem>>, vector<16xi32>,
        tpu.vector_store %arg9[%swap3A_297, %swap3A_298], %min3A_280 {strides = array<i32>} : memref<2x16xi32, #tpu.memory_space<vmem>>, vector<16xi32>,
        %swap3A_300 = arith.constant 1 : i32
        %swap3A_301 = arith.index_cast %swap3A_300 : i32 to index
        %swap3A_302 = arith.constant 0 : index
        %swap3A_303 = tpu.vector_load %arg9[%swap3A_301, %swap3A_302] {strides = array<i32>} : memref<2x16xi32, #tpu.memory_space<vmem>>, vector<16xi32>,
        tpu.vector_store %arg9[%swap3A_301, %swap3A_302], %min3A_287 {strides = array<i32>} : memref<2x16xi32, #tpu.memory_space<vmem>>, vector<16xi32>,
        %sub3A_304 = arith.constant 1.000000e+00 : f32
        %sub3A_305 = vector.broadcast %sub3A_304 : f32 to vector<16xf32>
        %sub3A_306 = arith.subf %sub3A_305, %sub3A_295 : vector<16xf32>
        %mul3A_307 = arith.mulf %sub3A_306, %select_n3A_272 : vector<16xf32>
        %swap3A_308 = arith.constant 0 : i32
        %swap3A_309 = arith.index_cast %swap3A_308 : i32 to index
        %swap3A_310 = arith.constant 0 : index
        %swap3A_311 = tpu.vector_load %arg11[%swap3A_309, %swap3A_310] {strides = array<i32>} : memref<2x16xf32, #tpu.memory_space<vmem>>, vector<16xf32>,
        tpu.vector_store %arg11[%swap3A_309, %swap3A_310], %mul3A_307 {strides = array<i32>} : memref<2x16xf32, #tpu.memory_space<vmem>>, vector<16xf32>,
        %mul3A_312 = arith.mulf %sub3A_295, %select_n3A_272 : vector<16xf32>
        %swap3A_313 = arith.constant 1 : i32
        %swap3A_314 = arith.index_cast %swap3A_313 : i32 to index
        %swap3A_315 = arith.constant 0 : index
        %swap3A_316 = tpu.vector_load %arg11[%swap3A_314, %swap3A_315] {strides = array<i32>} : memref<2x16xf32, #tpu.memory_space<vmem>>, vector<16xf32>,
        tpu.vector_store %arg11[%swap3A_314, %swap3A_315], %mul3A_312 {strides = array<i32>} : memref<2x16xf32, #tpu.memory_space<vmem>>, vector<16xf32>,
        %scan3A_317 = arith.constant 0 : i32
        %scan3A_318 = arith.constant 7 : i32
        %scan3A_319 = arith.addi %scan3A_317, %scan3A_318 : i32
        %scan3A_320 = arith.constant 1 : i32
        scf.for %scan3A_323 = %scan3A_317 to %scan3A_319 step %scan3A_320  : i32 {
          %mul3A_324 = arith.constant 2 : i32
          %mul3A_325 = arith.muli %mul3A_324, %scan3A_323 : i32
          %get3A_326 = arith.constant 0 : i32
          %get3A_327 = arith.index_cast %get3A_326 : i32 to index
          %get3A_328 = arith.constant 0 : index
          %get3A_329 = tpu.vector_load %arg8[%get3A_327, %get3A_328] {strides = array<i32>} : memref<2x16xi32, #tpu.memory_space<vmem>>, vector<16xi32>,
          %get3A_330 = arith.constant 1 : i32
          %get3A_331 = arith.index_cast %get3A_330 : i32 to index
          %get3A_332 = arith.constant 0 : index
          %get3A_333 = tpu.vector_load %arg8[%get3A_331, %get3A_332] {strides = array<i32>} : memref<2x16xi32, #tpu.memory_space<vmem>>, vector<16xi32>,
          %add3A_334 = arith.constant 0 : i32
          %add3A_335 = arith.addi %mul3A_325, %add3A_334 : i32
          %broadcast_in_dim3A_336 = arith.constant 0 : i32
          %broadcast_in_dim3A_337 = vector.broadcast %broadcast_in_dim3A_336 : i32 to vector<16xi32>
          %broadcast_in_dim3A_338 = vector.broadcast %add3A_335 : i32 to vector<16xi32>
          %gather3A_339 = tpu.vector_load_idx %arg9[%broadcast_in_dim3A_337, %broadcast_in_dim3A_338] : memref<2x16xi32, #tpu.memory_space<vmem>>[vector<16xi32>, vector<16xi32>], vector<16xi32>,
          %mul3A_340 = arith.muli %gather3A_339, %gather3A_207 : vector<16xi32>
          %add3A_341 = arith.addi %gather3A_203, %mul3A_340 : vector<16xi32>
          %add3A_342 = arith.constant 0 : i32
          %add3A_343 = arith.addi %mul3A_325, %add3A_342 : i32
          %broadcast_in_dim3A_344 = arith.constant 1 : i32
          %broadcast_in_dim3A_345 = vector.broadcast %broadcast_in_dim3A_344 : i32 to vector<16xi32>
          %broadcast_in_dim3A_346 = vector.broadcast %add3A_343 : i32 to vector<16xi32>
          %gather3A_347 = tpu.vector_load_idx %arg9[%broadcast_in_dim3A_345, %broadcast_in_dim3A_346] : memref<2x16xi32, #tpu.memory_space<vmem>>[vector<16xi32>, vector<16xi32>], vector<16xi32>,
          %mul3A_348 = arith.muli %gather3A_347, %gather3A_207 : vector<16xi32>
          %add3A_349 = arith.addi %gather3A_203, %mul3A_348 : vector<16xi32>
          %add3A_350 = arith.addi %add3A_341, %get3A_329 : vector<16xi32>
          %add3A_351 = arith.addi %add3A_341, %get3A_333 : vector<16xi32>
          %add3A_352 = arith.addi %add3A_349, %get3A_329 : vector<16xi32>
          %add3A_353 = arith.addi %add3A_349, %get3A_333 : vector<16xi32>
          %dma_start3A = arith.constant 0 : i32
          %dma_start3A_354 = arith.constant 0 : i32
          %dma_start3A_355 = tpu.memref_slice %arg14[%dma_start3A, %dma_start3A_354] : memref<128x128xi32, #tpu.memory_space<vmem>> -> memref<16x128xi32, #tpu.memory_space<vmem>>
          %dma_start3A_356 = arith.constant 0 : i32
          %dma_start3A_357 = arith.constant 0 : i32
          %dma_start3A_358 = tpu.memref_slice %arg2[%dma_start3A_356, %dma_start3A_357] : memref<43520x128xi32, #tpu.memory_space<hbm>> -> memref<43520x128xi32, #tpu.memory_space<hbm>>
          tpu.enqueue_indirect_dma source(%dma_start3A_358 : memref<43520x128xi32, #tpu.memory_space<hbm>>) target(%dma_start3A_355 : memref<16x128xi32, #tpu.memory_space<vmem>>) offsets(%add3A_350 : vector<16xi32>) semaphore(%arg17 : memref<!tpu.dma_semaphore, #tpu.memory_space<semaphore_mem>>)
          %dma_start3A_359 = arith.constant 16 : i32
          %dma_start3A_360 = arith.constant 0 : i32
          %dma_start3A_361 = tpu.memref_slice %arg14[%dma_start3A_359, %dma_start3A_360] : memref<128x128xi32, #tpu.memory_space<vmem>> -> memref<16x128xi32, #tpu.memory_space<vmem>>
          %dma_start3A_362 = arith.constant 0 : i32
          %dma_start3A_363 = arith.constant 0 : i32
          %dma_start3A_364 = tpu.memref_slice %arg2[%dma_start3A_362, %dma_start3A_363] : memref<43520x128xi32, #tpu.memory_space<hbm>> -> memref<43520x128xi32, #tpu.memory_space<hbm>>
          tpu.enqueue_indirect_dma source(%dma_start3A_364 : memref<43520x128xi32, #tpu.memory_space<hbm>>) target(%dma_start3A_361 : memref<16x128xi32, #tpu.memory_space<vmem>>) offsets(%add3A_351 : vector<16xi32>) semaphore(%arg17 : memref<!tpu.dma_semaphore, #tpu.memory_space<semaphore_mem>>)
          %dma_start3A_365 = arith.constant 32 : i32
          %dma_start3A_366 = arith.constant 0 : i32
          %dma_start3A_367 = tpu.memref_slice %arg14[%dma_start3A_365, %dma_start3A_366] : memref<128x128xi32, #tpu.memory_space<vmem>> -> memref<16x128xi32, #tpu.memory_space<vmem>>
          %dma_start3A_368 = arith.constant 0 : i32
          %dma_start3A_369 = arith.constant 0 : i32
          %dma_start3A_370 = tpu.memref_slice %arg2[%dma_start3A_368, %dma_start3A_369] : memref<43520x128xi32, #tpu.memory_space<hbm>> -> memref<43520x128xi32, #tpu.memory_space<hbm>>
          tpu.enqueue_indirect_dma source(%dma_start3A_370 : memref<43520x128xi32, #tpu.memory_space<hbm>>) target(%dma_start3A_367 : memref<16x128xi32, #tpu.memory_space<vmem>>) offsets(%add3A_352 : vector<16xi32>) semaphore(%arg17 : memref<!tpu.dma_semaphore, #tpu.memory_space<semaphore_mem>>)
          %dma_start3A_371 = arith.constant 48 : i32
          %dma_start3A_372 = arith.constant 0 : i32
          %dma_start3A_373 = tpu.memref_slice %arg14[%dma_start3A_371, %dma_start3A_372] : memref<128x128xi32, #tpu.memory_space<vmem>> -> memref<16x128xi32, #tpu.memory_space<vmem>>
          %dma_start3A_374 = arith.constant 0 : i32
          %dma_start3A_375 = arith.constant 0 : i32
          %dma_start3A_376 = tpu.memref_slice %arg2[%dma_start3A_374, %dma_start3A_375] : memref<43520x128xi32, #tpu.memory_space<hbm>> -> memref<43520x128xi32, #tpu.memory_space<hbm>>
          tpu.enqueue_indirect_dma source(%dma_start3A_376 : memref<43520x128xi32, #tpu.memory_space<hbm>>) target(%dma_start3A_373 : memref<16x128xi32, #tpu.memory_space<vmem>>) offsets(%add3A_353 : vector<16xi32>) semaphore(%arg17 : memref<!tpu.dma_semaphore, #tpu.memory_space<semaphore_mem>>)
          %add3A_377 = arith.constant 1 : i32
          %add3A_378 = arith.addi %mul3A_325, %add3A_377 : i32
          %broadcast_in_dim3A_379 = arith.constant 0 : i32
          %broadcast_in_dim3A_380 = vector.broadcast %broadcast_in_dim3A_379 : i32 to vector<16xi32>
          %broadcast_in_dim3A_381 = vector.broadcast %add3A_378 : i32 to vector<16xi32>
          %gather3A_382 = tpu.vector_load_idx %arg9[%broadcast_in_dim3A_380, %broadcast_in_dim3A_381] : memref<2x16xi32, #tpu.memory_space<vmem>>[vector<16xi32>, vector<16xi32>], vector<16xi32>,
          %mul3A_383 = arith.muli %gather3A_382, %gather3A_207 : vector<16xi32>
          %add3A_384 = arith.addi %gather3A_203, %mul3A_383 : vector<16xi32>
          %add3A_385 = arith.constant 1 : i32
          %add3A_386 = arith.addi %mul3A_325, %add3A_385 : i32
          %broadcast_in_dim3A_387 = arith.constant 1 : i32
          %broadcast_in_dim3A_388 = vector.broadcast %broadcast_in_dim3A_387 : i32 to vector<16xi32>
          %broadcast_in_dim3A_389 = vector.broadcast %add3A_386 : i32 to vector<16xi32>
          %gather3A_390 = tpu.vector_load_idx %arg9[%broadcast_in_dim3A_388, %broadcast_in_dim3A_389] : memref<2x16xi32, #tpu.memory_space<vmem>>[vector<16xi32>, vector<16xi32>], vector<16xi32>,
          %mul3A_391 = arith.muli %gather3A_390, %gather3A_207 : vector<16xi32>
          %add3A_392 = arith.addi %gather3A_203, %mul3A_391 : vector<16xi32>
          %add3A_393 = arith.addi %add3A_384, %get3A_329 : vector<16xi32>
          %add3A_394 = arith.addi %add3A_384, %get3A_333 : vector<16xi32>
          %add3A_395 = arith.addi %add3A_392, %get3A_329 : vector<16xi32>
          %add3A_396 = arith.addi %add3A_392, %get3A_333 : vector<16xi32>
          %dma_start3A_397 = arith.constant 64 : i32
          %dma_start3A_398 = arith.constant 0 : i32
          %dma_start3A_399 = tpu.memref_slice %arg14[%dma_start3A_397, %dma_start3A_398] : memref<128x128xi32, #tpu.memory_space<vmem>> -> memref<16x128xi32, #tpu.memory_space<vmem>>
          %dma_start3A_400 = arith.constant 0 : i32
          %dma_start3A_401 = arith.constant 0 : i32
          %dma_start3A_402 = tpu.memref_slice %arg2[%dma_start3A_400, %dma_start3A_401] : memref<43520x128xi32, #tpu.memory_space<hbm>> -> memref<43520x128xi32, #tpu.memory_space<hbm>>
          tpu.enqueue_indirect_dma source(%dma_start3A_402 : memref<43520x128xi32, #tpu.memory_space<hbm>>) target(%dma_start3A_399 : memref<16x128xi32, #tpu.memory_space<vmem>>) offsets(%add3A_393 : vector<16xi32>) semaphore(%arg17 : memref<!tpu.dma_semaphore, #tpu.memory_space<semaphore_mem>>)
          %dma_start3A_403 = arith.constant 80 : i32
          %dma_start3A_404 = arith.constant 0 : i32
          %dma_start3A_405 = tpu.memref_slice %arg14[%dma_start3A_403, %dma_start3A_404] : memref<128x128xi32, #tpu.memory_space<vmem>> -> memref<16x128xi32, #tpu.memory_space<vmem>>
          %dma_start3A_406 = arith.constant 0 : i32
          %dma_start3A_407 = arith.constant 0 : i32
          %dma_start3A_408 = tpu.memref_slice %arg2[%dma_start3A_406, %dma_start3A_407] : memref<43520x128xi32, #tpu.memory_space<hbm>> -> memref<43520x128xi32, #tpu.memory_space<hbm>>
          tpu.enqueue_indirect_dma source(%dma_start3A_408 : memref<43520x128xi32, #tpu.memory_space<hbm>>) target(%dma_start3A_405 : memref<16x128xi32, #tpu.memory_space<vmem>>) offsets(%add3A_394 : vector<16xi32>) semaphore(%arg17 : memref<!tpu.dma_semaphore, #tpu.memory_space<semaphore_mem>>)
          %dma_start3A_409 = arith.constant 96 : i32
          %dma_start3A_410 = arith.constant 0 : i32
          %dma_start3A_411 = tpu.memref_slice %arg14[%dma_start3A_409, %dma_start3A_410] : memref<128x128xi32, #tpu.memory_space<vmem>> -> memref<16x128xi32, #tpu.memory_space<vmem>>
          %dma_start3A_412 = arith.constant 0 : i32
          %dma_start3A_413 = arith.constant 0 : i32
          %dma_start3A_414 = tpu.memref_slice %arg2[%dma_start3A_412, %dma_start3A_413] : memref<43520x128xi32, #tpu.memory_space<hbm>> -> memref<43520x128xi32, #tpu.memory_space<hbm>>
          tpu.enqueue_indirect_dma source(%dma_start3A_414 : memref<43520x128xi32, #tpu.memory_space<hbm>>) target(%dma_start3A_411 : memref<16x128xi32, #tpu.memory_space<vmem>>) offsets(%add3A_395 : vector<16xi32>) semaphore(%arg17 : memref<!tpu.dma_semaphore, #tpu.memory_space<semaphore_mem>>)
          %dma_start3A_415 = arith.constant 112 : i32
          %dma_start3A_416 = arith.constant 0 : i32
          %dma_start3A_417 = tpu.memref_slice %arg14[%dma_start3A_415, %dma_start3A_416] : memref<128x128xi32, #tpu.memory_space<vmem>> -> memref<16x128xi32, #tpu.memory_space<vmem>>
          %dma_start3A_418 = arith.constant 0 : i32
          %dma_start3A_419 = arith.constant 0 : i32
          %dma_start3A_420 = tpu.memref_slice %arg2[%dma_start3A_418, %dma_start3A_419] : memref<43520x128xi32, #tpu.memory_space<hbm>> -> memref<43520x128xi32, #tpu.memory_space<hbm>>
          tpu.enqueue_indirect_dma source(%dma_start3A_420 : memref<43520x128xi32, #tpu.memory_space<hbm>>) target(%dma_start3A_417 : memref<16x128xi32, #tpu.memory_space<vmem>>) offsets(%add3A_396 : vector<16xi32>) semaphore(%arg17 : memref<!tpu.dma_semaphore, #tpu.memory_space<semaphore_mem>>)
          %dma_wait3A = arith.constant 0 : i32
          %dma_wait3A_421 = arith.constant 0 : i32
          %dma_wait3A_422 = tpu.memref_slice %arg14[%dma_wait3A, %dma_wait3A_421] : memref<128x128xi32, #tpu.memory_space<vmem>> -> memref<16x128xi32, #tpu.memory_space<vmem>>
          %dma_wait3A_423 = arith.constant 0 : i32
          %dma_wait3A_424 = arith.constant 0 : i32
          %dma_wait3A_425 = tpu.memref_slice %arg2[%dma_wait3A_423, %dma_wait3A_424] : memref<43520x128xi32, #tpu.memory_space<hbm>> -> memref<43520x128xi32, #tpu.memory_space<hbm>>
          tpu.wait_indirect_dma semaphore(%arg17 : memref<!tpu.dma_semaphore, #tpu.memory_space<semaphore_mem>>) src(%dma_wait3A_425 : memref<43520x128xi32, #tpu.memory_space<hbm>>) dst(%dma_wait3A_422 : memref<16x128xi32, #tpu.memory_space<vmem>>)
          %dma_wait3A_426 = arith.constant 16 : i32
          %dma_wait3A_427 = arith.constant 0 : i32
          %dma_wait3A_428 = tpu.memref_slice %arg14[%dma_wait3A_426, %dma_wait3A_427] : memref<128x128xi32, #tpu.memory_space<vmem>> -> memref<16x128xi32, #tpu.memory_space<vmem>>
          %dma_wait3A_429 = arith.constant 0 : i32
          %dma_wait3A_430 = arith.constant 0 : i32
          %dma_wait3A_431 = tpu.memref_slice %arg2[%dma_wait3A_429, %dma_wait3A_430] : memref<43520x128xi32, #tpu.memory_space<hbm>> -> memref<43520x128xi32, #tpu.memory_space<hbm>>
          tpu.wait_indirect_dma semaphore(%arg17 : memref<!tpu.dma_semaphore, #tpu.memory_space<semaphore_mem>>) src(%dma_wait3A_431 : memref<43520x128xi32, #tpu.memory_space<hbm>>) dst(%dma_wait3A_428 : memref<16x128xi32, #tpu.memory_space<vmem>>)
          %dma_wait3A_432 = arith.constant 32 : i32
          %dma_wait3A_433 = arith.constant 0 : i32
          %dma_wait3A_434 = tpu.memref_slice %arg14[%dma_wait3A_432, %dma_wait3A_433] : memref<128x128xi32, #tpu.memory_space<vmem>> -> memref<16x128xi32, #tpu.memory_space<vmem>>
          %dma_wait3A_435 = arith.constant 0 : i32
          %dma_wait3A_436 = arith.constant 0 : i32
          %dma_wait3A_437 = tpu.memref_slice %arg2[%dma_wait3A_435, %dma_wait3A_436] : memref<43520x128xi32, #tpu.memory_space<hbm>> -> memref<43520x128xi32, #tpu.memory_space<hbm>>
          tpu.wait_indirect_dma semaphore(%arg17 : memref<!tpu.dma_semaphore, #tpu.memory_space<semaphore_mem>>) src(%dma_wait3A_437 : memref<43520x128xi32, #tpu.memory_space<hbm>>) dst(%dma_wait3A_434 : memref<16x128xi32, #tpu.memory_space<vmem>>)
          %dma_wait3A_438 = arith.constant 48 : i32
          %dma_wait3A_439 = arith.constant 0 : i32
          %dma_wait3A_440 = tpu.memref_slice %arg14[%dma_wait3A_438, %dma_wait3A_439] : memref<128x128xi32, #tpu.memory_space<vmem>> -> memref<16x128xi32, #tpu.memory_space<vmem>>
          %dma_wait3A_441 = arith.constant 0 : i32
          %dma_wait3A_442 = arith.constant 0 : i32
          %dma_wait3A_443 = tpu.memref_slice %arg2[%dma_wait3A_441, %dma_wait3A_442] : memref<43520x128xi32, #tpu.memory_space<hbm>> -> memref<43520x128xi32, #tpu.memory_space<hbm>>
          tpu.wait_indirect_dma semaphore(%arg17 : memref<!tpu.dma_semaphore, #tpu.memory_space<semaphore_mem>>) src(%dma_wait3A_443 : memref<43520x128xi32, #tpu.memory_space<hbm>>) dst(%dma_wait3A_440 : memref<16x128xi32, #tpu.memory_space<vmem>>)
          %dma_wait3A_444 = arith.constant 64 : i32
          %dma_wait3A_445 = arith.constant 0 : i32
          %dma_wait3A_446 = tpu.memref_slice %arg14[%dma_wait3A_444, %dma_wait3A_445] : memref<128x128xi32, #tpu.memory_space<vmem>> -> memref<16x128xi32, #tpu.memory_space<vmem>>
          %dma_wait3A_447 = arith.constant 0 : i32
          %dma_wait3A_448 = arith.constant 0 : i32
          %dma_wait3A_449 = tpu.memref_slice %arg2[%dma_wait3A_447, %dma_wait3A_448] : memref<43520x128xi32, #tpu.memory_space<hbm>> -> memref<43520x128xi32, #tpu.memory_space<hbm>>
          tpu.wait_indirect_dma semaphore(%arg17 : memref<!tpu.dma_semaphore, #tpu.memory_space<semaphore_mem>>) src(%dma_wait3A_449 : memref<43520x128xi32, #tpu.memory_space<hbm>>) dst(%dma_wait3A_446 : memref<16x128xi32, #tpu.memory_space<vmem>>)
          %dma_wait3A_450 = arith.constant 80 : i32
          %dma_wait3A_451 = arith.constant 0 : i32
          %dma_wait3A_452 = tpu.memref_slice %arg14[%dma_wait3A_450, %dma_wait3A_451] : memref<128x128xi32, #tpu.memory_space<vmem>> -> memref<16x128xi32, #tpu.memory_space<vmem>>
          %dma_wait3A_453 = arith.constant 0 : i32
          %dma_wait3A_454 = arith.constant 0 : i32
          %dma_wait3A_455 = tpu.memref_slice %arg2[%dma_wait3A_453, %dma_wait3A_454] : memref<43520x128xi32, #tpu.memory_space<hbm>> -> memref<43520x128xi32, #tpu.memory_space<hbm>>
          tpu.wait_indirect_dma semaphore(%arg17 : memref<!tpu.dma_semaphore, #tpu.memory_space<semaphore_mem>>) src(%dma_wait3A_455 : memref<43520x128xi32, #tpu.memory_space<hbm>>) dst(%dma_wait3A_452 : memref<16x128xi32, #tpu.memory_space<vmem>>)
          %dma_wait3A_456 = arith.constant 96 : i32
          %dma_wait3A_457 = arith.constant 0 : i32
          %dma_wait3A_458 = tpu.memref_slice %arg14[%dma_wait3A_456, %dma_wait3A_457] : memref<128x128xi32, #tpu.memory_space<vmem>> -> memref<16x128xi32, #tpu.memory_space<vmem>>
          %dma_wait3A_459 = arith.constant 0 : i32
          %dma_wait3A_460 = arith.constant 0 : i32
          %dma_wait3A_461 = tpu.memref_slice %arg2[%dma_wait3A_459, %dma_wait3A_460] : memref<43520x128xi32, #tpu.memory_space<hbm>> -> memref<43520x128xi32, #tpu.memory_space<hbm>>
          tpu.wait_indirect_dma semaphore(%arg17 : memref<!tpu.dma_semaphore, #tpu.memory_space<semaphore_mem>>) src(%dma_wait3A_461 : memref<43520x128xi32, #tpu.memory_space<hbm>>) dst(%dma_wait3A_458 : memref<16x128xi32, #tpu.memory_space<vmem>>)
          %dma_wait3A_462 = arith.constant 112 : i32
          %dma_wait3A_463 = arith.constant 0 : i32
          %dma_wait3A_464 = tpu.memref_slice %arg14[%dma_wait3A_462, %dma_wait3A_463] : memref<128x128xi32, #tpu.memory_space<vmem>> -> memref<16x128xi32, #tpu.memory_space<vmem>>
          %dma_wait3A_465 = arith.constant 0 : i32
          %dma_wait3A_466 = arith.constant 0 : i32
          %dma_wait3A_467 = tpu.memref_slice %arg2[%dma_wait3A_465, %dma_wait3A_466] : memref<43520x128xi32, #tpu.memory_space<hbm>> -> memref<43520x128xi32, #tpu.memory_space<hbm>>
          tpu.wait_indirect_dma semaphore(%arg17 : memref<!tpu.dma_semaphore, #tpu.memory_space<semaphore_mem>>) src(%dma_wait3A_467 : memref<43520x128xi32, #tpu.memory_space<hbm>>) dst(%dma_wait3A_464 : memref<16x128xi32, #tpu.memory_space<vmem>>)
          %mul3A_468 = arith.constant 2 : i32
          %mul3A_469 = arith.muli %mul3A_468, %scan3A_323 : i32
          %add3A_470 = arith.constant 0 : i32
          %add3A_471 = arith.addi %mul3A_469, %add3A_470 : i32
          %broadcast_in_dim3A_472 = arith.constant 0 : i32
          %broadcast_in_dim3A_473 = vector.broadcast %broadcast_in_dim3A_472 : i32 to vector<16xi32>
          %broadcast_in_dim3A_474 = vector.broadcast %add3A_471 : i32 to vector<16xi32>
          %gather3A_475 = tpu.vector_load_idx %arg11[%broadcast_in_dim3A_473, %broadcast_in_dim3A_474] : memref<2x16xf32, #tpu.memory_space<vmem>>[vector<16xi32>, vector<16xi32>], vector<16xf32>,
          %add3A_476 = arith.constant 0 : i32
          %add3A_477 = arith.addi %mul3A_469, %add3A_476 : i32
          %broadcast_in_dim3A_478 = arith.constant 1 : i32
          %broadcast_in_dim3A_479 = vector.broadcast %broadcast_in_dim3A_478 : i32 to vector<16xi32>
          %broadcast_in_dim3A_480 = vector.broadcast %add3A_477 : i32 to vector<16xi32>
          %gather3A_481 = tpu.vector_load_idx %arg11[%broadcast_in_dim3A_479, %broadcast_in_dim3A_480] : memref<2x16xf32, #tpu.memory_space<vmem>>[vector<16xi32>, vector<16xi32>], vector<16xf32>,
          %add3A_482 = arith.constant 1 : i32
          %add3A_483 = arith.addi %mul3A_469, %add3A_482 : i32
          %broadcast_in_dim3A_484 = arith.constant 0 : i32
          %broadcast_in_dim3A_485 = vector.broadcast %broadcast_in_dim3A_484 : i32 to vector<16xi32>
          %broadcast_in_dim3A_486 = vector.broadcast %add3A_483 : i32 to vector<16xi32>
          %gather3A_487 = tpu.vector_load_idx %arg11[%broadcast_in_dim3A_485, %broadcast_in_dim3A_486] : memref<2x16xf32, #tpu.memory_space<vmem>>[vector<16xi32>, vector<16xi32>], vector<16xf32>,
          %add3A_488 = arith.constant 1 : i32
          %add3A_489 = arith.addi %mul3A_469, %add3A_488 : i32
          %broadcast_in_dim3A_490 = arith.constant 1 : i32
          %broadcast_in_dim3A_491 = vector.broadcast %broadcast_in_dim3A_490 : i32 to vector<16xi32>
          %broadcast_in_dim3A_492 = vector.broadcast %add3A_489 : i32 to vector<16xi32>
          %gather3A_493 = tpu.vector_load_idx %arg11[%broadcast_in_dim3A_491, %broadcast_in_dim3A_492] : memref<2x16xf32, #tpu.memory_space<vmem>>[vector<16xi32>, vector<16xi32>], vector<16xf32>,
          %scan3A_494 = arith.constant 0 : i32
          %scan3A_495 = arith.constant 7 : i32
          %scan3A_496 = arith.addi %scan3A_494, %scan3A_495 : i32
          %scan3A_497 = arith.constant 1 : i32
          scf.for %scan3A_499 = %scan3A_494 to %scan3A_496 step %scan3A_497  : i32 {
            %mul3A_500 = arith.constant 2 : i32
            %mul3A_501 = arith.muli %mul3A_500, %scan3A_499 : i32
            %add3A_502 = arith.constant 0 : i32
            %add3A_503 = arith.addi %mul3A_501, %add3A_502 : i32
            %broadcast_in_dim3A_504 = arith.constant 0 : i32
            %broadcast_in_dim3A_505 = vector.broadcast %broadcast_in_dim3A_504 : i32 to vector<16xi32>
            %broadcast_in_dim3A_506 = vector.broadcast %add3A_503 : i32 to vector<16xi32>
            %gather3A_507 = tpu.vector_load_idx %arg10[%broadcast_in_dim3A_505, %broadcast_in_dim3A_506] : memref<2x16xf32, #tpu.memory_space<vmem>>[vector<16xi32>, vector<16xi32>], vector<16xf32>,
            %pack3A = tpu.pack_subelements %gather3A_507, %gather3A_507 {pack_format = #tpu.pack_format<interleaved>, positions = array<i32: 0, 1>} : vector<16xf32>, vector<16xf32> -> vector<32xbf16>
            %add3A_508 = arith.constant 0 : i32
            %add3A_509 = arith.addi %mul3A_501, %add3A_508 : i32
            %broadcast_in_dim3A_510 = arith.constant 1 : i32
            %broadcast_in_dim3A_511 = vector.broadcast %broadcast_in_dim3A_510 : i32 to vector<16xi32>
            %broadcast_in_dim3A_512 = vector.broadcast %add3A_509 : i32 to vector<16xi32>
            %gather3A_513 = tpu.vector_load_idx %arg10[%broadcast_in_dim3A_511, %broadcast_in_dim3A_512] : memref<2x16xf32, #tpu.memory_space<vmem>>[vector<16xi32>, vector<16xi32>], vector<16xf32>,
            %pack3A_514 = tpu.pack_subelements %gather3A_513, %gather3A_513 {pack_format = #tpu.pack_format<interleaved>, positions = array<i32: 0, 1>} : vector<16xf32>, vector<16xf32> -> vector<32xbf16>
            %add3A_515 = arith.constant 1 : i32
            %add3A_516 = arith.addi %mul3A_501, %add3A_515 : i32
            %broadcast_in_dim3A_517 = arith.constant 0 : i32
            %broadcast_in_dim3A_518 = vector.broadcast %broadcast_in_dim3A_517 : i32 to vector<16xi32>
            %broadcast_in_dim3A_519 = vector.broadcast %add3A_516 : i32 to vector<16xi32>
            %gather3A_520 = tpu.vector_load_idx %arg10[%broadcast_in_dim3A_518, %broadcast_in_dim3A_519] : memref<2x16xf32, #tpu.memory_space<vmem>>[vector<16xi32>, vector<16xi32>], vector<16xf32>,
            %pack3A_521 = tpu.pack_subelements %gather3A_520, %gather3A_520 {pack_format = #tpu.pack_format<interleaved>, positions = array<i32: 0, 1>} : vector<16xf32>, vector<16xf32> -> vector<32xbf16>
            %add3A_522 = arith.constant 1 : i32
            %add3A_523 = arith.addi %mul3A_501, %add3A_522 : i32
            %broadcast_in_dim3A_524 = arith.constant 1 : i32
            %broadcast_in_dim3A_525 = vector.broadcast %broadcast_in_dim3A_524 : i32 to vector<16xi32>
            %broadcast_in_dim3A_526 = vector.broadcast %add3A_523 : i32 to vector<16xi32>
            %gather3A_527 = tpu.vector_load_idx %arg10[%broadcast_in_dim3A_525, %broadcast_in_dim3A_526] : memref<2x16xf32, #tpu.memory_space<vmem>>[vector<16xi32>, vector<16xi32>], vector<16xf32>,
            %pack3A_528 = tpu.pack_subelements %gather3A_527, %gather3A_527 {pack_format = #tpu.pack_format<interleaved>, positions = array<i32: 0, 1>} : vector<16xf32>, vector<16xf32> -> vector<32xbf16>
            %mul3A_529 = arith.constant 7 : i32
            %mul3A_530 = arith.muli %scan3A_323, %mul3A_529 : i32
            %add3A_531 = arith.addi %mul3A_530, %scan3A_499 : i32
            %add3A_532 = arith.constant 0 : i32
            %add3A_533 = arith.addi %add3A_532, %mul3A_501 : i32
            %add3A_534 = arith.constant 0 : i32
            %add3A_535 = arith.addi %add3A_533, %add3A_534 : i32
            %get3A_536 = arith.index_cast %add3A_535 : i32 to index
            %get3A_537 = arith.constant 0 : index
            %get3A_538 = tpu.vector_load %arg14[%get3A_536, %get3A_537] {strides = array<i32>} : memref<128x128xi32, #tpu.memory_space<vmem>>, vector<16xi32>,
            %bitcast3A = vector.bitcast %get3A_538 : vector<16xi32> to vector<32xbf16>
            %mul3A_539 = arith.mulf %bitcast3A, %pack3A : vector<32xbf16>
            %add3A_540 = arith.constant 16 : i32
            %add3A_541 = arith.addi %add3A_540, %mul3A_501 : i32
            %add3A_542 = arith.constant 0 : i32
            %add3A_543 = arith.addi %add3A_541, %add3A_542 : i32
            %get3A_544 = arith.index_cast %add3A_543 : i32 to index
            %get3A_545 = arith.constant 0 : index
            %get3A_546 = tpu.vector_load %arg14[%get3A_544, %get3A_545] {strides = array<i32>} : memref<128x128xi32, #tpu.memory_space<vmem>>, vector<16xi32>,
            %bitcast3A_547 = vector.bitcast %get3A_546 : vector<16xi32> to vector<32xbf16>
            %mul3A_548 = arith.mulf %bitcast3A_547, %pack3A_514 : vector<32xbf16>
            %add3A_549 = arith.addf %mul3A_539, %mul3A_548 : vector<32xbf16>
            %add3A_550 = arith.constant 0 : i32
            %add3A_551 = arith.addi %add3A_550, %mul3A_501 : i32
            %add3A_552 = arith.constant 1 : i32
            %add3A_553 = arith.addi %add3A_551, %add3A_552 : i32
            %get3A_554 = arith.index_cast %add3A_553 : i32 to index
            %get3A_555 = arith.constant 0 : index
            %get3A_556 = tpu.vector_load %arg14[%get3A_554, %get3A_555] {strides = array<i32>} : memref<128x128xi32, #tpu.memory_space<vmem>>, vector<16xi32>,
            %bitcast3A_557 = vector.bitcast %get3A_556 : vector<16xi32> to vector<32xbf16>
            %mul3A_558 = arith.mulf %bitcast3A_557, %pack3A_521 : vector<32xbf16>
            %add3A_559 = arith.addf %add3A_549, %mul3A_558 : vector<32xbf16>
            %add3A_560 = arith.constant 16 : i32
            %add3A_561 = arith.addi %add3A_560, %mul3A_501 : i32
            %add3A_562 = arith.constant 1 : i32
            %add3A_563 = arith.addi %add3A_561, %add3A_562 : i32
            %get3A_564 = arith.index_cast %add3A_563 : i32 to index
            %get3A_565 = arith.constant 0 : index
            %get3A_566 = tpu.vector_load %arg14[%get3A_564, %get3A_565] {strides = array<i32>} : memref<128x128xi32, #tpu.memory_space<vmem>>, vector<16xi32>,
            %bitcast3A_567 = vector.bitcast %get3A_566 : vector<16xi32> to vector<32xbf16>
            %mul3A_568 = arith.mulf %bitcast3A_567, %pack3A_528 : vector<32xbf16>
            %add3A_569 = arith.addf %add3A_559, %mul3A_568 : vector<32xbf16>
            %unpack3A = tpu.unpack_subelements %add3A_569, 0 {pack_format = #tpu.pack_format<interleaved>} : vector<32xbf16> -> vector<16xf32>
            %unpack3A_570 = tpu.unpack_subelements %add3A_569, 1 {pack_format = #tpu.pack_format<interleaved>} : vector<32xbf16> -> vector<16xf32>
            %mul3A_571 = arith.mulf %unpack3A, %gather3A_475 : vector<16xf32>
            %mul3A_572 = arith.mulf %unpack3A_570, %gather3A_475 : vector<16xf32>
            %add3A_573 = arith.constant 32 : i32
            %add3A_574 = arith.addi %add3A_573, %mul3A_501 : i32
            %add3A_575 = arith.constant 0 : i32
            %add3A_576 = arith.addi %add3A_574, %add3A_575 : i32
            %get3A_577 = arith.index_cast %add3A_576 : i32 to index
            %get3A_578 = arith.constant 0 : index
            %get3A_579 = tpu.vector_load %arg14[%get3A_577, %get3A_578] {strides = array<i32>} : memref<128x128xi32, #tpu.memory_space<vmem>>, vector<16xi32>,
            %bitcast3A_580 = vector.bitcast %get3A_579 : vector<16xi32> to vector<32xbf16>
            %mul3A_581 = arith.mulf %bitcast3A_580, %pack3A : vector<32xbf16>
            %add3A_582 = arith.constant 48 : i32
            %add3A_583 = arith.addi %add3A_582, %mul3A_501 : i32
            %add3A_584 = arith.constant 0 : i32
            %add3A_585 = arith.addi %add3A_583, %add3A_584 : i32
            %get3A_586 = arith.index_cast %add3A_585 : i32 to index
            %get3A_587 = arith.constant 0 : index
            %get3A_588 = tpu.vector_load %arg14[%get3A_586, %get3A_587] {strides = array<i32>} : memref<128x128xi32, #tpu.memory_space<vmem>>, vector<16xi32>,
            %bitcast3A_589 = vector.bitcast %get3A_588 : vector<16xi32> to vector<32xbf16>
            %mul3A_590 = arith.mulf %bitcast3A_589, %pack3A_514 : vector<32xbf16>
            %add3A_591 = arith.addf %mul3A_581, %mul3A_590 : vector<32xbf16>
            %add3A_592 = arith.constant 32 : i32
            %add3A_593 = arith.addi %add3A_592, %mul3A_501 : i32
            %add3A_594 = arith.constant 1 : i32
            %add3A_595 = arith.addi %add3A_593, %add3A_594 : i32
            %get3A_596 = arith.index_cast %add3A_595 : i32 to index
            %get3A_597 = arith.constant 0 : index
            %get3A_598 = tpu.vector_load %arg14[%get3A_596, %get3A_597] {strides = array<i32>} : memref<128x128xi32, #tpu.memory_space<vmem>>, vector<16xi32>,
            %bitcast3A_599 = vector.bitcast %get3A_598 : vector<16xi32> to vector<32xbf16>
            %mul3A_600 = arith.mulf %bitcast3A_599, %pack3A_521 : vector<32xbf16>
            %add3A_601 = arith.addf %add3A_591, %mul3A_600 : vector<32xbf16>
            %add3A_602 = arith.constant 48 : i32
            %add3A_603 = arith.addi %add3A_602, %mul3A_501 : i32
            %add3A_604 = arith.constant 1 : i32
            %add3A_605 = arith.addi %add3A_603, %add3A_604 : i32
            %get3A_606 = arith.index_cast %add3A_605 : i32 to index
            %get3A_607 = arith.constant 0 : index
            %get3A_608 = tpu.vector_load %arg14[%get3A_606, %get3A_607] {strides = array<i32>} : memref<128x128xi32, #tpu.memory_space<vmem>>, vector<16xi32>,
            %bitcast3A_609 = vector.bitcast %get3A_608 : vector<16xi32> to vector<32xbf16>
            %mul3A_610 = arith.mulf %bitcast3A_609, %pack3A_528 : vector<32xbf16>
            %add3A_611 = arith.addf %add3A_601, %mul3A_610 : vector<32xbf16>
            %unpack3A_612 = tpu.unpack_subelements %add3A_611, 0 {pack_format = #tpu.pack_format<interleaved>} : vector<32xbf16> -> vector<16xf32>
            %unpack3A_613 = tpu.unpack_subelements %add3A_611, 1 {pack_format = #tpu.pack_format<interleaved>} : vector<32xbf16> -> vector<16xf32>
            %mul3A_614 = arith.mulf %unpack3A_612, %gather3A_481 : vector<16xf32>
            %mul3A_615 = arith.mulf %unpack3A_613, %gather3A_481 : vector<16xf32>
            %add3A_616 = arith.addf %mul3A_571, %mul3A_614 : vector<16xf32>
            %add3A_617 = arith.addf %mul3A_572, %mul3A_615 : vector<16xf32>
            %add3A_618 = arith.constant 64 : i32
            %add3A_619 = arith.addi %add3A_618, %mul3A_501 : i32
            %add3A_620 = arith.constant 0 : i32
            %add3A_621 = arith.addi %add3A_619, %add3A_620 : i32
            %get3A_622 = arith.index_cast %add3A_621 : i32 to index
            %get3A_623 = arith.constant 0 : index
            %get3A_624 = tpu.vector_load %arg14[%get3A_622, %get3A_623] {strides = array<i32>} : memref<128x128xi32, #tpu.memory_space<vmem>>, vector<16xi32>,
            %bitcast3A_625 = vector.bitcast %get3A_624 : vector<16xi32> to vector<32xbf16>
            %mul3A_626 = arith.mulf %bitcast3A_625, %pack3A : vector<32xbf16>
            %add3A_627 = arith.constant 80 : i32
            %add3A_628 = arith.addi %add3A_627, %mul3A_501 : i32
            %add3A_629 = arith.constant 0 : i32
            %add3A_630 = arith.addi %add3A_628, %add3A_629 : i32
            %get3A_631 = arith.index_cast %add3A_630 : i32 to index
            %get3A_632 = arith.constant 0 : index
            %get3A_633 = tpu.vector_load %arg14[%get3A_631, %get3A_632] {strides = array<i32>} : memref<128x128xi32, #tpu.memory_space<vmem>>, vector<16xi32>,
            %bitcast3A_634 = vector.bitcast %get3A_633 : vector<16xi32> to vector<32xbf16>
            %mul3A_635 = arith.mulf %bitcast3A_634, %pack3A_514 : vector<32xbf16>
            %add3A_636 = arith.addf %mul3A_626, %mul3A_635 : vector<32xbf16>
            %add3A_637 = arith.constant 64 : i32
            %add3A_638 = arith.addi %add3A_637, %mul3A_501 : i32
            %add3A_639 = arith.constant 1 : i32
            %add3A_640 = arith.addi %add3A_638, %add3A_639 : i32
            %get3A_641 = arith.index_cast %add3A_640 : i32 to index
            %get3A_642 = arith.constant 0 : index
            %get3A_643 = tpu.vector_load %arg14[%get3A_641, %get3A_642] {strides = array<i32>} : memref<128x128xi32, #tpu.memory_space<vmem>>, vector<16xi32>,
            %bitcast3A_644 = vector.bitcast %get3A_643 : vector<16xi32> to vector<32xbf16>
            %mul3A_645 = arith.mulf %bitcast3A_644, %pack3A_521 : vector<32xbf16>
            %add3A_646 = arith.addf %add3A_636, %mul3A_645 : vector<32xbf16>
            %add3A_647 = arith.constant 80 : i32
            %add3A_648 = arith.addi %add3A_647, %mul3A_501 : i32
            %add3A_649 = arith.constant 1 : i32
            %add3A_650 = arith.addi %add3A_648, %add3A_649 : i32
            %get3A_651 = arith.index_cast %add3A_650 : i32 to index
            %get3A_652 = arith.constant 0 : index
            %get3A_653 = tpu.vector_load %arg14[%get3A_651, %get3A_652] {strides = array<i32>} : memref<128x128xi32, #tpu.memory_space<vmem>>, vector<16xi32>,
            %bitcast3A_654 = vector.bitcast %get3A_653 : vector<16xi32> to vector<32xbf16>
            %mul3A_655 = arith.mulf %bitcast3A_654, %pack3A_528 : vector<32xbf16>
            %add3A_656 = arith.addf %add3A_646, %mul3A_655 : vector<32xbf16>
            %unpack3A_657 = tpu.unpack_subelements %add3A_656, 0 {pack_format = #tpu.pack_format<interleaved>} : vector<32xbf16> -> vector<16xf32>
            %unpack3A_658 = tpu.unpack_subelements %add3A_656, 1 {pack_format = #tpu.pack_format<interleaved>} : vector<32xbf16> -> vector<16xf32>
            %mul3A_659 = arith.mulf %unpack3A_657, %gather3A_487 : vector<16xf32>
            %mul3A_660 = arith.mulf %unpack3A_658, %gather3A_487 : vector<16xf32>
            %add3A_661 = arith.addf %add3A_616, %mul3A_659 : vector<16xf32>
            %add3A_662 = arith.addf %add3A_617, %mul3A_660 : vector<16xf32>
            %add3A_663 = arith.constant 96 : i32
            %add3A_664 = arith.addi %add3A_663, %mul3A_501 : i32
            %add3A_665 = arith.constant 0 : i32
            %add3A_666 = arith.addi %add3A_664, %add3A_665 : i32
            %get3A_667 = arith.index_cast %add3A_666 : i32 to index
            %get3A_668 = arith.constant 0 : index
            %get3A_669 = tpu.vector_load %arg14[%get3A_667, %get3A_668] {strides = array<i32>} : memref<128x128xi32, #tpu.memory_space<vmem>>, vector<16xi32>,
            %bitcast3A_670 = vector.bitcast %get3A_669 : vector<16xi32> to vector<32xbf16>
            %mul3A_671 = arith.mulf %bitcast3A_670, %pack3A : vector<32xbf16>
            %add3A_672 = arith.constant 112 : i32
            %add3A_673 = arith.addi %add3A_672, %mul3A_501 : i32
            %add3A_674 = arith.constant 0 : i32
            %add3A_675 = arith.addi %add3A_673, %add3A_674 : i32
            %get3A_676 = arith.index_cast %add3A_675 : i32 to index
            %get3A_677 = arith.constant 0 : index
            %get3A_678 = tpu.vector_load %arg14[%get3A_676, %get3A_677] {strides = array<i32>} : memref<128x128xi32, #tpu.memory_space<vmem>>, vector<16xi32>,
            %bitcast3A_679 = vector.bitcast %get3A_678 : vector<16xi32> to vector<32xbf16>
            %mul3A_680 = arith.mulf %bitcast3A_679, %pack3A_514 : vector<32xbf16>
            %add3A_681 = arith.addf %mul3A_671, %mul3A_680 : vector<32xbf16>
            %add3A_682 = arith.constant 96 : i32
            %add3A_683 = arith.addi %add3A_682, %mul3A_501 : i32
            %add3A_684 = arith.constant 1 : i32
            %add3A_685 = arith.addi %add3A_683, %add3A_684 : i32
            %get3A_686 = arith.index_cast %add3A_685 : i32 to index
            %get3A_687 = arith.constant 0 : index
            %get3A_688 = tpu.vector_load %arg14[%get3A_686, %get3A_687] {strides = array<i32>} : memref<128x128xi32, #tpu.memory_space<vmem>>, vector<16xi32>,
            %bitcast3A_689 = vector.bitcast %get3A_688 : vector<16xi32> to vector<32xbf16>
            %mul3A_690 = arith.mulf %bitcast3A_689, %pack3A_521 : vector<32xbf16>
            %add3A_691 = arith.addf %add3A_681, %mul3A_690 : vector<32xbf16>
            %add3A_692 = arith.constant 112 : i32
            %add3A_693 = arith.addi %add3A_692, %mul3A_501 : i32
            %add3A_694 = arith.constant 1 : i32
            %add3A_695 = arith.addi %add3A_693, %add3A_694 : i32
            %get3A_696 = arith.index_cast %add3A_695 : i32 to index
            %get3A_697 = arith.constant 0 : index
            %get3A_698 = tpu.vector_load %arg14[%get3A_696, %get3A_697] {strides = array<i32>} : memref<128x128xi32, #tpu.memory_space<vmem>>, vector<16xi32>,
            %bitcast3A_699 = vector.bitcast %get3A_698 : vector<16xi32> to vector<32xbf16>
            %mul3A_700 = arith.mulf %bitcast3A_699, %pack3A_528 : vector<32xbf16>
            %add3A_701 = arith.addf %add3A_691, %mul3A_700 : vector<32xbf16>
            %unpack3A_702 = tpu.unpack_subelements %add3A_701, 0 {pack_format = #tpu.pack_format<interleaved>} : vector<32xbf16> -> vector<16xf32>
            %unpack3A_703 = tpu.unpack_subelements %add3A_701, 1 {pack_format = #tpu.pack_format<interleaved>} : vector<32xbf16> -> vector<16xf32>
            %mul3A_704 = arith.mulf %unpack3A_702, %gather3A_493 : vector<16xf32>
            %mul3A_705 = arith.mulf %unpack3A_703, %gather3A_493 : vector<16xf32>
            %add3A_706 = arith.addf %add3A_661, %mul3A_704 : vector<16xf32>
            %add3A_707 = arith.addf %add3A_662, %mul3A_705 : vector<16xf32>
            %add3A_708 = arith.constant 0 : i32
            %add3A_709 = arith.addi %add3A_708, %add3A_531 : i32
            %add3A_710 = vector.broadcast %add3A_709 : i32 to vector<16xi32>
            %add3A_711 = arith.addi %mul3A_15, %add3A_710 : vector<16xi32>
            tpu.vector_store_idx %arg16[%add3A_711], %add3A_706 : memref<12544xf32, #tpu.memory_space<vmem>>[vector<16xi32>], vector<16xf32>,
            %add3A_712 = arith.constant 49 : i32
            %add3A_713 = vector.broadcast %add3A_712 : i32 to vector<16xi32>
            %add3A_714 = arith.addi %add3A_711, %add3A_713 : vector<16xi32>
            tpu.vector_store_idx %arg16[%add3A_714], %add3A_707 : memref<12544xf32, #tpu.memory_space<vmem>>[vector<16xi32>], vector<16xf32>,
            %add3A_715 = arith.constant 0 : i32
            %add3A_716 = arith.addi %add3A_715, %mul3A_501 : i32
            %add3A_717 = arith.constant 0 : i32
            %add3A_718 = arith.addi %add3A_716, %add3A_717 : i32
            %get3A_719 = arith.index_cast %add3A_718 : i32 to index
            %get3A_720 = arith.constant 16 : index
            %get3A_721 = tpu.vector_load %arg14[%get3A_719, %get3A_720] {strides = array<i32>} : memref<128x128xi32, #tpu.memory_space<vmem>>, vector<16xi32>,
            %bitcast3A_722 = vector.bitcast %get3A_721 : vector<16xi32> to vector<32xbf16>
            %mul3A_723 = arith.mulf %bitcast3A_722, %pack3A : vector<32xbf16>
            %add3A_724 = arith.constant 16 : i32
            %add3A_725 = arith.addi %add3A_724, %mul3A_501 : i32
            %add3A_726 = arith.constant 0 : i32
            %add3A_727 = arith.addi %add3A_725, %add3A_726 : i32
            %get3A_728 = arith.index_cast %add3A_727 : i32 to index
            %get3A_729 = arith.constant 16 : index
            %get3A_730 = tpu.vector_load %arg14[%get3A_728, %get3A_729] {strides = array<i32>} : memref<128x128xi32, #tpu.memory_space<vmem>>, vector<16xi32>,
            %bitcast3A_731 = vector.bitcast %get3A_730 : vector<16xi32> to vector<32xbf16>
            %mul3A_732 = arith.mulf %bitcast3A_731, %pack3A_514 : vector<32xbf16>
            %add3A_733 = arith.addf %mul3A_723, %mul3A_732 : vector<32xbf16>
            %add3A_734 = arith.constant 0 : i32
            %add3A_735 = arith.addi %add3A_734, %mul3A_501 : i32
            %add3A_736 = arith.constant 1 : i32
            %add3A_737 = arith.addi %add3A_735, %add3A_736 : i32
            %get3A_738 = arith.index_cast %add3A_737 : i32 to index
            %get3A_739 = arith.constant 16 : index
            %get3A_740 = tpu.vector_load %arg14[%get3A_738, %get3A_739] {strides = array<i32>} : memref<128x128xi32, #tpu.memory_space<vmem>>, vector<16xi32>,
            %bitcast3A_741 = vector.bitcast %get3A_740 : vector<16xi32> to vector<32xbf16>
            %mul3A_742 = arith.mulf %bitcast3A_741, %pack3A_521 : vector<32xbf16>
            %add3A_743 = arith.addf %add3A_733, %mul3A_742 : vector<32xbf16>
            %add3A_744 = arith.constant 16 : i32
            %add3A_745 = arith.addi %add3A_744, %mul3A_501 : i32
            %add3A_746 = arith.constant 1 : i32
            %add3A_747 = arith.addi %add3A_745, %add3A_746 : i32
            %get3A_748 = arith.index_cast %add3A_747 : i32 to index
            %get3A_749 = arith.constant 16 : index
            %get3A_750 = tpu.vector_load %arg14[%get3A_748, %get3A_749] {strides = array<i32>} : memref<128x128xi32, #tpu.memory_space<vmem>>, vector<16xi32>,
            %bitcast3A_751 = vector.bitcast %get3A_750 : vector<16xi32> to vector<32xbf16>
            %mul3A_752 = arith.mulf %bitcast3A_751, %pack3A_528 : vector<32xbf16>
            %add3A_753 = arith.addf %add3A_743, %mul3A_752 : vector<32xbf16>
            %unpack3A_754 = tpu.unpack_subelements %add3A_753, 0 {pack_format = #tpu.pack_format<interleaved>} : vector<32xbf16> -> vector<16xf32>
            %unpack3A_755 = tpu.unpack_subelements %add3A_753, 1 {pack_format = #tpu.pack_format<interleaved>} : vector<32xbf16> -> vector<16xf32>
            %mul3A_756 = arith.mulf %unpack3A_754, %gather3A_475 : vector<16xf32>
            %mul3A_757 = arith.mulf %unpack3A_755, %gather3A_475 : vector<16xf32>
            %add3A_758 = arith.constant 32 : i32
            %add3A_759 = arith.addi %add3A_758, %mul3A_501 : i32
            %add3A_760 = arith.constant 0 : i32
            %add3A_761 = arith.addi %add3A_759, %add3A_760 : i32
            %get3A_762 = arith.index_cast %add3A_761 : i32 to index
            %get3A_763 = arith.constant 16 : index
            %get3A_764 = tpu.vector_load %arg14[%get3A_762, %get3A_763] {strides = array<i32>} : memref<128x128xi32, #tpu.memory_space<vmem>>, vector<16xi32>,
            %bitcast3A_765 = vector.bitcast %get3A_764 : vector<16xi32> to vector<32xbf16>
            %mul3A_766 = arith.mulf %bitcast3A_765, %pack3A : vector<32xbf16>
            %add3A_767 = arith.constant 48 : i32
            %add3A_768 = arith.addi %add3A_767, %mul3A_501 : i32
            %add3A_769 = arith.constant 0 : i32
            %add3A_770 = arith.addi %add3A_768, %add3A_769 : i32
            %get3A_771 = arith.index_cast %add3A_770 : i32 to index
            %get3A_772 = arith.constant 16 : index
            %get3A_773 = tpu.vector_load %arg14[%get3A_771, %get3A_772] {strides = array<i32>} : memref<128x128xi32, #tpu.memory_space<vmem>>, vector<16xi32>,
            %bitcast3A_774 = vector.bitcast %get3A_773 : vector<16xi32> to vector<32xbf16>
            %mul3A_775 = arith.mulf %bitcast3A_774, %pack3A_514 : vector<32xbf16>
            %add3A_776 = arith.addf %mul3A_766, %mul3A_775 : vector<32xbf16>
            %add3A_777 = arith.constant 32 : i32
            %add3A_778 = arith.addi %add3A_777, %mul3A_501 : i32
            %add3A_779 = arith.constant 1 : i32
            %add3A_780 = arith.addi %add3A_778, %add3A_779 : i32
            %get3A_781 = arith.index_cast %add3A_780 : i32 to index
            %get3A_782 = arith.constant 16 : index
            %get3A_783 = tpu.vector_load %arg14[%get3A_781, %get3A_782] {strides = array<i32>} : memref<128x128xi32, #tpu.memory_space<vmem>>, vector<16xi32>,
            %bitcast3A_784 = vector.bitcast %get3A_783 : vector<16xi32> to vector<32xbf16>
            %mul3A_785 = arith.mulf %bitcast3A_784, %pack3A_521 : vector<32xbf16>
            %add3A_786 = arith.addf %add3A_776, %mul3A_785 : vector<32xbf16>
            %add3A_787 = arith.constant 48 : i32
            %add3A_788 = arith.addi %add3A_787, %mul3A_501 : i32
            %add3A_789 = arith.constant 1 : i32
            %add3A_790 = arith.addi %add3A_788, %add3A_789 : i32
            %get3A_791 = arith.index_cast %add3A_790 : i32 to index
            %get3A_792 = arith.constant 16 : index
            %get3A_793 = tpu.vector_load %arg14[%get3A_791, %get3A_792] {strides = array<i32>} : memref<128x128xi32, #tpu.memory_space<vmem>>, vector<16xi32>,
            %bitcast3A_794 = vector.bitcast %get3A_793 : vector<16xi32> to vector<32xbf16>
            %mul3A_795 = arith.mulf %bitcast3A_794, %pack3A_528 : vector<32xbf16>
            %add3A_796 = arith.addf %add3A_786, %mul3A_795 : vector<32xbf16>
            %unpack3A_797 = tpu.unpack_subelements %add3A_796, 0 {pack_format = #tpu.pack_format<interleaved>} : vector<32xbf16> -> vector<16xf32>
            %unpack3A_798 = tpu.unpack_subelements %add3A_796, 1 {pack_format = #tpu.pack_format<interleaved>} : vector<32xbf16> -> vector<16xf32>
            %mul3A_799 = arith.mulf %unpack3A_797, %gather3A_481 : vector<16xf32>
            %mul3A_800 = arith.mulf %unpack3A_798, %gather3A_481 : vector<16xf32>
            %add3A_801 = arith.addf %mul3A_756, %mul3A_799 : vector<16xf32>
            %add3A_802 = arith.addf %mul3A_757, %mul3A_800 : vector<16xf32>
            %add3A_803 = arith.constant 64 : i32
            %add3A_804 = arith.addi %add3A_803, %mul3A_501 : i32
            %add3A_805 = arith.constant 0 : i32
            %add3A_806 = arith.addi %add3A_804, %add3A_805 : i32
            %get3A_807 = arith.index_cast %add3A_806 : i32 to index
            %get3A_808 = arith.constant 16 : index
            %get3A_809 = tpu.vector_load %arg14[%get3A_807, %get3A_808] {strides = array<i32>} : memref<128x128xi32, #tpu.memory_space<vmem>>, vector<16xi32>,
            %bitcast3A_810 = vector.bitcast %get3A_809 : vector<16xi32> to vector<32xbf16>
            %mul3A_811 = arith.mulf %bitcast3A_810, %pack3A : vector<32xbf16>
            %add3A_812 = arith.constant 80 : i32
            %add3A_813 = arith.addi %add3A_812, %mul3A_501 : i32
            %add3A_814 = arith.constant 0 : i32
            %add3A_815 = arith.addi %add3A_813, %add3A_814 : i32
            %get3A_816 = arith.index_cast %add3A_815 : i32 to index
            %get3A_817 = arith.constant 16 : index
            %get3A_818 = tpu.vector_load %arg14[%get3A_816, %get3A_817] {strides = array<i32>} : memref<128x128xi32, #tpu.memory_space<vmem>>, vector<16xi32>,
            %bitcast3A_819 = vector.bitcast %get3A_818 : vector<16xi32> to vector<32xbf16>
            %mul3A_820 = arith.mulf %bitcast3A_819, %pack3A_514 : vector<32xbf16>
            %add3A_821 = arith.addf %mul3A_811, %mul3A_820 : vector<32xbf16>
            %add3A_822 = arith.constant 64 : i32
            %add3A_823 = arith.addi %add3A_822, %mul3A_501 : i32
            %add3A_824 = arith.constant 1 : i32
            %add3A_825 = arith.addi %add3A_823, %add3A_824 : i32
            %get3A_826 = arith.index_cast %add3A_825 : i32 to index
            %get3A_827 = arith.constant 16 : index
            %get3A_828 = tpu.vector_load %arg14[%get3A_826, %get3A_827] {strides = array<i32>} : memref<128x128xi32, #tpu.memory_space<vmem>>, vector<16xi32>,
            %bitcast3A_829 = vector.bitcast %get3A_828 : vector<16xi32> to vector<32xbf16>
            %mul3A_830 = arith.mulf %bitcast3A_829, %pack3A_521 : vector<32xbf16>
            %add3A_831 = arith.addf %add3A_821, %mul3A_830 : vector<32xbf16>
            %add3A_832 = arith.constant 80 : i32
            %add3A_833 = arith.addi %add3A_832, %mul3A_501 : i32
            %add3A_834 = arith.constant 1 : i32
            %add3A_835 = arith.addi %add3A_833, %add3A_834 : i32
            %get3A_836 = arith.index_cast %add3A_835 : i32 to index
            %get3A_837 = arith.constant 16 : index
            %get3A_838 = tpu.vector_load %arg14[%get3A_836, %get3A_837] {strides = array<i32>} : memref<128x128xi32, #tpu.memory_space<vmem>>, vector<16xi32>,
            %bitcast3A_839 = vector.bitcast %get3A_838 : vector<16xi32> to vector<32xbf16>
            %mul3A_840 = arith.mulf %bitcast3A_839, %pack3A_528 : vector<32xbf16>
            %add3A_841 = arith.addf %add3A_831, %mul3A_840 : vector<32xbf16>
            %unpack3A_842 = tpu.unpack_subelements %add3A_841, 0 {pack_format = #tpu.pack_format<interleaved>} : vector<32xbf16> -> vector<16xf32>
            %unpack3A_843 = tpu.unpack_subelements %add3A_841, 1 {pack_format = #tpu.pack_format<interleaved>} : vector<32xbf16> -> vector<16xf32>
            %mul3A_844 = arith.mulf %unpack3A_842, %gather3A_487 : vector<16xf32>
            %mul3A_845 = arith.mulf %unpack3A_843, %gather3A_487 : vector<16xf32>
            %add3A_846 = arith.addf %add3A_801, %mul3A_844 : vector<16xf32>
            %add3A_847 = arith.addf %add3A_802, %mul3A_845 : vector<16xf32>
            %add3A_848 = arith.constant 96 : i32
            %add3A_849 = arith.addi %add3A_848, %mul3A_501 : i32
            %add3A_850 = arith.constant 0 : i32
            %add3A_851 = arith.addi %add3A_849, %add3A_850 : i32
            %get3A_852 = arith.index_cast %add3A_851 : i32 to index
            %get3A_853 = arith.constant 16 : index
            %get3A_854 = tpu.vector_load %arg14[%get3A_852, %get3A_853] {strides = array<i32>} : memref<128x128xi32, #tpu.memory_space<vmem>>, vector<16xi32>,
            %bitcast3A_855 = vector.bitcast %get3A_854 : vector<16xi32> to vector<32xbf16>
            %mul3A_856 = arith.mulf %bitcast3A_855, %pack3A : vector<32xbf16>
            %add3A_857 = arith.constant 112 : i32
            %add3A_858 = arith.addi %add3A_857, %mul3A_501 : i32
            %add3A_859 = arith.constant 0 : i32
            %add3A_860 = arith.addi %add3A_858, %add3A_859 : i32
            %get3A_861 = arith.index_cast %add3A_860 : i32 to index
            %get3A_862 = arith.constant 16 : index
            %get3A_863 = tpu.vector_load %arg14[%get3A_861, %get3A_862] {strides = array<i32>} : memref<128x128xi32, #tpu.memory_space<vmem>>, vector<16xi32>,
            %bitcast3A_864 = vector.bitcast %get3A_863 : vector<16xi32> to vector<32xbf16>
            %mul3A_865 = arith.mulf %bitcast3A_864, %pack3A_514 : vector<32xbf16>
            %add3A_866 = arith.addf %mul3A_856, %mul3A_865 : vector<32xbf16>
            %add3A_867 = arith.constant 96 : i32
            %add3A_868 = arith.addi %add3A_867, %mul3A_501 : i32
            %add3A_869 = arith.constant 1 : i32
            %add3A_870 = arith.addi %add3A_868, %add3A_869 : i32
            %get3A_871 = arith.index_cast %add3A_870 : i32 to index
            %get3A_872 = arith.constant 16 : index
            %get3A_873 = tpu.vector_load %arg14[%get3A_871, %get3A_872] {strides = array<i32>} : memref<128x128xi32, #tpu.memory_space<vmem>>, vector<16xi32>,
            %bitcast3A_874 = vector.bitcast %get3A_873 : vector<16xi32> to vector<32xbf16>
            %mul3A_875 = arith.mulf %bitcast3A_874, %pack3A_521 : vector<32xbf16>
            %add3A_876 = arith.addf %add3A_866, %mul3A_875 : vector<32xbf16>
            %add3A_877 = arith.constant 112 : i32
            %add3A_878 = arith.addi %add3A_877, %mul3A_501 : i32
            %add3A_879 = arith.constant 1 : i32
            %add3A_880 = arith.addi %add3A_878, %add3A_879 : i32
            %get3A_881 = arith.index_cast %add3A_880 : i32 to index
            %get3A_882 = arith.constant 16 : index
            %get3A_883 = tpu.vector_load %arg14[%get3A_881, %get3A_882] {strides = array<i32>} : memref<128x128xi32, #tpu.memory_space<vmem>>, vector<16xi32>,
            %bitcast3A_884 = vector.bitcast %get3A_883 : vector<16xi32> to vector<32xbf16>
            %mul3A_885 = arith.mulf %bitcast3A_884, %pack3A_528 : vector<32xbf16>
            %add3A_886 = arith.addf %add3A_876, %mul3A_885 : vector<32xbf16>
            %unpack3A_887 = tpu.unpack_subelements %add3A_886, 0 {pack_format = #tpu.pack_format<interleaved>} : vector<32xbf16> -> vector<16xf32>
            %unpack3A_888 = tpu.unpack_subelements %add3A_886, 1 {pack_format = #tpu.pack_format<interleaved>} : vector<32xbf16> -> vector<16xf32>
            %mul3A_889 = arith.mulf %unpack3A_887, %gather3A_493 : vector<16xf32>
            %mul3A_890 = arith.mulf %unpack3A_888, %gather3A_493 : vector<16xf32>
            %add3A_891 = arith.addf %add3A_846, %mul3A_889 : vector<16xf32>
            %add3A_892 = arith.addf %add3A_847, %mul3A_890 : vector<16xf32>
            %add3A_893 = arith.constant 1568 : i32
            %add3A_894 = arith.addi %add3A_893, %add3A_531 : i32
            %add3A_895 = vector.broadcast %add3A_894 : i32 to vector<16xi32>
            %add3A_896 = arith.addi %mul3A_15, %add3A_895 : vector<16xi32>
            tpu.vector_store_idx %arg16[%add3A_896], %add3A_891 : memref<12544xf32, #tpu.memory_space<vmem>>[vector<16xi32>], vector<16xf32>,
            %add3A_897 = arith.constant 49 : i32
            %add3A_898 = vector.broadcast %add3A_897 : i32 to vector<16xi32>
            %add3A_899 = arith.addi %add3A_896, %add3A_898 : vector<16xi32>
            tpu.vector_store_idx %arg16[%add3A_899], %add3A_892 : memref<12544xf32, #tpu.memory_space<vmem>>[vector<16xi32>], vector<16xf32>,
            %add3A_900 = arith.constant 0 : i32
            %add3A_901 = arith.addi %add3A_900, %mul3A_501 : i32
            %add3A_902 = arith.constant 0 : i32
            %add3A_903 = arith.addi %add3A_901, %add3A_902 : i32
            %get3A_904 = arith.index_cast %add3A_903 : i32 to index
            %get3A_905 = arith.constant 32 : index
            %get3A_906 = tpu.vector_load %arg14[%get3A_904, %get3A_905] {strides = array<i32>} : memref<128x128xi32, #tpu.memory_space<vmem>>, vector<16xi32>,
            %bitcast3A_907 = vector.bitcast %get3A_906 : vector<16xi32> to vector<32xbf16>
            %mul3A_908 = arith.mulf %bitcast3A_907, %pack3A : vector<32xbf16>
            %add3A_909 = arith.constant 16 : i32
            %add3A_910 = arith.addi %add3A_909, %mul3A_501 : i32
            %add3A_911 = arith.constant 0 : i32
            %add3A_912 = arith.addi %add3A_910, %add3A_911 : i32
            %get3A_913 = arith.index_cast %add3A_912 : i32 to index
            %get3A_914 = arith.constant 32 : index
            %get3A_915 = tpu.vector_load %arg14[%get3A_913, %get3A_914] {strides = array<i32>} : memref<128x128xi32, #tpu.memory_space<vmem>>, vector<16xi32>,
            %bitcast3A_916 = vector.bitcast %get3A_915 : vector<16xi32> to vector<32xbf16>
            %mul3A_917 = arith.mulf %bitcast3A_916, %pack3A_514 : vector<32xbf16>
            %add3A_918 = arith.addf %mul3A_908, %mul3A_917 : vector<32xbf16>
            %add3A_919 = arith.constant 0 : i32
            %add3A_920 = arith.addi %add3A_919, %mul3A_501 : i32
            %add3A_921 = arith.constant 1 : i32
            %add3A_922 = arith.addi %add3A_920, %add3A_921 : i32
            %get3A_923 = arith.index_cast %add3A_922 : i32 to index
            %get3A_924 = arith.constant 32 : index
            %get3A_925 = tpu.vector_load %arg14[%get3A_923, %get3A_924] {strides = array<i32>} : memref<128x128xi32, #tpu.memory_space<vmem>>, vector<16xi32>,
            %bitcast3A_926 = vector.bitcast %get3A_925 : vector<16xi32> to vector<32xbf16>
            %mul3A_927 = arith.mulf %bitcast3A_926, %pack3A_521 : vector<32xbf16>
            %add3A_928 = arith.addf %add3A_918, %mul3A_927 : vector<32xbf16>
            %add3A_929 = arith.constant 16 : i32
            %add3A_930 = arith.addi %add3A_929, %mul3A_501 : i32
            %add3A_931 = arith.constant 1 : i32
            %add3A_932 = arith.addi %add3A_930, %add3A_931 : i32
            %get3A_933 = arith.index_cast %add3A_932 : i32 to index
            %get3A_934 = arith.constant 32 : index
            %get3A_935 = tpu.vector_load %arg14[%get3A_933, %get3A_934] {strides = array<i32>} : memref<128x128xi32, #tpu.memory_space<vmem>>, vector<16xi32>,
            %bitcast3A_936 = vector.bitcast %get3A_935 : vector<16xi32> to vector<32xbf16>
            %mul3A_937 = arith.mulf %bitcast3A_936, %pack3A_528 : vector<32xbf16>
            %add3A_938 = arith.addf %add3A_928, %mul3A_937 : vector<32xbf16>
            %unpack3A_939 = tpu.unpack_subelements %add3A_938, 0 {pack_format = #tpu.pack_format<interleaved>} : vector<32xbf16> -> vector<16xf32>
            %unpack3A_940 = tpu.unpack_subelements %add3A_938, 1 {pack_format = #tpu.pack_format<interleaved>} : vector<32xbf16> -> vector<16xf32>
            %mul3A_941 = arith.mulf %unpack3A_939, %gather3A_475 : vector<16xf32>
            %mul3A_942 = arith.mulf %unpack3A_940, %gather3A_475 : vector<16xf32>
            %add3A_943 = arith.constant 32 : i32
            %add3A_944 = arith.addi %add3A_943, %mul3A_501 : i32
            %add3A_945 = arith.constant 0 : i32
            %add3A_946 = arith.addi %add3A_944, %add3A_945 : i32
            %get3A_947 = arith.index_cast %add3A_946 : i32 to index
            %get3A_948 = arith.constant 32 : index
            %get3A_949 = tpu.vector_load %arg14[%get3A_947, %get3A_948] {strides = array<i32>} : memref<128x128xi32, #tpu.memory_space<vmem>>, vector<16xi32>,
            %bitcast3A_950 = vector.bitcast %get3A_949 : vector<16xi32> to vector<32xbf16>
            %mul3A_951 = arith.mulf %bitcast3A_950, %pack3A : vector<32xbf16>
            %add3A_952 = arith.constant 48 : i32
            %add3A_953 = arith.addi %add3A_952, %mul3A_501 : i32
            %add3A_954 = arith.constant 0 : i32
            %add3A_955 = arith.addi %add3A_953, %add3A_954 : i32
            %get3A_956 = arith.index_cast %add3A_955 : i32 to index
            %get3A_957 = arith.constant 32 : index
            %get3A_958 = tpu.vector_load %arg14[%get3A_956, %get3A_957] {strides = array<i32>} : memref<128x128xi32, #tpu.memory_space<vmem>>, vector<16xi32>,
            %bitcast3A_959 = vector.bitcast %get3A_958 : vector<16xi32> to vector<32xbf16>
            %mul3A_960 = arith.mulf %bitcast3A_959, %pack3A_514 : vector<32xbf16>
            %add3A_961 = arith.addf %mul3A_951, %mul3A_960 : vector<32xbf16>
            %add3A_962 = arith.constant 32 : i32
            %add3A_963 = arith.addi %add3A_962, %mul3A_501 : i32
            %add3A_964 = arith.constant 1 : i32
            %add3A_965 = arith.addi %add3A_963, %add3A_964 : i32
            %get3A_966 = arith.index_cast %add3A_965 : i32 to index
            %get3A_967 = arith.constant 32 : index
            %get3A_968 = tpu.vector_load %arg14[%get3A_966, %get3A_967] {strides = array<i32>} : memref<128x128xi32, #tpu.memory_space<vmem>>, vector<16xi32>,
            %bitcast3A_969 = vector.bitcast %get3A_968 : vector<16xi32> to vector<32xbf16>
            %mul3A_970 = arith.mulf %bitcast3A_969, %pack3A_521 : vector<32xbf16>
            %add3A_971 = arith.addf %add3A_961, %mul3A_970 : vector<32xbf16>
            %add3A_972 = arith.constant 48 : i32
            %add3A_973 = arith.addi %add3A_972, %mul3A_501 : i32
            %add3A_974 = arith.constant 1 : i32
            %add3A_975 = arith.addi %add3A_973, %add3A_974 : i32
            %get3A_976 = arith.index_cast %add3A_975 : i32 to index
            %get3A_977 = arith.constant 32 : index
            %get3A_978 = tpu.vector_load %arg14[%get3A_976, %get3A_977] {strides = array<i32>} : memref<128x128xi32, #tpu.memory_space<vmem>>, vector<16xi32>,
            %bitcast3A_979 = vector.bitcast %get3A_978 : vector<16xi32> to vector<32xbf16>
            %mul3A_980 = arith.mulf %bitcast3A_979, %pack3A_528 : vector<32xbf16>
            %add3A_981 = arith.addf %add3A_971, %mul3A_980 : vector<32xbf16>
            %unpack3A_982 = tpu.unpack_subelements %add3A_981, 0 {pack_format = #tpu.pack_format<interleaved>} : vector<32xbf16> -> vector<16xf32>
            %unpack3A_983 = tpu.unpack_subelements %add3A_981, 1 {pack_format = #tpu.pack_format<interleaved>} : vector<32xbf16> -> vector<16xf32>
            %mul3A_984 = arith.mulf %unpack3A_982, %gather3A_481 : vector<16xf32>
            %mul3A_985 = arith.mulf %unpack3A_983, %gather3A_481 : vector<16xf32>
            %add3A_986 = arith.addf %mul3A_941, %mul3A_984 : vector<16xf32>
            %add3A_987 = arith.addf %mul3A_942, %mul3A_985 : vector<16xf32>
            %add3A_988 = arith.constant 64 : i32
            %add3A_989 = arith.addi %add3A_988, %mul3A_501 : i32
            %add3A_990 = arith.constant 0 : i32
            %add3A_991 = arith.addi %add3A_989, %add3A_990 : i32
            %get3A_992 = arith.index_cast %add3A_991 : i32 to index
            %get3A_993 = arith.constant 32 : index
            %get3A_994 = tpu.vector_load %arg14[%get3A_992, %get3A_993] {strides = array<i32>} : memref<128x128xi32, #tpu.memory_space<vmem>>, vector<16xi32>,
            %bitcast3A_995 = vector.bitcast %get3A_994 : vector<16xi32> to vector<32xbf16>
            %mul3A_996 = arith.mulf %bitcast3A_995, %pack3A : vector<32xbf16>
            %add3A_997 = arith.constant 80 : i32
            %add3A_998 = arith.addi %add3A_997, %mul3A_501 : i32
            %add3A_999 = arith.constant 0 : i32
            %add3A_1000 = arith.addi %add3A_998, %add3A_999 : i32
            %get3A_1001 = arith.index_cast %add3A_1000 : i32 to index
            %get3A_1002 = arith.constant 32 : index
            %get3A_1003 = tpu.vector_load %arg14[%get3A_1001, %get3A_1002] {strides = array<i32>} : memref<128x128xi32, #tpu.memory_space<vmem>>, vector<16xi32>,
            %bitcast3A_1004 = vector.bitcast %get3A_1003 : vector<16xi32> to vector<32xbf16>
            %mul3A_1005 = arith.mulf %bitcast3A_1004, %pack3A_514 : vector<32xbf16>
            %add3A_1006 = arith.addf %mul3A_996, %mul3A_1005 : vector<32xbf16>
            %add3A_1007 = arith.constant 64 : i32
            %add3A_1008 = arith.addi %add3A_1007, %mul3A_501 : i32
            %add3A_1009 = arith.constant 1 : i32
            %add3A_1010 = arith.addi %add3A_1008, %add3A_1009 : i32
            %get3A_1011 = arith.index_cast %add3A_1010 : i32 to index
            %get3A_1012 = arith.constant 32 : index
            %get3A_1013 = tpu.vector_load %arg14[%get3A_1011, %get3A_1012] {strides = array<i32>} : memref<128x128xi32, #tpu.memory_space<vmem>>, vector<16xi32>,
            %bitcast3A_1014 = vector.bitcast %get3A_1013 : vector<16xi32> to vector<32xbf16>
            %mul3A_1015 = arith.mulf %bitcast3A_1014, %pack3A_521 : vector<32xbf16>
            %add3A_1016 = arith.addf %add3A_1006, %mul3A_1015 : vector<32xbf16>
            %add3A_1017 = arith.constant 80 : i32
            %add3A_1018 = arith.addi %add3A_1017, %mul3A_501 : i32
            %add3A_1019 = arith.constant 1 : i32
            %add3A_1020 = arith.addi %add3A_1018, %add3A_1019 : i32
            %get3A_1021 = arith.index_cast %add3A_1020 : i32 to index
            %get3A_1022 = arith.constant 32 : index
            %get3A_1023 = tpu.vector_load %arg14[%get3A_1021, %get3A_1022] {strides = array<i32>} : memref<128x128xi32, #tpu.memory_space<vmem>>, vector<16xi32>,
            %bitcast3A_1024 = vector.bitcast %get3A_1023 : vector<16xi32> to vector<32xbf16>
            %mul3A_1025 = arith.mulf %bitcast3A_1024, %pack3A_528 : vector<32xbf16>
            %add3A_1026 = arith.addf %add3A_1016, %mul3A_1025 : vector<32xbf16>
            %unpack3A_1027 = tpu.unpack_subelements %add3A_1026, 0 {pack_format = #tpu.pack_format<interleaved>} : vector<32xbf16> -> vector<16xf32>
            %unpack3A_1028 = tpu.unpack_subelements %add3A_1026, 1 {pack_format = #tpu.pack_format<interleaved>} : vector<32xbf16> -> vector<16xf32>
            %mul3A_1029 = arith.mulf %unpack3A_1027, %gather3A_487 : vector<16xf32>
            %mul3A_1030 = arith.mulf %unpack3A_1028, %gather3A_487 : vector<16xf32>
            %add3A_1031 = arith.addf %add3A_986, %mul3A_1029 : vector<16xf32>
            %add3A_1032 = arith.addf %add3A_987, %mul3A_1030 : vector<16xf32>
            %add3A_1033 = arith.constant 96 : i32
            %add3A_1034 = arith.addi %add3A_1033, %mul3A_501 : i32
            %add3A_1035 = arith.constant 0 : i32
            %add3A_1036 = arith.addi %add3A_1034, %add3A_1035 : i32
            %get3A_1037 = arith.index_cast %add3A_1036 : i32 to index
            %get3A_1038 = arith.constant 32 : index
            %get3A_1039 = tpu.vector_load %arg14[%get3A_1037, %get3A_1038] {strides = array<i32>} : memref<128x128xi32, #tpu.memory_space<vmem>>, vector<16xi32>,
            %bitcast3A_1040 = vector.bitcast %get3A_1039 : vector<16xi32> to vector<32xbf16>
            %mul3A_1041 = arith.mulf %bitcast3A_1040, %pack3A : vector<32xbf16>
            %add3A_1042 = arith.constant 112 : i32
            %add3A_1043 = arith.addi %add3A_1042, %mul3A_501 : i32
            %add3A_1044 = arith.constant 0 : i32
            %add3A_1045 = arith.addi %add3A_1043, %add3A_1044 : i32
            %get3A_1046 = arith.index_cast %add3A_1045 : i32 to index
            %get3A_1047 = arith.constant 32 : index
            %get3A_1048 = tpu.vector_load %arg14[%get3A_1046, %get3A_1047] {strides = array<i32>} : memref<128x128xi32, #tpu.memory_space<vmem>>, vector<16xi32>,
            %bitcast3A_1049 = vector.bitcast %get3A_1048 : vector<16xi32> to vector<32xbf16>
            %mul3A_1050 = arith.mulf %bitcast3A_1049, %pack3A_514 : vector<32xbf16>
            %add3A_1051 = arith.addf %mul3A_1041, %mul3A_1050 : vector<32xbf16>
            %add3A_1052 = arith.constant 96 : i32
            %add3A_1053 = arith.addi %add3A_1052, %mul3A_501 : i32
            %add3A_1054 = arith.constant 1 : i32
            %add3A_1055 = arith.addi %add3A_1053, %add3A_1054 : i32
            %get3A_1056 = arith.index_cast %add3A_1055 : i32 to index
            %get3A_1057 = arith.constant 32 : index
            %get3A_1058 = tpu.vector_load %arg14[%get3A_1056, %get3A_1057] {strides = array<i32>} : memref<128x128xi32, #tpu.memory_space<vmem>>, vector<16xi32>,
            %bitcast3A_1059 = vector.bitcast %get3A_1058 : vector<16xi32> to vector<32xbf16>
            %mul3A_1060 = arith.mulf %bitcast3A_1059, %pack3A_521 : vector<32xbf16>
            %add3A_1061 = arith.addf %add3A_1051, %mul3A_1060 : vector<32xbf16>
            %add3A_1062 = arith.constant 112 : i32
            %add3A_1063 = arith.addi %add3A_1062, %mul3A_501 : i32
            %add3A_1064 = arith.constant 1 : i32
            %add3A_1065 = arith.addi %add3A_1063, %add3A_1064 : i32
            %get3A_1066 = arith.index_cast %add3A_1065 : i32 to index
            %get3A_1067 = arith.constant 32 : index
            %get3A_1068 = tpu.vector_load %arg14[%get3A_1066, %get3A_1067] {strides = array<i32>} : memref<128x128xi32, #tpu.memory_space<vmem>>, vector<16xi32>,
            %bitcast3A_1069 = vector.bitcast %get3A_1068 : vector<16xi32> to vector<32xbf16>
            %mul3A_1070 = arith.mulf %bitcast3A_1069, %pack3A_528 : vector<32xbf16>
            %add3A_1071 = arith.addf %add3A_1061, %mul3A_1070 : vector<32xbf16>
            %unpack3A_1072 = tpu.unpack_subelements %add3A_1071, 0 {pack_format = #tpu.pack_format<interleaved>} : vector<32xbf16> -> vector<16xf32>
            %unpack3A_1073 = tpu.unpack_subelements %add3A_1071, 1 {pack_format = #tpu.pack_format<interleaved>} : vector<32xbf16> -> vector<16xf32>
            %mul3A_1074 = arith.mulf %unpack3A_1072, %gather3A_493 : vector<16xf32>
            %mul3A_1075 = arith.mulf %unpack3A_1073, %gather3A_493 : vector<16xf32>
            %add3A_1076 = arith.addf %add3A_1031, %mul3A_1074 : vector<16xf32>
            %add3A_1077 = arith.addf %add3A_1032, %mul3A_1075 : vector<16xf32>
            %add3A_1078 = arith.constant 3136 : i32
            %add3A_1079 = arith.addi %add3A_1078, %add3A_531 : i32
            %add3A_1080 = vector.broadcast %add3A_1079 : i32 to vector<16xi32>
            %add3A_1081 = arith.addi %mul3A_15, %add3A_1080 : vector<16xi32>
            tpu.vector_store_idx %arg16[%add3A_1081], %add3A_1076 : memref<12544xf32, #tpu.memory_space<vmem>>[vector<16xi32>], vector<16xf32>,
            %add3A_1082 = arith.constant 49 : i32
            %add3A_1083 = vector.broadcast %add3A_1082 : i32 to vector<16xi32>
            %add3A_1084 = arith.addi %add3A_1081, %add3A_1083 : vector<16xi32>
            tpu.vector_store_idx %arg16[%add3A_1084], %add3A_1077 : memref<12544xf32, #tpu.memory_space<vmem>>[vector<16xi32>], vector<16xf32>,
            %add3A_1085 = arith.constant 0 : i32
            %add3A_1086 = arith.addi %add3A_1085, %mul3A_501 : i32
            %add3A_1087 = arith.constant 0 : i32
            %add3A_1088 = arith.addi %add3A_1086, %add3A_1087 : i32
            %get3A_1089 = arith.index_cast %add3A_1088 : i32 to index
            %get3A_1090 = arith.constant 48 : index
            %get3A_1091 = tpu.vector_load %arg14[%get3A_1089, %get3A_1090] {strides = array<i32>} : memref<128x128xi32, #tpu.memory_space<vmem>>, vector<16xi32>,
            %bitcast3A_1092 = vector.bitcast %get3A_1091 : vector<16xi32> to vector<32xbf16>
            %mul3A_1093 = arith.mulf %bitcast3A_1092, %pack3A : vector<32xbf16>
            %add3A_1094 = arith.constant 16 : i32
            %add3A_1095 = arith.addi %add3A_1094, %mul3A_501 : i32
            %add3A_1096 = arith.constant 0 : i32
            %add3A_1097 = arith.addi %add3A_1095, %add3A_1096 : i32
            %get3A_1098 = arith.index_cast %add3A_1097 : i32 to index
            %get3A_1099 = arith.constant 48 : index
            %get3A_1100 = tpu.vector_load %arg14[%get3A_1098, %get3A_1099] {strides = array<i32>} : memref<128x128xi32, #tpu.memory_space<vmem>>, vector<16xi32>,
            %bitcast3A_1101 = vector.bitcast %get3A_1100 : vector<16xi32> to vector<32xbf16>
            %mul3A_1102 = arith.mulf %bitcast3A_1101, %pack3A_514 : vector<32xbf16>
            %add3A_1103 = arith.addf %mul3A_1093, %mul3A_1102 : vector<32xbf16>
            %add3A_1104 = arith.constant 0 : i32
            %add3A_1105 = arith.addi %add3A_1104, %mul3A_501 : i32
            %add3A_1106 = arith.constant 1 : i32
            %add3A_1107 = arith.addi %add3A_1105, %add3A_1106 : i32
            %get3A_1108 = arith.index_cast %add3A_1107 : i32 to index
            %get3A_1109 = arith.constant 48 : index
            %get3A_1110 = tpu.vector_load %arg14[%get3A_1108, %get3A_1109] {strides = array<i32>} : memref<128x128xi32, #tpu.memory_space<vmem>>, vector<16xi32>,
            %bitcast3A_1111 = vector.bitcast %get3A_1110 : vector<16xi32> to vector<32xbf16>
            %mul3A_1112 = arith.mulf %bitcast3A_1111, %pack3A_521 : vector<32xbf16>
            %add3A_1113 = arith.addf %add3A_1103, %mul3A_1112 : vector<32xbf16>
            %add3A_1114 = arith.constant 16 : i32
            %add3A_1115 = arith.addi %add3A_1114, %mul3A_501 : i32
            %add3A_1116 = arith.constant 1 : i32
            %add3A_1117 = arith.addi %add3A_1115, %add3A_1116 : i32
            %get3A_1118 = arith.index_cast %add3A_1117 : i32 to index
            %get3A_1119 = arith.constant 48 : index
            %get3A_1120 = tpu.vector_load %arg14[%get3A_1118, %get3A_1119] {strides = array<i32>} : memref<128x128xi32, #tpu.memory_space<vmem>>, vector<16xi32>,
            %bitcast3A_1121 = vector.bitcast %get3A_1120 : vector<16xi32> to vector<32xbf16>
            %mul3A_1122 = arith.mulf %bitcast3A_1121, %pack3A_528 : vector<32xbf16>
            %add3A_1123 = arith.addf %add3A_1113, %mul3A_1122 : vector<32xbf16>
            %unpack3A_1124 = tpu.unpack_subelements %add3A_1123, 0 {pack_format = #tpu.pack_format<interleaved>} : vector<32xbf16> -> vector<16xf32>
            %unpack3A_1125 = tpu.unpack_subelements %add3A_1123, 1 {pack_format = #tpu.pack_format<interleaved>} : vector<32xbf16> -> vector<16xf32>
            %mul3A_1126 = arith.mulf %unpack3A_1124, %gather3A_475 : vector<16xf32>
            %mul3A_1127 = arith.mulf %unpack3A_1125, %gather3A_475 : vector<16xf32>
            %add3A_1128 = arith.constant 32 : i32
            %add3A_1129 = arith.addi %add3A_1128, %mul3A_501 : i32
            %add3A_1130 = arith.constant 0 : i32
            %add3A_1131 = arith.addi %add3A_1129, %add3A_1130 : i32
            %get3A_1132 = arith.index_cast %add3A_1131 : i32 to index
            %get3A_1133 = arith.constant 48 : index
            %get3A_1134 = tpu.vector_load %arg14[%get3A_1132, %get3A_1133] {strides = array<i32>} : memref<128x128xi32, #tpu.memory_space<vmem>>, vector<16xi32>,
            %bitcast3A_1135 = vector.bitcast %get3A_1134 : vector<16xi32> to vector<32xbf16>
            %mul3A_1136 = arith.mulf %bitcast3A_1135, %pack3A : vector<32xbf16>
            %add3A_1137 = arith.constant 48 : i32
            %add3A_1138 = arith.addi %add3A_1137, %mul3A_501 : i32
            %add3A_1139 = arith.constant 0 : i32
            %add3A_1140 = arith.addi %add3A_1138, %add3A_1139 : i32
            %get3A_1141 = arith.index_cast %add3A_1140 : i32 to index
            %get3A_1142 = arith.constant 48 : index
            %get3A_1143 = tpu.vector_load %arg14[%get3A_1141, %get3A_1142] {strides = array<i32>} : memref<128x128xi32, #tpu.memory_space<vmem>>, vector<16xi32>,
            %bitcast3A_1144 = vector.bitcast %get3A_1143 : vector<16xi32> to vector<32xbf16>
            %mul3A_1145 = arith.mulf %bitcast3A_1144, %pack3A_514 : vector<32xbf16>
            %add3A_1146 = arith.addf %mul3A_1136, %mul3A_1145 : vector<32xbf16>
            %add3A_1147 = arith.constant 32 : i32
            %add3A_1148 = arith.addi %add3A_1147, %mul3A_501 : i32
            %add3A_1149 = arith.constant 1 : i32
            %add3A_1150 = arith.addi %add3A_1148, %add3A_1149 : i32
            %get3A_1151 = arith.index_cast %add3A_1150 : i32 to index
            %get3A_1152 = arith.constant 48 : index
            %get3A_1153 = tpu.vector_load %arg14[%get3A_1151, %get3A_1152] {strides = array<i32>} : memref<128x128xi32, #tpu.memory_space<vmem>>, vector<16xi32>,
            %bitcast3A_1154 = vector.bitcast %get3A_1153 : vector<16xi32> to vector<32xbf16>
            %mul3A_1155 = arith.mulf %bitcast3A_1154, %pack3A_521 : vector<32xbf16>
            %add3A_1156 = arith.addf %add3A_1146, %mul3A_1155 : vector<32xbf16>
            %add3A_1157 = arith.constant 48 : i32
            %add3A_1158 = arith.addi %add3A_1157, %mul3A_501 : i32
            %add3A_1159 = arith.constant 1 : i32
            %add3A_1160 = arith.addi %add3A_1158, %add3A_1159 : i32
            %get3A_1161 = arith.index_cast %add3A_1160 : i32 to index
            %get3A_1162 = arith.constant 48 : index
            %get3A_1163 = tpu.vector_load %arg14[%get3A_1161, %get3A_1162] {strides = array<i32>} : memref<128x128xi32, #tpu.memory_space<vmem>>, vector<16xi32>,
            %bitcast3A_1164 = vector.bitcast %get3A_1163 : vector<16xi32> to vector<32xbf16>
            %mul3A_1165 = arith.mulf %bitcast3A_1164, %pack3A_528 : vector<32xbf16>
            %add3A_1166 = arith.addf %add3A_1156, %mul3A_1165 : vector<32xbf16>
            %unpack3A_1167 = tpu.unpack_subelements %add3A_1166, 0 {pack_format = #tpu.pack_format<interleaved>} : vector<32xbf16> -> vector<16xf32>
            %unpack3A_1168 = tpu.unpack_subelements %add3A_1166, 1 {pack_format = #tpu.pack_format<interleaved>} : vector<32xbf16> -> vector<16xf32>
            %mul3A_1169 = arith.mulf %unpack3A_1167, %gather3A_481 : vector<16xf32>
            %mul3A_1170 = arith.mulf %unpack3A_1168, %gather3A_481 : vector<16xf32>
            %add3A_1171 = arith.addf %mul3A_1126, %mul3A_1169 : vector<16xf32>
            %add3A_1172 = arith.addf %mul3A_1127, %mul3A_1170 : vector<16xf32>
            %add3A_1173 = arith.constant 64 : i32
            %add3A_1174 = arith.addi %add3A_1173, %mul3A_501 : i32
            %add3A_1175 = arith.constant 0 : i32
            %add3A_1176 = arith.addi %add3A_1174, %add3A_1175 : i32
            %get3A_1177 = arith.index_cast %add3A_1176 : i32 to index
            %get3A_1178 = arith.constant 48 : index
            %get3A_1179 = tpu.vector_load %arg14[%get3A_1177, %get3A_1178] {strides = array<i32>} : memref<128x128xi32, #tpu.memory_space<vmem>>, vector<16xi32>,
            %bitcast3A_1180 = vector.bitcast %get3A_1179 : vector<16xi32> to vector<32xbf16>
            %mul3A_1181 = arith.mulf %bitcast3A_1180, %pack3A : vector<32xbf16>
            %add3A_1182 = arith.constant 80 : i32
            %add3A_1183 = arith.addi %add3A_1182, %mul3A_501 : i32
            %add3A_1184 = arith.constant 0 : i32
            %add3A_1185 = arith.addi %add3A_1183, %add3A_1184 : i32
            %get3A_1186 = arith.index_cast %add3A_1185 : i32 to index
            %get3A_1187 = arith.constant 48 : index
            %get3A_1188 = tpu.vector_load %arg14[%get3A_1186, %get3A_1187] {strides = array<i32>} : memref<128x128xi32, #tpu.memory_space<vmem>>, vector<16xi32>,
            %bitcast3A_1189 = vector.bitcast %get3A_1188 : vector<16xi32> to vector<32xbf16>
            %mul3A_1190 = arith.mulf %bitcast3A_1189, %pack3A_514 : vector<32xbf16>
            %add3A_1191 = arith.addf %mul3A_1181, %mul3A_1190 : vector<32xbf16>
            %add3A_1192 = arith.constant 64 : i32
            %add3A_1193 = arith.addi %add3A_1192, %mul3A_501 : i32
            %add3A_1194 = arith.constant 1 : i32
            %add3A_1195 = arith.addi %add3A_1193, %add3A_1194 : i32
            %get3A_1196 = arith.index_cast %add3A_1195 : i32 to index
            %get3A_1197 = arith.constant 48 : index
            %get3A_1198 = tpu.vector_load %arg14[%get3A_1196, %get3A_1197] {strides = array<i32>} : memref<128x128xi32, #tpu.memory_space<vmem>>, vector<16xi32>,
            %bitcast3A_1199 = vector.bitcast %get3A_1198 : vector<16xi32> to vector<32xbf16>
            %mul3A_1200 = arith.mulf %bitcast3A_1199, %pack3A_521 : vector<32xbf16>
            %add3A_1201 = arith.addf %add3A_1191, %mul3A_1200 : vector<32xbf16>
            %add3A_1202 = arith.constant 80 : i32
            %add3A_1203 = arith.addi %add3A_1202, %mul3A_501 : i32
            %add3A_1204 = arith.constant 1 : i32
            %add3A_1205 = arith.addi %add3A_1203, %add3A_1204 : i32
            %get3A_1206 = arith.index_cast %add3A_1205 : i32 to index
            %get3A_1207 = arith.constant 48 : index
            %get3A_1208 = tpu.vector_load %arg14[%get3A_1206, %get3A_1207] {strides = array<i32>} : memref<128x128xi32, #tpu.memory_space<vmem>>, vector<16xi32>,
            %bitcast3A_1209 = vector.bitcast %get3A_1208 : vector<16xi32> to vector<32xbf16>
            %mul3A_1210 = arith.mulf %bitcast3A_1209, %pack3A_528 : vector<32xbf16>
            %add3A_1211 = arith.addf %add3A_1201, %mul3A_1210 : vector<32xbf16>
            %unpack3A_1212 = tpu.unpack_subelements %add3A_1211, 0 {pack_format = #tpu.pack_format<interleaved>} : vector<32xbf16> -> vector<16xf32>
            %unpack3A_1213 = tpu.unpack_subelements %add3A_1211, 1 {pack_format = #tpu.pack_format<interleaved>} : vector<32xbf16> -> vector<16xf32>
            %mul3A_1214 = arith.mulf %unpack3A_1212, %gather3A_487 : vector<16xf32>
            %mul3A_1215 = arith.mulf %unpack3A_1213, %gather3A_487 : vector<16xf32>
            %add3A_1216 = arith.addf %add3A_1171, %mul3A_1214 : vector<16xf32>
            %add3A_1217 = arith.addf %add3A_1172, %mul3A_1215 : vector<16xf32>
            %add3A_1218 = arith.constant 96 : i32
            %add3A_1219 = arith.addi %add3A_1218, %mul3A_501 : i32
            %add3A_1220 = arith.constant 0 : i32
            %add3A_1221 = arith.addi %add3A_1219, %add3A_1220 : i32
            %get3A_1222 = arith.index_cast %add3A_1221 : i32 to index
            %get3A_1223 = arith.constant 48 : index
            %get3A_1224 = tpu.vector_load %arg14[%get3A_1222, %get3A_1223] {strides = array<i32>} : memref<128x128xi32, #tpu.memory_space<vmem>>, vector<16xi32>,
            %bitcast3A_1225 = vector.bitcast %get3A_1224 : vector<16xi32> to vector<32xbf16>
            %mul3A_1226 = arith.mulf %bitcast3A_1225, %pack3A : vector<32xbf16>
            %add3A_1227 = arith.constant 112 : i32
            %add3A_1228 = arith.addi %add3A_1227, %mul3A_501 : i32
            %add3A_1229 = arith.constant 0 : i32
            %add3A_1230 = arith.addi %add3A_1228, %add3A_1229 : i32
            %get3A_1231 = arith.index_cast %add3A_1230 : i32 to index
            %get3A_1232 = arith.constant 48 : index
            %get3A_1233 = tpu.vector_load %arg14[%get3A_1231, %get3A_1232] {strides = array<i32>} : memref<128x128xi32, #tpu.memory_space<vmem>>, vector<16xi32>,
            %bitcast3A_1234 = vector.bitcast %get3A_1233 : vector<16xi32> to vector<32xbf16>
            %mul3A_1235 = arith.mulf %bitcast3A_1234, %pack3A_514 : vector<32xbf16>
            %add3A_1236 = arith.addf %mul3A_1226, %mul3A_1235 : vector<32xbf16>
            %add3A_1237 = arith.constant 96 : i32
            %add3A_1238 = arith.addi %add3A_1237, %mul3A_501 : i32
            %add3A_1239 = arith.constant 1 : i32
            %add3A_1240 = arith.addi %add3A_1238, %add3A_1239 : i32
            %get3A_1241 = arith.index_cast %add3A_1240 : i32 to index
            %get3A_1242 = arith.constant 48 : index
            %get3A_1243 = tpu.vector_load %arg14[%get3A_1241, %get3A_1242] {strides = array<i32>} : memref<128x128xi32, #tpu.memory_space<vmem>>, vector<16xi32>,
            %bitcast3A_1244 = vector.bitcast %get3A_1243 : vector<16xi32> to vector<32xbf16>
            %mul3A_1245 = arith.mulf %bitcast3A_1244, %pack3A_521 : vector<32xbf16>
            %add3A_1246 = arith.addf %add3A_1236, %mul3A_1245 : vector<32xbf16>
            %add3A_1247 = arith.constant 112 : i32
            %add3A_1248 = arith.addi %add3A_1247, %mul3A_501 : i32
            %add3A_1249 = arith.constant 1 : i32
            %add3A_1250 = arith.addi %add3A_1248, %add3A_1249 : i32
            %get3A_1251 = arith.index_cast %add3A_1250 : i32 to index
            %get3A_1252 = arith.constant 48 : index
            %get3A_1253 = tpu.vector_load %arg14[%get3A_1251, %get3A_1252] {strides = array<i32>} : memref<128x128xi32, #tpu.memory_space<vmem>>, vector<16xi32>,
            %bitcast3A_1254 = vector.bitcast %get3A_1253 : vector<16xi32> to vector<32xbf16>
            %mul3A_1255 = arith.mulf %bitcast3A_1254, %pack3A_528 : vector<32xbf16>
            %add3A_1256 = arith.addf %add3A_1246, %mul3A_1255 : vector<32xbf16>
            %unpack3A_1257 = tpu.unpack_subelements %add3A_1256, 0 {pack_format = #tpu.pack_format<interleaved>} : vector<32xbf16> -> vector<16xf32>
            %unpack3A_1258 = tpu.unpack_subelements %add3A_1256, 1 {pack_format = #tpu.pack_format<interleaved>} : vector<32xbf16> -> vector<16xf32>
            %mul3A_1259 = arith.mulf %unpack3A_1257, %gather3A_493 : vector<16xf32>
            %mul3A_1260 = arith.mulf %unpack3A_1258, %gather3A_493 : vector<16xf32>
            %add3A_1261 = arith.addf %add3A_1216, %mul3A_1259 : vector<16xf32>
            %add3A_1262 = arith.addf %add3A_1217, %mul3A_1260 : vector<16xf32>
            %add3A_1263 = arith.constant 4704 : i32
            %add3A_1264 = arith.addi %add3A_1263, %add3A_531 : i32
            %add3A_1265 = vector.broadcast %add3A_1264 : i32 to vector<16xi32>
            %add3A_1266 = arith.addi %mul3A_15, %add3A_1265 : vector<16xi32>
            tpu.vector_store_idx %arg16[%add3A_1266], %add3A_1261 : memref<12544xf32, #tpu.memory_space<vmem>>[vector<16xi32>], vector<16xf32>,
            %add3A_1267 = arith.constant 49 : i32
            %add3A_1268 = vector.broadcast %add3A_1267 : i32 to vector<16xi32>
            %add3A_1269 = arith.addi %add3A_1266, %add3A_1268 : vector<16xi32>
            tpu.vector_store_idx %arg16[%add3A_1269], %add3A_1262 : memref<12544xf32, #tpu.memory_space<vmem>>[vector<16xi32>], vector<16xf32>,
            %add3A_1270 = arith.constant 0 : i32
            %add3A_1271 = arith.addi %add3A_1270, %mul3A_501 : i32
            %add3A_1272 = arith.constant 0 : i32
            %add3A_1273 = arith.addi %add3A_1271, %add3A_1272 : i32
            %get3A_1274 = arith.index_cast %add3A_1273 : i32 to index
            %get3A_1275 = arith.constant 64 : index
            %get3A_1276 = tpu.vector_load %arg14[%get3A_1274, %get3A_1275] {strides = array<i32>} : memref<128x128xi32, #tpu.memory_space<vmem>>, vector<16xi32>,
            %bitcast3A_1277 = vector.bitcast %get3A_1276 : vector<16xi32> to vector<32xbf16>
            %mul3A_1278 = arith.mulf %bitcast3A_1277, %pack3A : vector<32xbf16>
            %add3A_1279 = arith.constant 16 : i32
            %add3A_1280 = arith.addi %add3A_1279, %mul3A_501 : i32
            %add3A_1281 = arith.constant 0 : i32
            %add3A_1282 = arith.addi %add3A_1280, %add3A_1281 : i32
            %get3A_1283 = arith.index_cast %add3A_1282 : i32 to index
            %get3A_1284 = arith.constant 64 : index
            %get3A_1285 = tpu.vector_load %arg14[%get3A_1283, %get3A_1284] {strides = array<i32>} : memref<128x128xi32, #tpu.memory_space<vmem>>, vector<16xi32>,
            %bitcast3A_1286 = vector.bitcast %get3A_1285 : vector<16xi32> to vector<32xbf16>
            %mul3A_1287 = arith.mulf %bitcast3A_1286, %pack3A_514 : vector<32xbf16>
            %add3A_1288 = arith.addf %mul3A_1278, %mul3A_1287 : vector<32xbf16>
            %add3A_1289 = arith.constant 0 : i32
            %add3A_1290 = arith.addi %add3A_1289, %mul3A_501 : i32
            %add3A_1291 = arith.constant 1 : i32
            %add3A_1292 = arith.addi %add3A_1290, %add3A_1291 : i32
            %get3A_1293 = arith.index_cast %add3A_1292 : i32 to index
            %get3A_1294 = arith.constant 64 : index
            %get3A_1295 = tpu.vector_load %arg14[%get3A_1293, %get3A_1294] {strides = array<i32>} : memref<128x128xi32, #tpu.memory_space<vmem>>, vector<16xi32>,
            %bitcast3A_1296 = vector.bitcast %get3A_1295 : vector<16xi32> to vector<32xbf16>
            %mul3A_1297 = arith.mulf %bitcast3A_1296, %pack3A_521 : vector<32xbf16>
            %add3A_1298 = arith.addf %add3A_1288, %mul3A_1297 : vector<32xbf16>
            %add3A_1299 = arith.constant 16 : i32
            %add3A_1300 = arith.addi %add3A_1299, %mul3A_501 : i32
            %add3A_1301 = arith.constant 1 : i32
            %add3A_1302 = arith.addi %add3A_1300, %add3A_1301 : i32
            %get3A_1303 = arith.index_cast %add3A_1302 : i32 to index
            %get3A_1304 = arith.constant 64 : index
            %get3A_1305 = tpu.vector_load %arg14[%get3A_1303, %get3A_1304] {strides = array<i32>} : memref<128x128xi32, #tpu.memory_space<vmem>>, vector<16xi32>,
            %bitcast3A_1306 = vector.bitcast %get3A_1305 : vector<16xi32> to vector<32xbf16>
            %mul3A_1307 = arith.mulf %bitcast3A_1306, %pack3A_528 : vector<32xbf16>
            %add3A_1308 = arith.addf %add3A_1298, %mul3A_1307 : vector<32xbf16>
            %unpack3A_1309 = tpu.unpack_subelements %add3A_1308, 0 {pack_format = #tpu.pack_format<interleaved>} : vector<32xbf16> -> vector<16xf32>
            %unpack3A_1310 = tpu.unpack_subelements %add3A_1308, 1 {pack_format = #tpu.pack_format<interleaved>} : vector<32xbf16> -> vector<16xf32>
            %mul3A_1311 = arith.mulf %unpack3A_1309, %gather3A_475 : vector<16xf32>
            %mul3A_1312 = arith.mulf %unpack3A_1310, %gather3A_475 : vector<16xf32>
            %add3A_1313 = arith.constant 32 : i32
            %add3A_1314 = arith.addi %add3A_1313, %mul3A_501 : i32
            %add3A_1315 = arith.constant 0 : i32
            %add3A_1316 = arith.addi %add3A_1314, %add3A_1315 : i32
            %get3A_1317 = arith.index_cast %add3A_1316 : i32 to index
            %get3A_1318 = arith.constant 64 : index
            %get3A_1319 = tpu.vector_load %arg14[%get3A_1317, %get3A_1318] {strides = array<i32>} : memref<128x128xi32, #tpu.memory_space<vmem>>, vector<16xi32>,
            %bitcast3A_1320 = vector.bitcast %get3A_1319 : vector<16xi32> to vector<32xbf16>
            %mul3A_1321 = arith.mulf %bitcast3A_1320, %pack3A : vector<32xbf16>
            %add3A_1322 = arith.constant 48 : i32
            %add3A_1323 = arith.addi %add3A_1322, %mul3A_501 : i32
            %add3A_1324 = arith.constant 0 : i32
            %add3A_1325 = arith.addi %add3A_1323, %add3A_1324 : i32
            %get3A_1326 = arith.index_cast %add3A_1325 : i32 to index
            %get3A_1327 = arith.constant 64 : index
            %get3A_1328 = tpu.vector_load %arg14[%get3A_1326, %get3A_1327] {strides = array<i32>} : memref<128x128xi32, #tpu.memory_space<vmem>>, vector<16xi32>,
            %bitcast3A_1329 = vector.bitcast %get3A_1328 : vector<16xi32> to vector<32xbf16>
            %mul3A_1330 = arith.mulf %bitcast3A_1329, %pack3A_514 : vector<32xbf16>
            %add3A_1331 = arith.addf %mul3A_1321, %mul3A_1330 : vector<32xbf16>
            %add3A_1332 = arith.constant 32 : i32
            %add3A_1333 = arith.addi %add3A_1332, %mul3A_501 : i32
            %add3A_1334 = arith.constant 1 : i32
            %add3A_1335 = arith.addi %add3A_1333, %add3A_1334 : i32
            %get3A_1336 = arith.index_cast %add3A_1335 : i32 to index
            %get3A_1337 = arith.constant 64 : index
            %get3A_1338 = tpu.vector_load %arg14[%get3A_1336, %get3A_1337] {strides = array<i32>} : memref<128x128xi32, #tpu.memory_space<vmem>>, vector<16xi32>,
            %bitcast3A_1339 = vector.bitcast %get3A_1338 : vector<16xi32> to vector<32xbf16>
            %mul3A_1340 = arith.mulf %bitcast3A_1339, %pack3A_521 : vector<32xbf16>
            %add3A_1341 = arith.addf %add3A_1331, %mul3A_1340 : vector<32xbf16>
            %add3A_1342 = arith.constant 48 : i32
            %add3A_1343 = arith.addi %add3A_1342, %mul3A_501 : i32
            %add3A_1344 = arith.constant 1 : i32
            %add3A_1345 = arith.addi %add3A_1343, %add3A_1344 : i32
            %get3A_1346 = arith.index_cast %add3A_1345 : i32 to index
            %get3A_1347 = arith.constant 64 : index
            %get3A_1348 = tpu.vector_load %arg14[%get3A_1346, %get3A_1347] {strides = array<i32>} : memref<128x128xi32, #tpu.memory_space<vmem>>, vector<16xi32>,
            %bitcast3A_1349 = vector.bitcast %get3A_1348 : vector<16xi32> to vector<32xbf16>
            %mul3A_1350 = arith.mulf %bitcast3A_1349, %pack3A_528 : vector<32xbf16>
            %add3A_1351 = arith.addf %add3A_1341, %mul3A_1350 : vector<32xbf16>
            %unpack3A_1352 = tpu.unpack_subelements %add3A_1351, 0 {pack_format = #tpu.pack_format<interleaved>} : vector<32xbf16> -> vector<16xf32>
            %unpack3A_1353 = tpu.unpack_subelements %add3A_1351, 1 {pack_format = #tpu.pack_format<interleaved>} : vector<32xbf16> -> vector<16xf32>
            %mul3A_1354 = arith.mulf %unpack3A_1352, %gather3A_481 : vector<16xf32>
            %mul3A_1355 = arith.mulf %unpack3A_1353, %gather3A_481 : vector<16xf32>
            %add3A_1356 = arith.addf %mul3A_1311, %mul3A_1354 : vector<16xf32>
            %add3A_1357 = arith.addf %mul3A_1312, %mul3A_1355 : vector<16xf32>
            %add3A_1358 = arith.constant 64 : i32
            %add3A_1359 = arith.addi %add3A_1358, %mul3A_501 : i32
            %add3A_1360 = arith.constant 0 : i32
            %add3A_1361 = arith.addi %add3A_1359, %add3A_1360 : i32
            %get3A_1362 = arith.index_cast %add3A_1361 : i32 to index
            %get3A_1363 = arith.constant 64 : index
            %get3A_1364 = tpu.vector_load %arg14[%get3A_1362, %get3A_1363] {strides = array<i32>} : memref<128x128xi32, #tpu.memory_space<vmem>>, vector<16xi32>,
            %bitcast3A_1365 = vector.bitcast %get3A_1364 : vector<16xi32> to vector<32xbf16>
            %mul3A_1366 = arith.mulf %bitcast3A_1365, %pack3A : vector<32xbf16>
            %add3A_1367 = arith.constant 80 : i32
            %add3A_1368 = arith.addi %add3A_1367, %mul3A_501 : i32
            %add3A_1369 = arith.constant 0 : i32
            %add3A_1370 = arith.addi %add3A_1368, %add3A_1369 : i32
            %get3A_1371 = arith.index_cast %add3A_1370 : i32 to index
            %get3A_1372 = arith.constant 64 : index
            %get3A_1373 = tpu.vector_load %arg14[%get3A_1371, %get3A_1372] {strides = array<i32>} : memref<128x128xi32, #tpu.memory_space<vmem>>, vector<16xi32>,
            %bitcast3A_1374 = vector.bitcast %get3A_1373 : vector<16xi32> to vector<32xbf16>
            %mul3A_1375 = arith.mulf %bitcast3A_1374, %pack3A_514 : vector<32xbf16>
            %add3A_1376 = arith.addf %mul3A_1366, %mul3A_1375 : vector<32xbf16>
            %add3A_1377 = arith.constant 64 : i32
            %add3A_1378 = arith.addi %add3A_1377, %mul3A_501 : i32
            %add3A_1379 = arith.constant 1 : i32
            %add3A_1380 = arith.addi %add3A_1378, %add3A_1379 : i32
            %get3A_1381 = arith.index_cast %add3A_1380 : i32 to index
            %get3A_1382 = arith.constant 64 : index
            %get3A_1383 = tpu.vector_load %arg14[%get3A_1381, %get3A_1382] {strides = array<i32>} : memref<128x128xi32, #tpu.memory_space<vmem>>, vector<16xi32>,
            %bitcast3A_1384 = vector.bitcast %get3A_1383 : vector<16xi32> to vector<32xbf16>
            %mul3A_1385 = arith.mulf %bitcast3A_1384, %pack3A_521 : vector<32xbf16>
            %add3A_1386 = arith.addf %add3A_1376, %mul3A_1385 : vector<32xbf16>
            %add3A_1387 = arith.constant 80 : i32
            %add3A_1388 = arith.addi %add3A_1387, %mul3A_501 : i32
            %add3A_1389 = arith.constant 1 : i32
            %add3A_1390 = arith.addi %add3A_1388, %add3A_1389 : i32
            %get3A_1391 = arith.index_cast %add3A_1390 : i32 to index
            %get3A_1392 = arith.constant 64 : index
            %get3A_1393 = tpu.vector_load %arg14[%get3A_1391, %get3A_1392] {strides = array<i32>} : memref<128x128xi32, #tpu.memory_space<vmem>>, vector<16xi32>,
            %bitcast3A_1394 = vector.bitcast %get3A_1393 : vector<16xi32> to vector<32xbf16>
            %mul3A_1395 = arith.mulf %bitcast3A_1394, %pack3A_528 : vector<32xbf16>
            %add3A_1396 = arith.addf %add3A_1386, %mul3A_1395 : vector<32xbf16>
            %unpack3A_1397 = tpu.unpack_subelements %add3A_1396, 0 {pack_format = #tpu.pack_format<interleaved>} : vector<32xbf16> -> vector<16xf32>
            %unpack3A_1398 = tpu.unpack_subelements %add3A_1396, 1 {pack_format = #tpu.pack_format<interleaved>} : vector<32xbf16> -> vector<16xf32>
            %mul3A_1399 = arith.mulf %unpack3A_1397, %gather3A_487 : vector<16xf32>
            %mul3A_1400 = arith.mulf %unpack3A_1398, %gather3A_487 : vector<16xf32>
            %add3A_1401 = arith.addf %add3A_1356, %mul3A_1399 : vector<16xf32>
            %add3A_1402 = arith.addf %add3A_1357, %mul3A_1400 : vector<16xf32>
            %add3A_1403 = arith.constant 96 : i32
            %add3A_1404 = arith.addi %add3A_1403, %mul3A_501 : i32
            %add3A_1405 = arith.constant 0 : i32
            %add3A_1406 = arith.addi %add3A_1404, %add3A_1405 : i32
            %get3A_1407 = arith.index_cast %add3A_1406 : i32 to index
            %get3A_1408 = arith.constant 64 : index
            %get3A_1409 = tpu.vector_load %arg14[%get3A_1407, %get3A_1408] {strides = array<i32>} : memref<128x128xi32, #tpu.memory_space<vmem>>, vector<16xi32>,
            %bitcast3A_1410 = vector.bitcast %get3A_1409 : vector<16xi32> to vector<32xbf16>
            %mul3A_1411 = arith.mulf %bitcast3A_1410, %pack3A : vector<32xbf16>
            %add3A_1412 = arith.constant 112 : i32
            %add3A_1413 = arith.addi %add3A_1412, %mul3A_501 : i32
            %add3A_1414 = arith.constant 0 : i32
            %add3A_1415 = arith.addi %add3A_1413, %add3A_1414 : i32
            %get3A_1416 = arith.index_cast %add3A_1415 : i32 to index
            %get3A_1417 = arith.constant 64 : index
            %get3A_1418 = tpu.vector_load %arg14[%get3A_1416, %get3A_1417] {strides = array<i32>} : memref<128x128xi32, #tpu.memory_space<vmem>>, vector<16xi32>,
            %bitcast3A_1419 = vector.bitcast %get3A_1418 : vector<16xi32> to vector<32xbf16>
            %mul3A_1420 = arith.mulf %bitcast3A_1419, %pack3A_514 : vector<32xbf16>
            %add3A_1421 = arith.addf %mul3A_1411, %mul3A_1420 : vector<32xbf16>
            %add3A_1422 = arith.constant 96 : i32
            %add3A_1423 = arith.addi %add3A_1422, %mul3A_501 : i32
            %add3A_1424 = arith.constant 1 : i32
            %add3A_1425 = arith.addi %add3A_1423, %add3A_1424 : i32
            %get3A_1426 = arith.index_cast %add3A_1425 : i32 to index
            %get3A_1427 = arith.constant 64 : index
            %get3A_1428 = tpu.vector_load %arg14[%get3A_1426, %get3A_1427] {strides = array<i32>} : memref<128x128xi32, #tpu.memory_space<vmem>>, vector<16xi32>,
            %bitcast3A_1429 = vector.bitcast %get3A_1428 : vector<16xi32> to vector<32xbf16>
            %mul3A_1430 = arith.mulf %bitcast3A_1429, %pack3A_521 : vector<32xbf16>
            %add3A_1431 = arith.addf %add3A_1421, %mul3A_1430 : vector<32xbf16>
            %add3A_1432 = arith.constant 112 : i32
            %add3A_1433 = arith.addi %add3A_1432, %mul3A_501 : i32
            %add3A_1434 = arith.constant 1 : i32
            %add3A_1435 = arith.addi %add3A_1433, %add3A_1434 : i32
            %get3A_1436 = arith.index_cast %add3A_1435 : i32 to index
            %get3A_1437 = arith.constant 64 : index
            %get3A_1438 = tpu.vector_load %arg14[%get3A_1436, %get3A_1437] {strides = array<i32>} : memref<128x128xi32, #tpu.memory_space<vmem>>, vector<16xi32>,
            %bitcast3A_1439 = vector.bitcast %get3A_1438 : vector<16xi32> to vector<32xbf16>
            %mul3A_1440 = arith.mulf %bitcast3A_1439, %pack3A_528 : vector<32xbf16>
            %add3A_1441 = arith.addf %add3A_1431, %mul3A_1440 : vector<32xbf16>
            %unpack3A_1442 = tpu.unpack_subelements %add3A_1441, 0 {pack_format = #tpu.pack_format<interleaved>} : vector<32xbf16> -> vector<16xf32>
            %unpack3A_1443 = tpu.unpack_subelements %add3A_1441, 1 {pack_format = #tpu.pack_format<interleaved>} : vector<32xbf16> -> vector<16xf32>
            %mul3A_1444 = arith.mulf %unpack3A_1442, %gather3A_493 : vector<16xf32>
            %mul3A_1445 = arith.mulf %unpack3A_1443, %gather3A_493 : vector<16xf32>
            %add3A_1446 = arith.addf %add3A_1401, %mul3A_1444 : vector<16xf32>
            %add3A_1447 = arith.addf %add3A_1402, %mul3A_1445 : vector<16xf32>
            %add3A_1448 = arith.constant 6272 : i32
            %add3A_1449 = arith.addi %add3A_1448, %add3A_531 : i32
            %add3A_1450 = vector.broadcast %add3A_1449 : i32 to vector<16xi32>
            %add3A_1451 = arith.addi %mul3A_15, %add3A_1450 : vector<16xi32>
            tpu.vector_store_idx %arg16[%add3A_1451], %add3A_1446 : memref<12544xf32, #tpu.memory_space<vmem>>[vector<16xi32>], vector<16xf32>,
            %add3A_1452 = arith.constant 49 : i32
            %add3A_1453 = vector.broadcast %add3A_1452 : i32 to vector<16xi32>
            %add3A_1454 = arith.addi %add3A_1451, %add3A_1453 : vector<16xi32>
            tpu.vector_store_idx %arg16[%add3A_1454], %add3A_1447 : memref<12544xf32, #tpu.memory_space<vmem>>[vector<16xi32>], vector<16xf32>,
            %add3A_1455 = arith.constant 0 : i32
            %add3A_1456 = arith.addi %add3A_1455, %mul3A_501 : i32
            %add3A_1457 = arith.constant 0 : i32
            %add3A_1458 = arith.addi %add3A_1456, %add3A_1457 : i32
            %get3A_1459 = arith.index_cast %add3A_1458 : i32 to index
            %get3A_1460 = arith.constant 80 : index
            %get3A_1461 = tpu.vector_load %arg14[%get3A_1459, %get3A_1460] {strides = array<i32>} : memref<128x128xi32, #tpu.memory_space<vmem>>, vector<16xi32>,
            %bitcast3A_1462 = vector.bitcast %get3A_1461 : vector<16xi32> to vector<32xbf16>
            %mul3A_1463 = arith.mulf %bitcast3A_1462, %pack3A : vector<32xbf16>
            %add3A_1464 = arith.constant 16 : i32
            %add3A_1465 = arith.addi %add3A_1464, %mul3A_501 : i32
            %add3A_1466 = arith.constant 0 : i32
            %add3A_1467 = arith.addi %add3A_1465, %add3A_1466 : i32
            %get3A_1468 = arith.index_cast %add3A_1467 : i32 to index
            %get3A_1469 = arith.constant 80 : index
            %get3A_1470 = tpu.vector_load %arg14[%get3A_1468, %get3A_1469] {strides = array<i32>} : memref<128x128xi32, #tpu.memory_space<vmem>>, vector<16xi32>,
            %bitcast3A_1471 = vector.bitcast %get3A_1470 : vector<16xi32> to vector<32xbf16>
            %mul3A_1472 = arith.mulf %bitcast3A_1471, %pack3A_514 : vector<32xbf16>
            %add3A_1473 = arith.addf %mul3A_1463, %mul3A_1472 : vector<32xbf16>
            %add3A_1474 = arith.constant 0 : i32
            %add3A_1475 = arith.addi %add3A_1474, %mul3A_501 : i32
            %add3A_1476 = arith.constant 1 : i32
            %add3A_1477 = arith.addi %add3A_1475, %add3A_1476 : i32
            %get3A_1478 = arith.index_cast %add3A_1477 : i32 to index
            %get3A_1479 = arith.constant 80 : index
            %get3A_1480 = tpu.vector_load %arg14[%get3A_1478, %get3A_1479] {strides = array<i32>} : memref<128x128xi32, #tpu.memory_space<vmem>>, vector<16xi32>,
            %bitcast3A_1481 = vector.bitcast %get3A_1480 : vector<16xi32> to vector<32xbf16>
            %mul3A_1482 = arith.mulf %bitcast3A_1481, %pack3A_521 : vector<32xbf16>
            %add3A_1483 = arith.addf %add3A_1473, %mul3A_1482 : vector<32xbf16>
            %add3A_1484 = arith.constant 16 : i32
            %add3A_1485 = arith.addi %add3A_1484, %mul3A_501 : i32
            %add3A_1486 = arith.constant 1 : i32
            %add3A_1487 = arith.addi %add3A_1485, %add3A_1486 : i32
            %get3A_1488 = arith.index_cast %add3A_1487 : i32 to index
            %get3A_1489 = arith.constant 80 : index
            %get3A_1490 = tpu.vector_load %arg14[%get3A_1488, %get3A_1489] {strides = array<i32>} : memref<128x128xi32, #tpu.memory_space<vmem>>, vector<16xi32>,
            %bitcast3A_1491 = vector.bitcast %get3A_1490 : vector<16xi32> to vector<32xbf16>
            %mul3A_1492 = arith.mulf %bitcast3A_1491, %pack3A_528 : vector<32xbf16>
            %add3A_1493 = arith.addf %add3A_1483, %mul3A_1492 : vector<32xbf16>
            %unpack3A_1494 = tpu.unpack_subelements %add3A_1493, 0 {pack_format = #tpu.pack_format<interleaved>} : vector<32xbf16> -> vector<16xf32>
            %unpack3A_1495 = tpu.unpack_subelements %add3A_1493, 1 {pack_format = #tpu.pack_format<interleaved>} : vector<32xbf16> -> vector<16xf32>
            %mul3A_1496 = arith.mulf %unpack3A_1494, %gather3A_475 : vector<16xf32>
            %mul3A_1497 = arith.mulf %unpack3A_1495, %gather3A_475 : vector<16xf32>
            %add3A_1498 = arith.constant 32 : i32
            %add3A_1499 = arith.addi %add3A_1498, %mul3A_501 : i32
            %add3A_1500 = arith.constant 0 : i32
            %add3A_1501 = arith.addi %add3A_1499, %add3A_1500 : i32
            %get3A_1502 = arith.index_cast %add3A_1501 : i32 to index
            %get3A_1503 = arith.constant 80 : index
            %get3A_1504 = tpu.vector_load %arg14[%get3A_1502, %get3A_1503] {strides = array<i32>} : memref<128x128xi32, #tpu.memory_space<vmem>>, vector<16xi32>,
            %bitcast3A_1505 = vector.bitcast %get3A_1504 : vector<16xi32> to vector<32xbf16>
            %mul3A_1506 = arith.mulf %bitcast3A_1505, %pack3A : vector<32xbf16>
            %add3A_1507 = arith.constant 48 : i32
            %add3A_1508 = arith.addi %add3A_1507, %mul3A_501 : i32
            %add3A_1509 = arith.constant 0 : i32
            %add3A_1510 = arith.addi %add3A_1508, %add3A_1509 : i32
            %get3A_1511 = arith.index_cast %add3A_1510 : i32 to index
            %get3A_1512 = arith.constant 80 : index
            %get3A_1513 = tpu.vector_load %arg14[%get3A_1511, %get3A_1512] {strides = array<i32>} : memref<128x128xi32, #tpu.memory_space<vmem>>, vector<16xi32>,
            %bitcast3A_1514 = vector.bitcast %get3A_1513 : vector<16xi32> to vector<32xbf16>
            %mul3A_1515 = arith.mulf %bitcast3A_1514, %pack3A_514 : vector<32xbf16>
            %add3A_1516 = arith.addf %mul3A_1506, %mul3A_1515 : vector<32xbf16>
            %add3A_1517 = arith.constant 32 : i32
            %add3A_1518 = arith.addi %add3A_1517, %mul3A_501 : i32
            %add3A_1519 = arith.constant 1 : i32
            %add3A_1520 = arith.addi %add3A_1518, %add3A_1519 : i32
            %get3A_1521 = arith.index_cast %add3A_1520 : i32 to index
            %get3A_1522 = arith.constant 80 : index
            %get3A_1523 = tpu.vector_load %arg14[%get3A_1521, %get3A_1522] {strides = array<i32>} : memref<128x128xi32, #tpu.memory_space<vmem>>, vector<16xi32>,
            %bitcast3A_1524 = vector.bitcast %get3A_1523 : vector<16xi32> to vector<32xbf16>
            %mul3A_1525 = arith.mulf %bitcast3A_1524, %pack3A_521 : vector<32xbf16>
            %add3A_1526 = arith.addf %add3A_1516, %mul3A_1525 : vector<32xbf16>
            %add3A_1527 = arith.constant 48 : i32
            %add3A_1528 = arith.addi %add3A_1527, %mul3A_501 : i32
            %add3A_1529 = arith.constant 1 : i32
            %add3A_1530 = arith.addi %add3A_1528, %add3A_1529 : i32
            %get3A_1531 = arith.index_cast %add3A_1530 : i32 to index
            %get3A_1532 = arith.constant 80 : index
            %get3A_1533 = tpu.vector_load %arg14[%get3A_1531, %get3A_1532] {strides = array<i32>} : memref<128x128xi32, #tpu.memory_space<vmem>>, vector<16xi32>,
            %bitcast3A_1534 = vector.bitcast %get3A_1533 : vector<16xi32> to vector<32xbf16>
            %mul3A_1535 = arith.mulf %bitcast3A_1534, %pack3A_528 : vector<32xbf16>
            %add3A_1536 = arith.addf %add3A_1526, %mul3A_1535 : vector<32xbf16>
            %unpack3A_1537 = tpu.unpack_subelements %add3A_1536, 0 {pack_format = #tpu.pack_format<interleaved>} : vector<32xbf16> -> vector<16xf32>
            %unpack3A_1538 = tpu.unpack_subelements %add3A_1536, 1 {pack_format = #tpu.pack_format<interleaved>} : vector<32xbf16> -> vector<16xf32>
            %mul3A_1539 = arith.mulf %unpack3A_1537, %gather3A_481 : vector<16xf32>
            %mul3A_1540 = arith.mulf %unpack3A_1538, %gather3A_481 : vector<16xf32>
            %add3A_1541 = arith.addf %mul3A_1496, %mul3A_1539 : vector<16xf32>
            %add3A_1542 = arith.addf %mul3A_1497, %mul3A_1540 : vector<16xf32>
            %add3A_1543 = arith.constant 64 : i32
            %add3A_1544 = arith.addi %add3A_1543, %mul3A_501 : i32
            %add3A_1545 = arith.constant 0 : i32
            %add3A_1546 = arith.addi %add3A_1544, %add3A_1545 : i32
            %get3A_1547 = arith.index_cast %add3A_1546 : i32 to index
            %get3A_1548 = arith.constant 80 : index
            %get3A_1549 = tpu.vector_load %arg14[%get3A_1547, %get3A_1548] {strides = array<i32>} : memref<128x128xi32, #tpu.memory_space<vmem>>, vector<16xi32>,
            %bitcast3A_1550 = vector.bitcast %get3A_1549 : vector<16xi32> to vector<32xbf16>
            %mul3A_1551 = arith.mulf %bitcast3A_1550, %pack3A : vector<32xbf16>
            %add3A_1552 = arith.constant 80 : i32
            %add3A_1553 = arith.addi %add3A_1552, %mul3A_501 : i32
            %add3A_1554 = arith.constant 0 : i32
            %add3A_1555 = arith.addi %add3A_1553, %add3A_1554 : i32
            %get3A_1556 = arith.index_cast %add3A_1555 : i32 to index
            %get3A_1557 = arith.constant 80 : index
            %get3A_1558 = tpu.vector_load %arg14[%get3A_1556, %get3A_1557] {strides = array<i32>} : memref<128x128xi32, #tpu.memory_space<vmem>>, vector<16xi32>,
            %bitcast3A_1559 = vector.bitcast %get3A_1558 : vector<16xi32> to vector<32xbf16>
            %mul3A_1560 = arith.mulf %bitcast3A_1559, %pack3A_514 : vector<32xbf16>
            %add3A_1561 = arith.addf %mul3A_1551, %mul3A_1560 : vector<32xbf16>
            %add3A_1562 = arith.constant 64 : i32
            %add3A_1563 = arith.addi %add3A_1562, %mul3A_501 : i32
            %add3A_1564 = arith.constant 1 : i32
            %add3A_1565 = arith.addi %add3A_1563, %add3A_1564 : i32
            %get3A_1566 = arith.index_cast %add3A_1565 : i32 to index
            %get3A_1567 = arith.constant 80 : index
            %get3A_1568 = tpu.vector_load %arg14[%get3A_1566, %get3A_1567] {strides = array<i32>} : memref<128x128xi32, #tpu.memory_space<vmem>>, vector<16xi32>,
            %bitcast3A_1569 = vector.bitcast %get3A_1568 : vector<16xi32> to vector<32xbf16>
            %mul3A_1570 = arith.mulf %bitcast3A_1569, %pack3A_521 : vector<32xbf16>
            %add3A_1571 = arith.addf %add3A_1561, %mul3A_1570 : vector<32xbf16>
            %add3A_1572 = arith.constant 80 : i32
            %add3A_1573 = arith.addi %add3A_1572, %mul3A_501 : i32
            %add3A_1574 = arith.constant 1 : i32
            %add3A_1575 = arith.addi %add3A_1573, %add3A_1574 : i32
            %get3A_1576 = arith.index_cast %add3A_1575 : i32 to index
            %get3A_1577 = arith.constant 80 : index
            %get3A_1578 = tpu.vector_load %arg14[%get3A_1576, %get3A_1577] {strides = array<i32>} : memref<128x128xi32, #tpu.memory_space<vmem>>, vector<16xi32>,
            %bitcast3A_1579 = vector.bitcast %get3A_1578 : vector<16xi32> to vector<32xbf16>
            %mul3A_1580 = arith.mulf %bitcast3A_1579, %pack3A_528 : vector<32xbf16>
            %add3A_1581 = arith.addf %add3A_1571, %mul3A_1580 : vector<32xbf16>
            %unpack3A_1582 = tpu.unpack_subelements %add3A_1581, 0 {pack_format = #tpu.pack_format<interleaved>} : vector<32xbf16> -> vector<16xf32>
            %unpack3A_1583 = tpu.unpack_subelements %add3A_1581, 1 {pack_format = #tpu.pack_format<interleaved>} : vector<32xbf16> -> vector<16xf32>
            %mul3A_1584 = arith.mulf %unpack3A_1582, %gather3A_487 : vector<16xf32>
            %mul3A_1585 = arith.mulf %unpack3A_1583, %gather3A_487 : vector<16xf32>
            %add3A_1586 = arith.addf %add3A_1541, %mul3A_1584 : vector<16xf32>
            %add3A_1587 = arith.addf %add3A_1542, %mul3A_1585 : vector<16xf32>
            %add3A_1588 = arith.constant 96 : i32
            %add3A_1589 = arith.addi %add3A_1588, %mul3A_501 : i32
            %add3A_1590 = arith.constant 0 : i32
            %add3A_1591 = arith.addi %add3A_1589, %add3A_1590 : i32
            %get3A_1592 = arith.index_cast %add3A_1591 : i32 to index
            %get3A_1593 = arith.constant 80 : index
            %get3A_1594 = tpu.vector_load %arg14[%get3A_1592, %get3A_1593] {strides = array<i32>} : memref<128x128xi32, #tpu.memory_space<vmem>>, vector<16xi32>,
            %bitcast3A_1595 = vector.bitcast %get3A_1594 : vector<16xi32> to vector<32xbf16>
            %mul3A_1596 = arith.mulf %bitcast3A_1595, %pack3A : vector<32xbf16>
            %add3A_1597 = arith.constant 112 : i32
            %add3A_1598 = arith.addi %add3A_1597, %mul3A_501 : i32
            %add3A_1599 = arith.constant 0 : i32
            %add3A_1600 = arith.addi %add3A_1598, %add3A_1599 : i32
            %get3A_1601 = arith.index_cast %add3A_1600 : i32 to index
            %get3A_1602 = arith.constant 80 : index
            %get3A_1603 = tpu.vector_load %arg14[%get3A_1601, %get3A_1602] {strides = array<i32>} : memref<128x128xi32, #tpu.memory_space<vmem>>, vector<16xi32>,
            %bitcast3A_1604 = vector.bitcast %get3A_1603 : vector<16xi32> to vector<32xbf16>
            %mul3A_1605 = arith.mulf %bitcast3A_1604, %pack3A_514 : vector<32xbf16>
            %add3A_1606 = arith.addf %mul3A_1596, %mul3A_1605 : vector<32xbf16>
            %add3A_1607 = arith.constant 96 : i32
            %add3A_1608 = arith.addi %add3A_1607, %mul3A_501 : i32
            %add3A_1609 = arith.constant 1 : i32
            %add3A_1610 = arith.addi %add3A_1608, %add3A_1609 : i32
            %get3A_1611 = arith.index_cast %add3A_1610 : i32 to index
            %get3A_1612 = arith.constant 80 : index
            %get3A_1613 = tpu.vector_load %arg14[%get3A_1611, %get3A_1612] {strides = array<i32>} : memref<128x128xi32, #tpu.memory_space<vmem>>, vector<16xi32>,
            %bitcast3A_1614 = vector.bitcast %get3A_1613 : vector<16xi32> to vector<32xbf16>
            %mul3A_1615 = arith.mulf %bitcast3A_1614, %pack3A_521 : vector<32xbf16>
            %add3A_1616 = arith.addf %add3A_1606, %mul3A_1615 : vector<32xbf16>
            %add3A_1617 = arith.constant 112 : i32
            %add3A_1618 = arith.addi %add3A_1617, %mul3A_501 : i32
            %add3A_1619 = arith.constant 1 : i32
            %add3A_1620 = arith.addi %add3A_1618, %add3A_1619 : i32
            %get3A_1621 = arith.index_cast %add3A_1620 : i32 to index
            %get3A_1622 = arith.constant 80 : index
            %get3A_1623 = tpu.vector_load %arg14[%get3A_1621, %get3A_1622] {strides = array<i32>} : memref<128x128xi32, #tpu.memory_space<vmem>>, vector<16xi32>,
            %bitcast3A_1624 = vector.bitcast %get3A_1623 : vector<16xi32> to vector<32xbf16>
            %mul3A_1625 = arith.mulf %bitcast3A_1624, %pack3A_528 : vector<32xbf16>
            %add3A_1626 = arith.addf %add3A_1616, %mul3A_1625 : vector<32xbf16>
            %unpack3A_1627 = tpu.unpack_subelements %add3A_1626, 0 {pack_format = #tpu.pack_format<interleaved>} : vector<32xbf16> -> vector<16xf32>
            %unpack3A_1628 = tpu.unpack_subelements %add3A_1626, 1 {pack_format = #tpu.pack_format<interleaved>} : vector<32xbf16> -> vector<16xf32>
            %mul3A_1629 = arith.mulf %unpack3A_1627, %gather3A_493 : vector<16xf32>
            %mul3A_1630 = arith.mulf %unpack3A_1628, %gather3A_493 : vector<16xf32>
            %add3A_1631 = arith.addf %add3A_1586, %mul3A_1629 : vector<16xf32>
            %add3A_1632 = arith.addf %add3A_1587, %mul3A_1630 : vector<16xf32>
            %add3A_1633 = arith.constant 7840 : i32
            %add3A_1634 = arith.addi %add3A_1633, %add3A_531 : i32
            %add3A_1635 = vector.broadcast %add3A_1634 : i32 to vector<16xi32>
            %add3A_1636 = arith.addi %mul3A_15, %add3A_1635 : vector<16xi32>
            tpu.vector_store_idx %arg16[%add3A_1636], %add3A_1631 : memref<12544xf32, #tpu.memory_space<vmem>>[vector<16xi32>], vector<16xf32>,
            %add3A_1637 = arith.constant 49 : i32
            %add3A_1638 = vector.broadcast %add3A_1637 : i32 to vector<16xi32>
            %add3A_1639 = arith.addi %add3A_1636, %add3A_1638 : vector<16xi32>
            tpu.vector_store_idx %arg16[%add3A_1639], %add3A_1632 : memref<12544xf32, #tpu.memory_space<vmem>>[vector<16xi32>], vector<16xf32>,
            %add3A_1640 = arith.constant 0 : i32
            %add3A_1641 = arith.addi %add3A_1640, %mul3A_501 : i32
            %add3A_1642 = arith.constant 0 : i32
            %add3A_1643 = arith.addi %add3A_1641, %add3A_1642 : i32
            %get3A_1644 = arith.index_cast %add3A_1643 : i32 to index
            %get3A_1645 = arith.constant 96 : index
            %get3A_1646 = tpu.vector_load %arg14[%get3A_1644, %get3A_1645] {strides = array<i32>} : memref<128x128xi32, #tpu.memory_space<vmem>>, vector<16xi32>,
            %bitcast3A_1647 = vector.bitcast %get3A_1646 : vector<16xi32> to vector<32xbf16>
            %mul3A_1648 = arith.mulf %bitcast3A_1647, %pack3A : vector<32xbf16>
            %add3A_1649 = arith.constant 16 : i32
            %add3A_1650 = arith.addi %add3A_1649, %mul3A_501 : i32
            %add3A_1651 = arith.constant 0 : i32
            %add3A_1652 = arith.addi %add3A_1650, %add3A_1651 : i32
            %get3A_1653 = arith.index_cast %add3A_1652 : i32 to index
            %get3A_1654 = arith.constant 96 : index
            %get3A_1655 = tpu.vector_load %arg14[%get3A_1653, %get3A_1654] {strides = array<i32>} : memref<128x128xi32, #tpu.memory_space<vmem>>, vector<16xi32>,
            %bitcast3A_1656 = vector.bitcast %get3A_1655 : vector<16xi32> to vector<32xbf16>
            %mul3A_1657 = arith.mulf %bitcast3A_1656, %pack3A_514 : vector<32xbf16>
            %add3A_1658 = arith.addf %mul3A_1648, %mul3A_1657 : vector<32xbf16>
            %add3A_1659 = arith.constant 0 : i32
            %add3A_1660 = arith.addi %add3A_1659, %mul3A_501 : i32
            %add3A_1661 = arith.constant 1 : i32
            %add3A_1662 = arith.addi %add3A_1660, %add3A_1661 : i32
            %get3A_1663 = arith.index_cast %add3A_1662 : i32 to index
            %get3A_1664 = arith.constant 96 : index
            %get3A_1665 = tpu.vector_load %arg14[%get3A_1663, %get3A_1664] {strides = array<i32>} : memref<128x128xi32, #tpu.memory_space<vmem>>, vector<16xi32>,
            %bitcast3A_1666 = vector.bitcast %get3A_1665 : vector<16xi32> to vector<32xbf16>
            %mul3A_1667 = arith.mulf %bitcast3A_1666, %pack3A_521 : vector<32xbf16>
            %add3A_1668 = arith.addf %add3A_1658, %mul3A_1667 : vector<32xbf16>
            %add3A_1669 = arith.constant 16 : i32
            %add3A_1670 = arith.addi %add3A_1669, %mul3A_501 : i32
            %add3A_1671 = arith.constant 1 : i32
            %add3A_1672 = arith.addi %add3A_1670, %add3A_1671 : i32
            %get3A_1673 = arith.index_cast %add3A_1672 : i32 to index
            %get3A_1674 = arith.constant 96 : index
            %get3A_1675 = tpu.vector_load %arg14[%get3A_1673, %get3A_1674] {strides = array<i32>} : memref<128x128xi32, #tpu.memory_space<vmem>>, vector<16xi32>,
            %bitcast3A_1676 = vector.bitcast %get3A_1675 : vector<16xi32> to vector<32xbf16>
            %mul3A_1677 = arith.mulf %bitcast3A_1676, %pack3A_528 : vector<32xbf16>
            %add3A_1678 = arith.addf %add3A_1668, %mul3A_1677 : vector<32xbf16>
            %unpack3A_1679 = tpu.unpack_subelements %add3A_1678, 0 {pack_format = #tpu.pack_format<interleaved>} : vector<32xbf16> -> vector<16xf32>
            %unpack3A_1680 = tpu.unpack_subelements %add3A_1678, 1 {pack_format = #tpu.pack_format<interleaved>} : vector<32xbf16> -> vector<16xf32>
            %mul3A_1681 = arith.mulf %unpack3A_1679, %gather3A_475 : vector<16xf32>
            %mul3A_1682 = arith.mulf %unpack3A_1680, %gather3A_475 : vector<16xf32>
            %add3A_1683 = arith.constant 32 : i32
            %add3A_1684 = arith.addi %add3A_1683, %mul3A_501 : i32
            %add3A_1685 = arith.constant 0 : i32
            %add3A_1686 = arith.addi %add3A_1684, %add3A_1685 : i32
            %get3A_1687 = arith.index_cast %add3A_1686 : i32 to index
            %get3A_1688 = arith.constant 96 : index
            %get3A_1689 = tpu.vector_load %arg14[%get3A_1687, %get3A_1688] {strides = array<i32>} : memref<128x128xi32, #tpu.memory_space<vmem>>, vector<16xi32>,
            %bitcast3A_1690 = vector.bitcast %get3A_1689 : vector<16xi32> to vector<32xbf16>
            %mul3A_1691 = arith.mulf %bitcast3A_1690, %pack3A : vector<32xbf16>
            %add3A_1692 = arith.constant 48 : i32
            %add3A_1693 = arith.addi %add3A_1692, %mul3A_501 : i32
            %add3A_1694 = arith.constant 0 : i32
            %add3A_1695 = arith.addi %add3A_1693, %add3A_1694 : i32
            %get3A_1696 = arith.index_cast %add3A_1695 : i32 to index
            %get3A_1697 = arith.constant 96 : index
            %get3A_1698 = tpu.vector_load %arg14[%get3A_1696, %get3A_1697] {strides = array<i32>} : memref<128x128xi32, #tpu.memory_space<vmem>>, vector<16xi32>,
            %bitcast3A_1699 = vector.bitcast %get3A_1698 : vector<16xi32> to vector<32xbf16>
            %mul3A_1700 = arith.mulf %bitcast3A_1699, %pack3A_514 : vector<32xbf16>
            %add3A_1701 = arith.addf %mul3A_1691, %mul3A_1700 : vector<32xbf16>
            %add3A_1702 = arith.constant 32 : i32
            %add3A_1703 = arith.addi %add3A_1702, %mul3A_501 : i32
            %add3A_1704 = arith.constant 1 : i32
            %add3A_1705 = arith.addi %add3A_1703, %add3A_1704 : i32
            %get3A_1706 = arith.index_cast %add3A_1705 : i32 to index
            %get3A_1707 = arith.constant 96 : index
            %get3A_1708 = tpu.vector_load %arg14[%get3A_1706, %get3A_1707] {strides = array<i32>} : memref<128x128xi32, #tpu.memory_space<vmem>>, vector<16xi32>,
            %bitcast3A_1709 = vector.bitcast %get3A_1708 : vector<16xi32> to vector<32xbf16>
            %mul3A_1710 = arith.mulf %bitcast3A_1709, %pack3A_521 : vector<32xbf16>
            %add3A_1711 = arith.addf %add3A_1701, %mul3A_1710 : vector<32xbf16>
            %add3A_1712 = arith.constant 48 : i32
            %add3A_1713 = arith.addi %add3A_1712, %mul3A_501 : i32
            %add3A_1714 = arith.constant 1 : i32
            %add3A_1715 = arith.addi %add3A_1713, %add3A_1714 : i32
            %get3A_1716 = arith.index_cast %add3A_1715 : i32 to index
            %get3A_1717 = arith.constant 96 : index
            %get3A_1718 = tpu.vector_load %arg14[%get3A_1716, %get3A_1717] {strides = array<i32>} : memref<128x128xi32, #tpu.memory_space<vmem>>, vector<16xi32>,
            %bitcast3A_1719 = vector.bitcast %get3A_1718 : vector<16xi32> to vector<32xbf16>
            %mul3A_1720 = arith.mulf %bitcast3A_1719, %pack3A_528 : vector<32xbf16>
            %add3A_1721 = arith.addf %add3A_1711, %mul3A_1720 : vector<32xbf16>
            %unpack3A_1722 = tpu.unpack_subelements %add3A_1721, 0 {pack_format = #tpu.pack_format<interleaved>} : vector<32xbf16> -> vector<16xf32>
            %unpack3A_1723 = tpu.unpack_subelements %add3A_1721, 1 {pack_format = #tpu.pack_format<interleaved>} : vector<32xbf16> -> vector<16xf32>
            %mul3A_1724 = arith.mulf %unpack3A_1722, %gather3A_481 : vector<16xf32>
            %mul3A_1725 = arith.mulf %unpack3A_1723, %gather3A_481 : vector<16xf32>
            %add3A_1726 = arith.addf %mul3A_1681, %mul3A_1724 : vector<16xf32>
            %add3A_1727 = arith.addf %mul3A_1682, %mul3A_1725 : vector<16xf32>
            %add3A_1728 = arith.constant 64 : i32
            %add3A_1729 = arith.addi %add3A_1728, %mul3A_501 : i32
            %add3A_1730 = arith.constant 0 : i32
            %add3A_1731 = arith.addi %add3A_1729, %add3A_1730 : i32
            %get3A_1732 = arith.index_cast %add3A_1731 : i32 to index
            %get3A_1733 = arith.constant 96 : index
            %get3A_1734 = tpu.vector_load %arg14[%get3A_1732, %get3A_1733] {strides = array<i32>} : memref<128x128xi32, #tpu.memory_space<vmem>>, vector<16xi32>,
            %bitcast3A_1735 = vector.bitcast %get3A_1734 : vector<16xi32> to vector<32xbf16>
            %mul3A_1736 = arith.mulf %bitcast3A_1735, %pack3A : vector<32xbf16>
            %add3A_1737 = arith.constant 80 : i32
            %add3A_1738 = arith.addi %add3A_1737, %mul3A_501 : i32
            %add3A_1739 = arith.constant 0 : i32
            %add3A_1740 = arith.addi %add3A_1738, %add3A_1739 : i32
            %get3A_1741 = arith.index_cast %add3A_1740 : i32 to index
            %get3A_1742 = arith.constant 96 : index
            %get3A_1743 = tpu.vector_load %arg14[%get3A_1741, %get3A_1742] {strides = array<i32>} : memref<128x128xi32, #tpu.memory_space<vmem>>, vector<16xi32>,
            %bitcast3A_1744 = vector.bitcast %get3A_1743 : vector<16xi32> to vector<32xbf16>
            %mul3A_1745 = arith.mulf %bitcast3A_1744, %pack3A_514 : vector<32xbf16>
            %add3A_1746 = arith.addf %mul3A_1736, %mul3A_1745 : vector<32xbf16>
            %add3A_1747 = arith.constant 64 : i32
            %add3A_1748 = arith.addi %add3A_1747, %mul3A_501 : i32
            %add3A_1749 = arith.constant 1 : i32
            %add3A_1750 = arith.addi %add3A_1748, %add3A_1749 : i32
            %get3A_1751 = arith.index_cast %add3A_1750 : i32 to index
            %get3A_1752 = arith.constant 96 : index
            %get3A_1753 = tpu.vector_load %arg14[%get3A_1751, %get3A_1752] {strides = array<i32>} : memref<128x128xi32, #tpu.memory_space<vmem>>, vector<16xi32>,
            %bitcast3A_1754 = vector.bitcast %get3A_1753 : vector<16xi32> to vector<32xbf16>
            %mul3A_1755 = arith.mulf %bitcast3A_1754, %pack3A_521 : vector<32xbf16>
            %add3A_1756 = arith.addf %add3A_1746, %mul3A_1755 : vector<32xbf16>
            %add3A_1757 = arith.constant 80 : i32
            %add3A_1758 = arith.addi %add3A_1757, %mul3A_501 : i32
            %add3A_1759 = arith.constant 1 : i32
            %add3A_1760 = arith.addi %add3A_1758, %add3A_1759 : i32
            %get3A_1761 = arith.index_cast %add3A_1760 : i32 to index
            %get3A_1762 = arith.constant 96 : index
            %get3A_1763 = tpu.vector_load %arg14[%get3A_1761, %get3A_1762] {strides = array<i32>} : memref<128x128xi32, #tpu.memory_space<vmem>>, vector<16xi32>,
            %bitcast3A_1764 = vector.bitcast %get3A_1763 : vector<16xi32> to vector<32xbf16>
            %mul3A_1765 = arith.mulf %bitcast3A_1764, %pack3A_528 : vector<32xbf16>
            %add3A_1766 = arith.addf %add3A_1756, %mul3A_1765 : vector<32xbf16>
            %unpack3A_1767 = tpu.unpack_subelements %add3A_1766, 0 {pack_format = #tpu.pack_format<interleaved>} : vector<32xbf16> -> vector<16xf32>
            %unpack3A_1768 = tpu.unpack_subelements %add3A_1766, 1 {pack_format = #tpu.pack_format<interleaved>} : vector<32xbf16> -> vector<16xf32>
            %mul3A_1769 = arith.mulf %unpack3A_1767, %gather3A_487 : vector<16xf32>
            %mul3A_1770 = arith.mulf %unpack3A_1768, %gather3A_487 : vector<16xf32>
            %add3A_1771 = arith.addf %add3A_1726, %mul3A_1769 : vector<16xf32>
            %add3A_1772 = arith.addf %add3A_1727, %mul3A_1770 : vector<16xf32>
            %add3A_1773 = arith.constant 96 : i32
            %add3A_1774 = arith.addi %add3A_1773, %mul3A_501 : i32
            %add3A_1775 = arith.constant 0 : i32
            %add3A_1776 = arith.addi %add3A_1774, %add3A_1775 : i32
            %get3A_1777 = arith.index_cast %add3A_1776 : i32 to index
            %get3A_1778 = arith.constant 96 : index
            %get3A_1779 = tpu.vector_load %arg14[%get3A_1777, %get3A_1778] {strides = array<i32>} : memref<128x128xi32, #tpu.memory_space<vmem>>, vector<16xi32>,
            %bitcast3A_1780 = vector.bitcast %get3A_1779 : vector<16xi32> to vector<32xbf16>
            %mul3A_1781 = arith.mulf %bitcast3A_1780, %pack3A : vector<32xbf16>
            %add3A_1782 = arith.constant 112 : i32
            %add3A_1783 = arith.addi %add3A_1782, %mul3A_501 : i32
            %add3A_1784 = arith.constant 0 : i32
            %add3A_1785 = arith.addi %add3A_1783, %add3A_1784 : i32
            %get3A_1786 = arith.index_cast %add3A_1785 : i32 to index
            %get3A_1787 = arith.constant 96 : index
            %get3A_1788 = tpu.vector_load %arg14[%get3A_1786, %get3A_1787] {strides = array<i32>} : memref<128x128xi32, #tpu.memory_space<vmem>>, vector<16xi32>,
            %bitcast3A_1789 = vector.bitcast %get3A_1788 : vector<16xi32> to vector<32xbf16>
            %mul3A_1790 = arith.mulf %bitcast3A_1789, %pack3A_514 : vector<32xbf16>
            %add3A_1791 = arith.addf %mul3A_1781, %mul3A_1790 : vector<32xbf16>
            %add3A_1792 = arith.constant 96 : i32
            %add3A_1793 = arith.addi %add3A_1792, %mul3A_501 : i32
            %add3A_1794 = arith.constant 1 : i32
            %add3A_1795 = arith.addi %add3A_1793, %add3A_1794 : i32
            %get3A_1796 = arith.index_cast %add3A_1795 : i32 to index
            %get3A_1797 = arith.constant 96 : index
            %get3A_1798 = tpu.vector_load %arg14[%get3A_1796, %get3A_1797] {strides = array<i32>} : memref<128x128xi32, #tpu.memory_space<vmem>>, vector<16xi32>,
            %bitcast3A_1799 = vector.bitcast %get3A_1798 : vector<16xi32> to vector<32xbf16>
            %mul3A_1800 = arith.mulf %bitcast3A_1799, %pack3A_521 : vector<32xbf16>
            %add3A_1801 = arith.addf %add3A_1791, %mul3A_1800 : vector<32xbf16>
            %add3A_1802 = arith.constant 112 : i32
            %add3A_1803 = arith.addi %add3A_1802, %mul3A_501 : i32
            %add3A_1804 = arith.constant 1 : i32
            %add3A_1805 = arith.addi %add3A_1803, %add3A_1804 : i32
            %get3A_1806 = arith.index_cast %add3A_1805 : i32 to index
            %get3A_1807 = arith.constant 96 : index
            %get3A_1808 = tpu.vector_load %arg14[%get3A_1806, %get3A_1807] {strides = array<i32>} : memref<128x128xi32, #tpu.memory_space<vmem>>, vector<16xi32>,
            %bitcast3A_1809 = vector.bitcast %get3A_1808 : vector<16xi32> to vector<32xbf16>
            %mul3A_1810 = arith.mulf %bitcast3A_1809, %pack3A_528 : vector<32xbf16>
            %add3A_1811 = arith.addf %add3A_1801, %mul3A_1810 : vector<32xbf16>
            %unpack3A_1812 = tpu.unpack_subelements %add3A_1811, 0 {pack_format = #tpu.pack_format<interleaved>} : vector<32xbf16> -> vector<16xf32>
            %unpack3A_1813 = tpu.unpack_subelements %add3A_1811, 1 {pack_format = #tpu.pack_format<interleaved>} : vector<32xbf16> -> vector<16xf32>
            %mul3A_1814 = arith.mulf %unpack3A_1812, %gather3A_493 : vector<16xf32>
            %mul3A_1815 = arith.mulf %unpack3A_1813, %gather3A_493 : vector<16xf32>
            %add3A_1816 = arith.addf %add3A_1771, %mul3A_1814 : vector<16xf32>
            %add3A_1817 = arith.addf %add3A_1772, %mul3A_1815 : vector<16xf32>
            %add3A_1818 = arith.constant 9408 : i32
            %add3A_1819 = arith.addi %add3A_1818, %add3A_531 : i32
            %add3A_1820 = vector.broadcast %add3A_1819 : i32 to vector<16xi32>
            %add3A_1821 = arith.addi %mul3A_15, %add3A_1820 : vector<16xi32>
            tpu.vector_store_idx %arg16[%add3A_1821], %add3A_1816 : memref<12544xf32, #tpu.memory_space<vmem>>[vector<16xi32>], vector<16xf32>,
            %add3A_1822 = arith.constant 49 : i32
            %add3A_1823 = vector.broadcast %add3A_1822 : i32 to vector<16xi32>
            %add3A_1824 = arith.addi %add3A_1821, %add3A_1823 : vector<16xi32>
            tpu.vector_store_idx %arg16[%add3A_1824], %add3A_1817 : memref<12544xf32, #tpu.memory_space<vmem>>[vector<16xi32>], vector<16xf32>,
            %add3A_1825 = arith.constant 0 : i32
            %add3A_1826 = arith.addi %add3A_1825, %mul3A_501 : i32
            %add3A_1827 = arith.constant 0 : i32
            %add3A_1828 = arith.addi %add3A_1826, %add3A_1827 : i32
            %get3A_1829 = arith.index_cast %add3A_1828 : i32 to index
            %get3A_1830 = arith.constant 112 : index
            %get3A_1831 = tpu.vector_load %arg14[%get3A_1829, %get3A_1830] {strides = array<i32>} : memref<128x128xi32, #tpu.memory_space<vmem>>, vector<16xi32>,
            %bitcast3A_1832 = vector.bitcast %get3A_1831 : vector<16xi32> to vector<32xbf16>
            %mul3A_1833 = arith.mulf %bitcast3A_1832, %pack3A : vector<32xbf16>
            %add3A_1834 = arith.constant 16 : i32
            %add3A_1835 = arith.addi %add3A_1834, %mul3A_501 : i32
            %add3A_1836 = arith.constant 0 : i32
            %add3A_1837 = arith.addi %add3A_1835, %add3A_1836 : i32
            %get3A_1838 = arith.index_cast %add3A_1837 : i32 to index
            %get3A_1839 = arith.constant 112 : index
            %get3A_1840 = tpu.vector_load %arg14[%get3A_1838, %get3A_1839] {strides = array<i32>} : memref<128x128xi32, #tpu.memory_space<vmem>>, vector<16xi32>,
            %bitcast3A_1841 = vector.bitcast %get3A_1840 : vector<16xi32> to vector<32xbf16>
            %mul3A_1842 = arith.mulf %bitcast3A_1841, %pack3A_514 : vector<32xbf16>
            %add3A_1843 = arith.addf %mul3A_1833, %mul3A_1842 : vector<32xbf16>
            %add3A_1844 = arith.constant 0 : i32
            %add3A_1845 = arith.addi %add3A_1844, %mul3A_501 : i32
            %add3A_1846 = arith.constant 1 : i32
            %add3A_1847 = arith.addi %add3A_1845, %add3A_1846 : i32
            %get3A_1848 = arith.index_cast %add3A_1847 : i32 to index
            %get3A_1849 = arith.constant 112 : index
            %get3A_1850 = tpu.vector_load %arg14[%get3A_1848, %get3A_1849] {strides = array<i32>} : memref<128x128xi32, #tpu.memory_space<vmem>>, vector<16xi32>,
            %bitcast3A_1851 = vector.bitcast %get3A_1850 : vector<16xi32> to vector<32xbf16>
            %mul3A_1852 = arith.mulf %bitcast3A_1851, %pack3A_521 : vector<32xbf16>
            %add3A_1853 = arith.addf %add3A_1843, %mul3A_1852 : vector<32xbf16>
            %add3A_1854 = arith.constant 16 : i32
            %add3A_1855 = arith.addi %add3A_1854, %mul3A_501 : i32
            %add3A_1856 = arith.constant 1 : i32
            %add3A_1857 = arith.addi %add3A_1855, %add3A_1856 : i32
            %get3A_1858 = arith.index_cast %add3A_1857 : i32 to index
            %get3A_1859 = arith.constant 112 : index
            %get3A_1860 = tpu.vector_load %arg14[%get3A_1858, %get3A_1859] {strides = array<i32>} : memref<128x128xi32, #tpu.memory_space<vmem>>, vector<16xi32>,
            %bitcast3A_1861 = vector.bitcast %get3A_1860 : vector<16xi32> to vector<32xbf16>
            %mul3A_1862 = arith.mulf %bitcast3A_1861, %pack3A_528 : vector<32xbf16>
            %add3A_1863 = arith.addf %add3A_1853, %mul3A_1862 : vector<32xbf16>
            %unpack3A_1864 = tpu.unpack_subelements %add3A_1863, 0 {pack_format = #tpu.pack_format<interleaved>} : vector<32xbf16> -> vector<16xf32>
            %unpack3A_1865 = tpu.unpack_subelements %add3A_1863, 1 {pack_format = #tpu.pack_format<interleaved>} : vector<32xbf16> -> vector<16xf32>
            %mul3A_1866 = arith.mulf %unpack3A_1864, %gather3A_475 : vector<16xf32>
            %mul3A_1867 = arith.mulf %unpack3A_1865, %gather3A_475 : vector<16xf32>
            %add3A_1868 = arith.constant 32 : i32
            %add3A_1869 = arith.addi %add3A_1868, %mul3A_501 : i32
            %add3A_1870 = arith.constant 0 : i32
            %add3A_1871 = arith.addi %add3A_1869, %add3A_1870 : i32
            %get3A_1872 = arith.index_cast %add3A_1871 : i32 to index
            %get3A_1873 = arith.constant 112 : index
            %get3A_1874 = tpu.vector_load %arg14[%get3A_1872, %get3A_1873] {strides = array<i32>} : memref<128x128xi32, #tpu.memory_space<vmem>>, vector<16xi32>,
            %bitcast3A_1875 = vector.bitcast %get3A_1874 : vector<16xi32> to vector<32xbf16>
            %mul3A_1876 = arith.mulf %bitcast3A_1875, %pack3A : vector<32xbf16>
            %add3A_1877 = arith.constant 48 : i32
            %add3A_1878 = arith.addi %add3A_1877, %mul3A_501 : i32
            %add3A_1879 = arith.constant 0 : i32
            %add3A_1880 = arith.addi %add3A_1878, %add3A_1879 : i32
            %get3A_1881 = arith.index_cast %add3A_1880 : i32 to index
            %get3A_1882 = arith.constant 112 : index
            %get3A_1883 = tpu.vector_load %arg14[%get3A_1881, %get3A_1882] {strides = array<i32>} : memref<128x128xi32, #tpu.memory_space<vmem>>, vector<16xi32>,
            %bitcast3A_1884 = vector.bitcast %get3A_1883 : vector<16xi32> to vector<32xbf16>
            %mul3A_1885 = arith.mulf %bitcast3A_1884, %pack3A_514 : vector<32xbf16>
            %add3A_1886 = arith.addf %mul3A_1876, %mul3A_1885 : vector<32xbf16>
            %add3A_1887 = arith.constant 32 : i32
            %add3A_1888 = arith.addi %add3A_1887, %mul3A_501 : i32
            %add3A_1889 = arith.constant 1 : i32
            %add3A_1890 = arith.addi %add3A_1888, %add3A_1889 : i32
            %get3A_1891 = arith.index_cast %add3A_1890 : i32 to index
            %get3A_1892 = arith.constant 112 : index
            %get3A_1893 = tpu.vector_load %arg14[%get3A_1891, %get3A_1892] {strides = array<i32>} : memref<128x128xi32, #tpu.memory_space<vmem>>, vector<16xi32>,
            %bitcast3A_1894 = vector.bitcast %get3A_1893 : vector<16xi32> to vector<32xbf16>
            %mul3A_1895 = arith.mulf %bitcast3A_1894, %pack3A_521 : vector<32xbf16>
            %add3A_1896 = arith.addf %add3A_1886, %mul3A_1895 : vector<32xbf16>
            %add3A_1897 = arith.constant 48 : i32
            %add3A_1898 = arith.addi %add3A_1897, %mul3A_501 : i32
            %add3A_1899 = arith.constant 1 : i32
            %add3A_1900 = arith.addi %add3A_1898, %add3A_1899 : i32
            %get3A_1901 = arith.index_cast %add3A_1900 : i32 to index
            %get3A_1902 = arith.constant 112 : index
            %get3A_1903 = tpu.vector_load %arg14[%get3A_1901, %get3A_1902] {strides = array<i32>} : memref<128x128xi32, #tpu.memory_space<vmem>>, vector<16xi32>,
            %bitcast3A_1904 = vector.bitcast %get3A_1903 : vector<16xi32> to vector<32xbf16>
            %mul3A_1905 = arith.mulf %bitcast3A_1904, %pack3A_528 : vector<32xbf16>
            %add3A_1906 = arith.addf %add3A_1896, %mul3A_1905 : vector<32xbf16>
            %unpack3A_1907 = tpu.unpack_subelements %add3A_1906, 0 {pack_format = #tpu.pack_format<interleaved>} : vector<32xbf16> -> vector<16xf32>
            %unpack3A_1908 = tpu.unpack_subelements %add3A_1906, 1 {pack_format = #tpu.pack_format<interleaved>} : vector<32xbf16> -> vector<16xf32>
            %mul3A_1909 = arith.mulf %unpack3A_1907, %gather3A_481 : vector<16xf32>
            %mul3A_1910 = arith.mulf %unpack3A_1908, %gather3A_481 : vector<16xf32>
            %add3A_1911 = arith.addf %mul3A_1866, %mul3A_1909 : vector<16xf32>
            %add3A_1912 = arith.addf %mul3A_1867, %mul3A_1910 : vector<16xf32>
            %add3A_1913 = arith.constant 64 : i32
            %add3A_1914 = arith.addi %add3A_1913, %mul3A_501 : i32
            %add3A_1915 = arith.constant 0 : i32
            %add3A_1916 = arith.addi %add3A_1914, %add3A_1915 : i32
            %get3A_1917 = arith.index_cast %add3A_1916 : i32 to index
            %get3A_1918 = arith.constant 112 : index
            %get3A_1919 = tpu.vector_load %arg14[%get3A_1917, %get3A_1918] {strides = array<i32>} : memref<128x128xi32, #tpu.memory_space<vmem>>, vector<16xi32>,
            %bitcast3A_1920 = vector.bitcast %get3A_1919 : vector<16xi32> to vector<32xbf16>
            %mul3A_1921 = arith.mulf %bitcast3A_1920, %pack3A : vector<32xbf16>
            %add3A_1922 = arith.constant 80 : i32
            %add3A_1923 = arith.addi %add3A_1922, %mul3A_501 : i32
            %add3A_1924 = arith.constant 0 : i32
            %add3A_1925 = arith.addi %add3A_1923, %add3A_1924 : i32
            %get3A_1926 = arith.index_cast %add3A_1925 : i32 to index
            %get3A_1927 = arith.constant 112 : index
            %get3A_1928 = tpu.vector_load %arg14[%get3A_1926, %get3A_1927] {strides = array<i32>} : memref<128x128xi32, #tpu.memory_space<vmem>>, vector<16xi32>,
            %bitcast3A_1929 = vector.bitcast %get3A_1928 : vector<16xi32> to vector<32xbf16>
            %mul3A_1930 = arith.mulf %bitcast3A_1929, %pack3A_514 : vector<32xbf16>
            %add3A_1931 = arith.addf %mul3A_1921, %mul3A_1930 : vector<32xbf16>
            %add3A_1932 = arith.constant 64 : i32
            %add3A_1933 = arith.addi %add3A_1932, %mul3A_501 : i32
            %add3A_1934 = arith.constant 1 : i32
            %add3A_1935 = arith.addi %add3A_1933, %add3A_1934 : i32
            %get3A_1936 = arith.index_cast %add3A_1935 : i32 to index
            %get3A_1937 = arith.constant 112 : index
            %get3A_1938 = tpu.vector_load %arg14[%get3A_1936, %get3A_1937] {strides = array<i32>} : memref<128x128xi32, #tpu.memory_space<vmem>>, vector<16xi32>,
            %bitcast3A_1939 = vector.bitcast %get3A_1938 : vector<16xi32> to vector<32xbf16>
            %mul3A_1940 = arith.mulf %bitcast3A_1939, %pack3A_521 : vector<32xbf16>
            %add3A_1941 = arith.addf %add3A_1931, %mul3A_1940 : vector<32xbf16>
            %add3A_1942 = arith.constant 80 : i32
            %add3A_1943 = arith.addi %add3A_1942, %mul3A_501 : i32
            %add3A_1944 = arith.constant 1 : i32
            %add3A_1945 = arith.addi %add3A_1943, %add3A_1944 : i32
            %get3A_1946 = arith.index_cast %add3A_1945 : i32 to index
            %get3A_1947 = arith.constant 112 : index
            %get3A_1948 = tpu.vector_load %arg14[%get3A_1946, %get3A_1947] {strides = array<i32>} : memref<128x128xi32, #tpu.memory_space<vmem>>, vector<16xi32>,
            %bitcast3A_1949 = vector.bitcast %get3A_1948 : vector<16xi32> to vector<32xbf16>
            %mul3A_1950 = arith.mulf %bitcast3A_1949, %pack3A_528 : vector<32xbf16>
            %add3A_1951 = arith.addf %add3A_1941, %mul3A_1950 : vector<32xbf16>
            %unpack3A_1952 = tpu.unpack_subelements %add3A_1951, 0 {pack_format = #tpu.pack_format<interleaved>} : vector<32xbf16> -> vector<16xf32>
            %unpack3A_1953 = tpu.unpack_subelements %add3A_1951, 1 {pack_format = #tpu.pack_format<interleaved>} : vector<32xbf16> -> vector<16xf32>
            %mul3A_1954 = arith.mulf %unpack3A_1952, %gather3A_487 : vector<16xf32>
            %mul3A_1955 = arith.mulf %unpack3A_1953, %gather3A_487 : vector<16xf32>
            %add3A_1956 = arith.addf %add3A_1911, %mul3A_1954 : vector<16xf32>
            %add3A_1957 = arith.addf %add3A_1912, %mul3A_1955 : vector<16xf32>
            %add3A_1958 = arith.constant 96 : i32
            %add3A_1959 = arith.addi %add3A_1958, %mul3A_501 : i32
            %add3A_1960 = arith.constant 0 : i32
            %add3A_1961 = arith.addi %add3A_1959, %add3A_1960 : i32
            %get3A_1962 = arith.index_cast %add3A_1961 : i32 to index
            %get3A_1963 = arith.constant 112 : index
            %get3A_1964 = tpu.vector_load %arg14[%get3A_1962, %get3A_1963] {strides = array<i32>} : memref<128x128xi32, #tpu.memory_space<vmem>>, vector<16xi32>,
            %bitcast3A_1965 = vector.bitcast %get3A_1964 : vector<16xi32> to vector<32xbf16>
            %mul3A_1966 = arith.mulf %bitcast3A_1965, %pack3A : vector<32xbf16>
            %add3A_1967 = arith.constant 112 : i32
            %add3A_1968 = arith.addi %add3A_1967, %mul3A_501 : i32
            %add3A_1969 = arith.constant 0 : i32
            %add3A_1970 = arith.addi %add3A_1968, %add3A_1969 : i32
            %get3A_1971 = arith.index_cast %add3A_1970 : i32 to index
            %get3A_1972 = arith.constant 112 : index
            %get3A_1973 = tpu.vector_load %arg14[%get3A_1971, %get3A_1972] {strides = array<i32>} : memref<128x128xi32, #tpu.memory_space<vmem>>, vector<16xi32>,
            %bitcast3A_1974 = vector.bitcast %get3A_1973 : vector<16xi32> to vector<32xbf16>
            %mul3A_1975 = arith.mulf %bitcast3A_1974, %pack3A_514 : vector<32xbf16>
            %add3A_1976 = arith.addf %mul3A_1966, %mul3A_1975 : vector<32xbf16>
            %add3A_1977 = arith.constant 96 : i32
            %add3A_1978 = arith.addi %add3A_1977, %mul3A_501 : i32
            %add3A_1979 = arith.constant 1 : i32
            %add3A_1980 = arith.addi %add3A_1978, %add3A_1979 : i32
            %get3A_1981 = arith.index_cast %add3A_1980 : i32 to index
            %get3A_1982 = arith.constant 112 : index
            %get3A_1983 = tpu.vector_load %arg14[%get3A_1981, %get3A_1982] {strides = array<i32>} : memref<128x128xi32, #tpu.memory_space<vmem>>, vector<16xi32>,
            %bitcast3A_1984 = vector.bitcast %get3A_1983 : vector<16xi32> to vector<32xbf16>
            %mul3A_1985 = arith.mulf %bitcast3A_1984, %pack3A_521 : vector<32xbf16>
            %add3A_1986 = arith.addf %add3A_1976, %mul3A_1985 : vector<32xbf16>
            %add3A_1987 = arith.constant 112 : i32
            %add3A_1988 = arith.addi %add3A_1987, %mul3A_501 : i32
            %add3A_1989 = arith.constant 1 : i32
            %add3A_1990 = arith.addi %add3A_1988, %add3A_1989 : i32
            %get3A_1991 = arith.index_cast %add3A_1990 : i32 to index
            %get3A_1992 = arith.constant 112 : index
            %get3A_1993 = tpu.vector_load %arg14[%get3A_1991, %get3A_1992] {strides = array<i32>} : memref<128x128xi32, #tpu.memory_space<vmem>>, vector<16xi32>,
            %bitcast3A_1994 = vector.bitcast %get3A_1993 : vector<16xi32> to vector<32xbf16>
            %mul3A_1995 = arith.mulf %bitcast3A_1994, %pack3A_528 : vector<32xbf16>
            %add3A_1996 = arith.addf %add3A_1986, %mul3A_1995 : vector<32xbf16>
            %unpack3A_1997 = tpu.unpack_subelements %add3A_1996, 0 {pack_format = #tpu.pack_format<interleaved>} : vector<32xbf16> -> vector<16xf32>
            %unpack3A_1998 = tpu.unpack_subelements %add3A_1996, 1 {pack_format = #tpu.pack_format<interleaved>} : vector<32xbf16> -> vector<16xf32>
            %mul3A_1999 = arith.mulf %unpack3A_1997, %gather3A_493 : vector<16xf32>
            %mul3A_2000 = arith.mulf %unpack3A_1998, %gather3A_493 : vector<16xf32>
            %add3A_2001 = arith.addf %add3A_1956, %mul3A_1999 : vector<16xf32>
            %add3A_2002 = arith.addf %add3A_1957, %mul3A_2000 : vector<16xf32>
            %add3A_2003 = arith.constant 10976 : i32
            %add3A_2004 = arith.addi %add3A_2003, %add3A_531 : i32
            %add3A_2005 = vector.broadcast %add3A_2004 : i32 to vector<16xi32>
            %add3A_2006 = arith.addi %mul3A_15, %add3A_2005 : vector<16xi32>
            tpu.vector_store_idx %arg16[%add3A_2006], %add3A_2001 : memref<12544xf32, #tpu.memory_space<vmem>>[vector<16xi32>], vector<16xf32>,
            %add3A_2007 = arith.constant 49 : i32
            %add3A_2008 = vector.broadcast %add3A_2007 : i32 to vector<16xi32>
            %add3A_2009 = arith.addi %add3A_2006, %add3A_2008 : vector<16xi32>
            tpu.vector_store_idx %arg16[%add3A_2009], %add3A_2002 : memref<12544xf32, #tpu.memory_space<vmem>>[vector<16xi32>], vector<16xf32>,
          }
          %scan3A_498 = arith.constant 7 : i32
        }
        %scan3A_321 = arith.constant 7 : i32
        %add3A_322 = arith.addi %add3A_25, %scan3A_184 : i32
        "tpu.region"() ({
          %run_scoped3A = tpu.sem_alloc : memref<!tpu.dma_semaphore, #tpu.memory_space<semaphore_mem>>
          %dma_start3A = arith.constant 0 : i32
          %dma_start3A_323 = tpu.memref_slice %arg4[%add3A_322, %dma_start3A] : memref<1024x12544xf32, #tpu.memory_space<hbm>> -> memref<1x12544xf32, #tpu.memory_space<hbm>>
          %dma_start3A_324 = tpu.memref_squeeze %dma_start3A_323 : memref<1x12544xf32, #tpu.memory_space<hbm>> -> memref<12544xf32, #tpu.memory_space<hbm>>
          %dma_start3A_325 = arith.constant 0 : i32
          %dma_start3A_326 = tpu.memref_slice %arg4[%add3A_322, %dma_start3A_325] : memref<1024x12544xf32, #tpu.memory_space<hbm>> -> memref<1x12544xf32, #tpu.memory_space<hbm>>
          %dma_start3A_327 = tpu.memref_squeeze %dma_start3A_326 : memref<1x12544xf32, #tpu.memory_space<hbm>> -> memref<12544xf32, #tpu.memory_space<hbm>>
          tpu.enqueue_dma source(%arg16 : memref<12544xf32, #tpu.memory_space<vmem>>) target(%dma_start3A_327 : memref<12544xf32, #tpu.memory_space<hbm>>) target_semaphore(%run_scoped3A : memref<!tpu.dma_semaphore, #tpu.memory_space<semaphore_mem>>)
          %dma_wait3A = arith.constant 0 : i32
          %dma_wait3A_328 = tpu.memref_slice %arg4[%add3A_322, %dma_wait3A] : memref<1024x12544xf32, #tpu.memory_space<hbm>> -> memref<1x12544xf32, #tpu.memory_space<hbm>>
          %dma_wait3A_329 = tpu.memref_squeeze %dma_wait3A_328 : memref<1x12544xf32, #tpu.memory_space<hbm>> -> memref<12544xf32, #tpu.memory_space<hbm>>
          %dma_wait3A_330 = arith.constant 0 : i32
          %dma_wait3A_331 = tpu.memref_slice %arg4[%add3A_322, %dma_wait3A_330] : memref<1024x12544xf32, #tpu.memory_space<hbm>> -> memref<1x12544xf32, #tpu.memory_space<hbm>>
          %dma_wait3A_332 = tpu.memref_squeeze %dma_wait3A_331 : memref<1x12544xf32, #tpu.memory_space<hbm>> -> memref<12544xf32, #tpu.memory_space<hbm>>
          tpu.wait_dma2 semaphore(%run_scoped3A : memref<!tpu.dma_semaphore, #tpu.memory_space<semaphore_mem>>) src(%arg16 : memref<12544xf32, #tpu.memory_space<vmem>>) dst(%dma_wait3A_332 : memref<12544xf32, #tpu.memory_space<hbm>>)
          tpu.yield
        }) : () -> ()
      }
      %scan3A_183 = arith.constant 16 : i32
    }
    %scan3A_19 = arith.constant 2 : i32
    return
  }
}

</mosaic_0001>

<sc_bundles>
// kernel: kernel.3.cloned.1.call-start
scs
__scs_entry_jumppad:
0x0: {  	(pc) =	sbr.rel $0x88, $3  }
0x1: {  	(tag) =	ssettag $0x0;
	lr =	simm.s32 $0x1  }
0x2: {  	[smem:$0x3F9C] =	sst lr;
	_ =	strace $0xD0000000  }
0x3: {  	_ = 	snop  }
0x4: {  	_ = 	snop  }
0x5: {  	_ = 	snop  }
0x6: {  	_ = 	snop  }
0x7: {  	_ = 	snop  }
__scs_overlays_trampoline_lowered:
0x8: {  	[smem:$0x3FAB] =	sst s0  }
0x9: {  	[smem:$0x3FAC] =	sst s1  }
0xa: {  	[smem:$0x3FAD] =	sst s2  }
0xb: {  	[smem:$0x3FAE] =	sst s3  }
0xc: {  	[smem:$0x3FAF] =	sst s4  }
0xd: {  	[smem:$0x3FB0] =	sst s5  }
0xe: {  	[smem:$0x3FB1] =	sst s6  }
0xf: {  	[smem:$0x3FB2] =	sst s7  }
0x10: {  	[smem:$0x3FB3] =	sst s8  }
0x11: {  	[smem:$0x3FB4] =	sst s9;
	s0 =	simm.s32 @!p0 $0x0  }
0x12: {  	s1 =	sld [smem:$0x3F9A];
	s0 =	simm.s32 @p0 $0x1  }
0x13: {  	[smem:$0x3FB5] =	sst s0;
	s0 =	simm.s32 @!p1 $0x0  }
0x14: {  	s2 =	sld [smem:$0x3F99];
	s0 =	simm.s32 @p1 $0x1  }
0x15: {  	[smem:$0x3FB6] =	sst s0;
	s0 =	simm.s32 @!p2 $0x0  }
0x16: {  	s3 =	sld [smem:$0x3FDB];
	s0 =	simm.s32 @p2 $0x1  }
0x17: {  	s4 =	simm.s32 $0x1BF5;
	[smem:$0x3FB8] =	sst s0  }
0x18: {  	s0 =	sld [smem:$0x3F9B];
	_ =	swait.ge [sflag:s4], $0x0  }
0x19: {  	s7 =	sld [smem:$0x3F9C]  }
0x1a: {  	s8 =	sadd.s32 $0xFFFFE003, lr  }
0x1b: {  	s9 =	sadd.s32 $0xFFFFFEF7, lr;
	s5 =	simm.s32 $0xFFFFFFFF;
	p2 =	slt.u32 s8, $0xFFFFF086  }
0x1c: {  	p1 =	slt.u32 s9, $0xF7A;
	s5 =	simm.s32 @!p2 $0x0  }
0x1d: {  	s5 =	simm.s32 @p1 $0x1;
	p0 =	seq.s32 s7, s2  }
0x1e: {  	s7 =	smul.u32 @!p0 $0xF7A, s2;
	p2 =	seq.s32 @!p0 s5, $0x0  }
0x1f: {  	s9 =	smul.u32 $0xF7A, s1;
	s8 =	simm.s32 @!p0 $0x1BF5;
	p2 =	por !p2, p0  }
0x20: {  	[sflag:s8] =	ssyncset.s32 @!p0 $0xFFFFF086;
	s6 =	sadd.s32 @!p0 s3, s7;
	s7 =	simm.s32 @!p0 $0x108  }
0x21: {  	s3 =	sadd.s32 s3, s9;
	s6 =	sadd.s32 @!p0 $0x88, s6;
	s7 =	simm.s32 @p2 $0x1082  }
0x22: {  	[simem:s7], [sflag:s8] =	dma.local @!p0 [hbm:s6], $0xF7A  }
0x23: {  	s9 =	sor.u32 $0xD0000000, s2;
	s6 =	simm.s32 $0x108;
	_ =	swait.ge @!p0 [sflag:s8], $0x0  }
0x24: {  	s3 =	sadd.s32 $0x88, s3;
	s6 =	simm.s32 @!p1 $0x1082;
	[sflag:s4] =	ssyncset.s32 $0xFFFFF086  }
0x25: {  	[simem:s6], [sflag:s4] =	dma.local [hbm:s3], $0xF7A  }
0x26: {  	[smem:$0x3F9C] =	sst s1;
	(tag) =	ssettag s2;
	_ =	strace s9  }
0x27: {  	s1 =	sld [smem:$0x3FAC]  }
0x28: {  	s2 =	sld [smem:$0x3FAD]  }
0x29: {  	s4 =	sld [smem:$0x3FAF]  }
0x2a: {  	p0 =	seq.s32 s5, $0x0;
	s5 =	sld [smem:$0x3FB0]  }
0x2b: {  	s6 =	sld [smem:$0x3FB1]  }
0x2c: {  	s7 =	sld [smem:$0x3FB2]  }
0x2d: {  	s3 =	simm.s32 $0x108;
	s8 =	sld [smem:$0x3FB3]  }
0x2e: {  	s3 =	simm.s32 @!p0 $0x1082;
	s9 =	sld [smem:$0x3FB4]  }
0x2f: {  	lr =	sadd.s32 s0, s3;
	s0 =	sld [smem:$0x3FAB]  }
0x30: {  	s3 =	sld [smem:$0x3FAE]  }
0x31: {  	[smem:$0x3FB7] =	sst s10  }
0x32: {  	s10 =	sld [smem:$0x3FB5];
	_ =	sdelay $0x3  }
0x33: {  	p0 =	seq.s32 s10, $0x1;
	s10 =	sld [smem:$0x3FB7];
	_ =	sdelay $0x3  }
0x34: {  	[smem:$0x3FB7] =	sst s10  }
0x35: {  	s10 =	sld [smem:$0x3FB6];
	_ =	sdelay $0x3  }
0x36: {  	p1 =	seq.s32 s10, $0x1;
	s10 =	sld [smem:$0x3FB7];
	_ =	sdelay $0x3  }
0x37: {  	[smem:$0x3FB7] =	sst s10  }
0x38: {  	s10 =	sld [smem:$0x3FB8]  }
0x39: {  	_ = 	snop;
	(pc) =	sbr.ind lr, $3  }
0x3a: {  	_ = 	snop  }
0x3b: {  	_ = 	snop  }
0x3c: {  	p2 =	seq.s32 s10, $0x1;
	s10 =	sld [smem:$0x3FB7]  }
0x3d: {  	_ =	shalt  }
0x3e: {  	_ =	shalt  }
0x3f: {  	_ =	shalt  }
0x40: {  	_ =	shalt  }
0x41: {  	_ =	shalt  }
0x42: {  	_ =	shalt  }
0x43: {  	_ =	shalt  }
0x44: {  	_ =	shalt  }
0x45: {  	_ =	shalt  }
0x46: {  	_ =	shalt  }
0x47: {  	_ =	shalt  }
0x48: {  	_ =	shalt  }
0x49: {  	_ =	shalt  }
0x4a: {  	_ =	shalt  }
0x4b: {  	_ =	shalt  }
0x4c: {  	_ =	shalt  }
0x4d: {  	_ =	shalt  }
0x4e: {  	_ =	shalt  }
0x4f: {  	_ =	shalt  }
0x50: {  	_ =	shalt  }
0x51: {  	_ =	shalt  }
0x52: {  	_ =	shalt  }
0x53: {  	_ =	shalt  }
0x54: {  	_ =	shalt  }
0x55: {  	_ =	shalt  }
0x56: {  	_ =	shalt  }
0x57: {  	_ =	shalt  }
0x58: {  	_ =	shalt  }
0x59: {  	_ =	shalt  }
0x5a: {  	_ =	shalt  }
0x5b: {  	_ =	shalt  }
0x5c: {  	_ =	shalt  }
0x5d: {  	_ =	shalt  }
0x5e: {  	_ =	shalt  }
0x5f: {  	_ =	shalt  }
0x60: {  	_ =	shalt  }
0x61: {  	_ =	shalt  }
0x62: {  	_ =	shalt  }
0x63: {  	_ =	shalt  }
0x64: {  	_ =	shalt  }
0x65: {  	_ =	shalt  }
0x66: {  	_ =	shalt  }
0x67: {  	_ =	shalt  }
0x68: {  	_ =	shalt  }
0x69: {  	_ =	shalt  }
0x6a: {  	_ =	shalt  }
0x6b: {  	_ =	shalt  }
0x6c: {  	_ =	shalt  }
0x6d: {  	_ =	shalt  }
0x6e: {  	_ =	shalt  }
0x6f: {  	_ =	shalt  }
0x70: {  	_ =	shalt  }
0x71: {  	_ =	shalt  }
0x72: {  	_ =	shalt  }
0x73: {  	_ =	shalt  }
0x74: {  	_ =	shalt  }
0x75: {  	_ =	shalt  }
0x76: {  	_ =	shalt  }
0x77: {  	_ =	shalt  }
0x78: {  	_ =	shalt  }
0x79: {  	_ =	shalt  }
0x7a: {  	_ =	shalt  }
0x7b: {  	_ =	shalt  }
0x7c: {  	_ =	shalt  }
0x7d: {  	_ =	shalt  }
0x7e: {  	_ =	shalt  }
0x7f: {  	_ =	shalt  }
0x80: {  	_ =	shalt  }
0x81: {  	_ =	shalt  }
0x82: {  	_ =	shalt  }
0x83: {  	_ =	shalt  }
0x84: {  	_ =	shalt  }
0x85: {  	_ =	shalt  }
0x86: {  	_ =	shalt  }
0x87: {  	_ =	shalt  }
.Lfunc_end0:
.L_simem_size_0:
called_computation.1_lowered:
.L_overlay_start_0:
0x88: {  	s2 =	sld [smem:$0x3FD9]  }
0x89: {  	s3 =	sld [smem:$0x3FFE];
	_ =	sdelay $0x1  }
0x8a: {  	s1 =	srdreg.scid  }
0x8b: {  	s0 =	sand.u32 $0x1, s1  }
0x8c: {  	s16 =	sshll.u32 s0, $0xA;
	s2 =	sadd.s32 s3, s2  }
0x8d: {  	s2 =	sadd.s32 s2, s16  }
0x8e: {  	[smem:$0x3FC3] =	sst s2  }
0x8f: {  	_ = 	snop  }
0x90: {  	(tm) =	ssettm $0x1  }
0x91: {  	s17 =	sld [smem:$0x3FFB];
	_ =	sdelay $0x3  }
0x92: {  	_ =	strace s17  }
0x93: {  	s2 =	sld [smem:$0x3FFC];
	_ =	sdelay $0x3  }
0x94: {  	_ =	strace s2  }
0x95: {  	s2 =	sld [smem:$0x3FFD];
	_ =	sdelay $0x3  }
0x96: {  	_ =	strace s2  }
0x97: {  	_ =	strace $0x8FFFFFFF  }
0x98: {  	s18 =	sld [smem:$0x3FDB];
	_ =	sdelay $0x1  }
0x99: {  	s19 =	simm.s32 $_scs_section_size  }
0x9a: {  	s4 =	simm.s32 $_size__tile_overlayer_lowered;
	s5 =	simm.s32 $_tile_overlayer_lowered  }
0x9b: {  	s22 =	simm.s32 $0x1BFF;
	s21 =	sshll.u32 s5, $0x1;
	s2 =	sadd.s32 s19, s18  }
0x9c: {  	s6 =	simm.s32 $0x0;
	s20 =	sshll.u32 s4, $0x1;
	s4 =	sadd.s32 s21, s2  }
0x9d: {  	[timem:s6], [sflag:s22] =	dma.local [hbm:s4], s20  }
0x9e: {  	_ =	swait.ge [sflag:s22], s20  }
0x9f: {  	s3 =	ssub.s32 $0x0, s20;
	[sflag:s22] =	ssyncset.done $0x0  }
0xa0: {  	[sflag:s22] =	ssyncadd.s32 s3;
	_ =	sdelay $0x1  }
0xa1: {  	s23 =	simm.s32 $0x1B8B  }
0xa2: {  	_ =	swait.ge [sflag:s23], $0x1  }
0xa3: {  	[sflag:s23] =	ssyncset.done $0x0  }
0xa4: {  	s25 =	simm.s32 $0x1B8E;
	s24 =	sld [smem:$0x3FFE];
	[sflag:s23] =	ssyncadd.s32 $0xFFFFFFFF  }
0xa5: {  	s26 =	simm.s32 $execute0_lowered;
	[smem:$0x3FD2] =	sst s25  }
0xa6: {  	s4 =	sshll.u32 s26, $0x1;
	_ =	strace $0x80000046;
	[dreg:$0x1] =	wrdreg $0xFFFFFFFF  }
0xa7: {  	s28 =	simm.s32 $_size_execute0_lowered;
	s2 =	sadd.s32 s2, s4;
	[dreg:$0x0] =	wrdreg $0x0  }
0xa8: {  	s4 =	sshll.u32 s28, $0x1;
	[dreg:$0x2] =	wrdreg s2  }
0xa9: {  	[dreg:$0x3] =	wrdreg s4  }
0xaa: {  	[dreg:$0x4] =	wrdreg $0xC0  }
0xab: {  	_ =	task [dreg:s6], $0x5FFFF  }
0xac: {  	[dreg:$0x1] =	wrdreg $0xFFFFFFFF  }
0xad: {  	[dreg:$0x0] =	wrdreg $0x60  }
0xae: {  	[dreg:$0x2] =	wrdreg s24  }
0xaf: {  	[dreg:$0x3] =	wrdreg $0x9  }
0xb0: {  	_ =	task.clear_ibuf [dreg:s6], $0x4FFFF;
	_ =	strace $0x90000046  }
0xb1: {  	s29 =	simm.s32 $0x9;
	_ =	strace $0x80000048  }
0xb2: {  	_ =	swait.ge [sflag:s29], $0x1  }
0xb3: {  	[sflag:s29] =	ssyncadd.s32 $0xFFFFFFFF  }
0xb4: {  	_ =	strace $0x90000048  }
0xb5: {  	_ =	sfence  }
0xb6: {  	s30 =	sld [smem:$0x0];
	_ =	sdelay $0x2  }
0xb7: {  	s31 =	sshll.u32 s1, $0xD;
	s1 =	sshrl.u32 s1, $0x2  }
0xb8: {  	s3 =	sand.u32 $0x4000, s31;
	s1 =	sadd.s32 s1, s30  }
0xb9: {  	s0 =	sor.u32 s3, s0;
	s1 =	sshll.u32 s1, $0x11  }
0xba: {  	s0 =	sor.u32 s1, s0  }
0xbb: {  	s0 =	sadd.s32 $0x8F2B, s0  }
0xbc: {  	[sflag:s0] =	ssyncadd.remote.s32 $0x1  }
0xbd: {  	_ =	sfence.sel $0xFFFF  }
0xbe: {  	[dreg:$0x0] =	wrdreg $0xFFFFFFFF;
	(pc) =	sbr.abs _section_cstart, $3  }
0xbf: {  	[dreg:$0x1] =	wrdreg $0xFFFFFFFF  }
0xc0: {  	_ =	task.clear_ibuf [dreg:s6], $0x2FFFF;
	_ =	strace $0x9FFFFFFF  }
0xc1: {  	(tm) =	ssettm $0x7FFFFFFF  }
tec
execute0_lowered:
.L_overlay_start_1:
0x0: {  	(tag) =	ssettag $0x1  }
0x1: {  	v0 =	vimm.f32 $7.750000000e+00;
	vm0 =	vcmask $0x300  }
0x2: {  	v0 =	vsel vm0, $0x3E800000, v0;
	vm0 =	vcmask $0x704  }
0x3: {  	v0 =	vsel vm0, $0x3F400000, v0;
	vm0 =	vcmask $0xB08  }
0x4: {  	s0 =	rddreg [dreg:$0x0];
	v0 =	vsel vm0, $0x3FA00000, v0;
	vm0 =	vcmask $0xF0C  }
0x5: {  	s11 =	simm.s32 $0x0;
	s1 =	srdreg.scid;
	s6 =	stileid.u32;
	v0 =	vsel vm0, $0x3FE00000, v0;
	vm0 =	vcmask $0x1310  }
0x6: {  	v1 =	vimm.f32 $7.000000000e+00;
	s12 =	simm.s32 $0x2;
	s17 =	simm.s32 $0x80;
	[smem:$0x7FF] =	sst s11;
	v0 =	vsel vm0, $0x40100000, v0;
	vm0 =	vcmask $0x1714  }
0x7: {  	s18 =	simm.s32 $0x280;
	s19 =	simm.s32 $0x480;
	_ =	strace $0x80000047;
	v0 =	vsel vm0, $0x40300000, v0;
	vm0 =	vcmask $0x1B18  }
0x8: {  	s20 =	simm.s32 $0x780;
	s21 =	simm.s32 $0xF80;
	s22 =	simm.s32 $0x1780;
	(erf) = vrcp.f32 v1;
	v0 =	vsel vm0, $0x40500000, v0;
	vm0 =	vcmask $0x1F1C  }
0x9: {  	s23 =	simm.s32 $0x1F80;
	s24 =	simm.s32 $0x2F80;
	s28 =	simm.s32 $0x1;
	v0 =	vsel vm0, $0x40700000, v0;
	vm0 =	vcmask $0x2320  }
0xa: {  	s29 =	simm.s32 $0x680;
	s30 =	simm.s32 $0x580;
	s31 =	simm.s32 $0x4780;
	v0 =	vsel vm0, $0x40880000, v0;
	vm0 =	vcmask $0x2724  }
0xb: {  	s2 =	sadd.s32 $0x800, s0;
	s3 =	sadd.s32 $0x400, s0;
	s1 =	sand.u32 $0x1, s1;
	v1 =	vsel vm0, $0x40980000, v0;
	vm0 =	vcmask $0x2B28  }
0xc: {  	v3 =	vlaneseq.u32;
	s5 =	sadd.s32 $0xAA800, s0;
	s6 =	sshll.u32 s6, $0x6;
	s7 =	sadd.s32 $0x480, s0;
	v2 =	vsel vm0, $0x40A80000, v1;
	vm0 =	vcmask $0x2F2C  }
0xd: {  	v4 =	vimm.s32 $0x5400;
	s8 =	sadd.s32 $0x500, s0;
	s9 =	sadd.s32 $0x580, s0;
	s25 =	ssub.s32 $0x2, s1;
	v2 =	vsel vm0, $0x40B80000, v2;
	vm0 =	vcmask $0x3330  }
0xe: {  	v7 =	vimm.f32 $0.0e+00;
	s10 =	sadd.s32 $0x600, s0;
	s1 =	sshll.u32 s1, $0x5;
	s4 =	sshrl.u32 s25, $0x1;
	v2 =	vsel vm0, $0x40C80000, v2;
	vm0 =	vcmask $0x3734  }
0xf: {  	[dreg:$0x3] =	wrdreg s3;
	s1 =	sor.u32 s1, s6;
	s3 =	ssub.s32 s25, s4;
	v0 =	vimm.s32 $0x0;
	v5 =	vsel vm0, $0x40D80000, v2;
	v2 =	vmul.u32 $0x62, v3  }
0x10: {  	s0 =	simm.s32 $0x400;
	[dreg:$0x4] =	wrdreg s1;
	s26 =	smax.u32 s3, $0x1;
	v1 =	vimm.f32 $3.125000000e-02;
	vm0 =	vcmask $0x3B38;
	v3 =	vimm.s32 $0x10  }
0x11: {  	s25 =	simm.s32 $0x3780;
	[dreg:$0x5] =	wrdreg s26;
	s26 =	simm.s32 $0x3F80;
	v6 =	vpop (erf);
	v5 =	vsel vm0, $0x40E80000, v5;
	vm0 =	vmmov $0xffff;
	v8 =	vadd.s32 $0x31, v2  }
.LBB2_1:
0x12: {  	[dreg:$0x2] =	wrdreg s11;
	p1 =	por $0x1, $0x1;
	s1 =	simm.s32 $0x0  }
.LBB2_2:
0x13: {  	s3 =	rddreg [dreg:$0x4]  }
0x14: {  	s4 =	sor.u32 s3, s1  }
0x15: {  	s15 =	rddreg [dreg:$0x3];
	s1 =	sshrl.u32 s4, $0x3  }
0x16: {  	s11 =	simm.s32 $0x0;
	s3 =	sadd.s32 s15, s1  }
0x17: {  	[tilespmem:s11], [sflag:$0x2] =	stream.linear.gather [hbm4b:s3+s11], $0x10, $0x38;
	[tilespmem:$0x7880] =	vst v63  }
0x18: {  	_ =	swait.ge [sflag:s12], $0x10  }
0x19: {  	[sflag:s12] =	ssyncset.done $0x0  }
0x1a: {  	s6 =	simm.s32 $0x10;
	s16 =	sadd.s32 s1, s7;
	[sflag:s12] =	ssyncadd.s32 $0xFFFFFFF0  }
0x1b: {  	[tilespmem:s6], [sflag:$0x2] =	stream.linear.gather [hbm4b:s16+s11], $0x10, $0x38;
	[tilespmem:$0x7880] =	vst v63  }
0x1c: {  	_ =	swait.ge [sflag:s12], $0x10  }
0x1d: {  	[sflag:s12] =	ssyncset.done $0x0  }
0x1e: {  	s13 =	simm.s32 $0x20;
	s6 =	sadd.s32 s1, s8;
	[sflag:s12] =	ssyncadd.s32 $0xFFFFFFF0  }
0x1f: {  	[tilespmem:s13], [sflag:$0x2] =	stream.linear.gather [hbm4b:s6+s11], $0x10, $0x38;
	[tilespmem:$0x7880] =	vst v63  }
0x20: {  	_ =	swait.ge [sflag:s12], $0x10  }
0x21: {  	[sflag:s12] =	ssyncset.done $0x0  }
0x22: {  	s14 =	sadd.s32 s1, s9;
	s15 =	simm.s32 $0x30;
	[sflag:s12] =	ssyncadd.s32 $0xFFFFFFF0  }
0x23: {  	[tilespmem:s15], [sflag:$0x2] =	stream.linear.gather [hbm4b:s14+s11], $0x10, $0x38;
	[tilespmem:$0x7880] =	vst v63  }
0x24: {  	_ =	swait.ge [sflag:s12], $0x10  }
0x25: {  	[sflag:s12] =	ssyncset.done $0x0  }
0x26: {  	s1 =	sadd.s32 s1, s10;
	s16 =	simm.s32 $0x40;
	[sflag:s12] =	ssyncadd.s32 $0xFFFFFFF0  }
0x27: {  	[tilespmem:s16], [sflag:$0x2] =	stream.linear.gather [hbm4b:s1+s11], $0x10, $0x38;
	[tilespmem:$0x7880] =	vst v63  }
0x28: {  	_ =	swait.ge [sflag:s12], $0x10  }
0x29: {  	[sflag:s12] =	ssyncset.done $0x0  }
0x2a: {  	[sflag:s12] =	ssyncadd.s32 $0xFFFFFFF0  }
0x2b: {  	v9 =	vld [tilespmem:$0x10]  }
0x2c: {  	v10 =	vld [tilespmem:$0x20]  }
0x2d: {  	v11 =	vld [tilespmem:$0x30]  }
0x2e: {  	v12 =	vld [tilespmem:$0x40];
	_ =	sdelay $0x4  }
0x2f: {  	v13 =	vsub.f32 v11, v9;
	v14 =	vsub.f32 v12, v10;
	_ =	sdelay $0x1  }
0x30: {  	v13 =	vmul.f32 v14, v13;
	_ =	sdelay $0x1  }
0x31: {  	vm1 =	vge.f32 v13, $1.254400000e+04;
	vm2 =	vge.f32 v13, $5.017600000e+04  }
0x32: {  	v54 =	vsel vm1, $0x1, v0;
	v15 =	vsel vm2, $0x1, v0;
	vm1 =	vge.f32 v13, $2.007040000e+05  }
0x33: {  	v55 =	vadd.s32 v15, v54;
	v56 =	vsel vm1, $0x1, v0  }
0x34: {  	v13 =	vadd.s32 v56, v55  }
0x35: {  	vm1 =	veq.s32 v13, $0x2  }
0x36: {  	vm2 =	veq.s32 v13, $0x1;
	v57 =	vsel vm1, $0x3D800000, v1  }
0x37: {  	vm3 =	veq.s32 v13, $0x0;
	v58 =	vsel vm2, $0x3E000000, v57  }
0x38: {  	v59 =	vld [tilespmem:$0x0];
	v13 =	vsel vm3, $0x3E800000, v58  }
0x39: {  	v9 =	vmul.f32 v13, v9;
	v11 =	vmul.f32 v13, v11  }
0x3a: {  	v10 =	vmul.f32 v13, v10;
	v12 =	vmul.f32 v13, v12  }
0x3b: {  	v9 =	vadd.f32 $-5.000000000e-01, v9;
	v11 =	vadd.f32 $-5.000000000e-01, v11  }
0x3c: {  	v10 =	vadd.f32 $-5.000000000e-01, v10;
	v12 =	vadd.f32 $-5.000000000e-01, v12  }
0x3d: {  	v60 =	vtrunc.f32 v59;
	v11 =	vsub.f32 v11, v9  }
0x3e: {  	v13 =	vcvt.f32.s32 v60;
	v12 =	vsub.f32 v12, v10  }
0x3f: {  	v61 =	vsel vm1, $0x5000, v4;
	[tilespmem:$0x80] =	vst v9;
	v9 =	vmul.f32 v11, v6  }
0x40: {  	v62 =	vmul.u32 $0x5500, v13;
	[tilespmem:$0x100] =	vst v10;
	v11 =	vsel vm2, $0x4000, v61;
	v10 =	vmul.f32 v12, v6  }
0x41: {  	v63 =	vsel vm1, $0x20, v3;
	v11 =	vsel vm3, $0x0, v11;
	[tilespmem:$0x180] =	vst v9  }
0x42: {  	v9 =	vsel vm2, $0x40, v63;
	[tilespmem:$0x200] =	vst v10;
	v10 =	vadd.s32 v62, v11  }
0x43: {  	v9 =	vsel vm3, $0x80, v9;
	[tilespmem:$0x280] =	vst v10  }
0x44: {  	p0 =	por p1, p1;
	[tilespmem:$0x300] =	vst v9  }
.LBB2_3:
0x45: {  	v10 =	vmov s11  }
0x46: {  	v9 =	vor.u32 $0x100, v10;
	_ =	sdelay $0x3  }
0x47: {  	v11 =	vor.u32 $0x180, v10  }
0x48: {  	v9 =	vld.idx.msk [tilespmem:v9+s17+$0x0], $0xffff  }
0x49: {  	v12 =	vor.u32 $0x80, v10  }
0x4a: {  	v13 =	vld.idx.msk [tilespmem:v10+s17+$0x0], $0xffff;
	_ =	sdelay $0x1  }
0x4b: {  	v11 =	vld.idx.msk [tilespmem:v11+s17+$0x0], $0xffff  }
0x4c: {  	v14 =	vmul.f32 v5, v9  }
0x4d: {  	v15 =	vld.idx.msk [tilespmem:v12+s17+$0x0], $0xffff  }
0x4e: {  	v9 =	vld.idx.msk [tilespmem:v12+s18+$0x0], $0xffff;
	v51 =	vadd.f32 v14, v13;
	_ =	sdelay $0x1  }
0x4f: {  	v11 =	vmul.f32 v5, v11;
	v13 =	vmax.f32 v51, $0.0e+00  }
0x50: {  	v52 =	vtrunc.f32 v13  }
0x51: {  	v11 =	vadd.f32 v11, v15;
	v14 =	vcvt.f32.s32 v52  }
0x52: {  	v53 =	vadd.s32 $0xFFFFFFFF, v9  }
0x53: {  	v16 =	vmax.f32 v11, $0.0e+00;
	vm1 =	vlt.s32 v14, v53  }
0x54: {  	v18 =	vtrunc.f32 v16;
	v17 =	vsel vm1, v14, v53  }
0x55: {  	v18 =	vcvt.f32.s32 v18;
	v19 =	vcvt.s32.f32 v17  }
0x56: {  	v20 =	vcvt.s32.f32 v9;
	vm1 =	vgt.s32 v53, v14  }
0x57: {  	vm2 =	vgt.f32 v51, $-1.000000000e+00;
	v13 =	vsel vm1, v13, v19;
	vm1 =	vlt.s32 v18, v53  }
0x58: {  	v57 =	vadd.s32 $0x1, v17;
	v54 =	vsel vm1, v18, v53;
	vm1 =	vlt.f32 v51, v20  }
0x59: {  	v55 =	vsub.f32 v13, v19;
	vm1 =	vmand vm2, vm1;
	v56 =	vcvt.s32.f32 v54  }
0x5a: {  	vm2 =	vgt.s32 v53, v18;
	v58 =	vsel vm1, $0x3F800000, v7;
	vm1 =	vlt.s32 v57, v53  }
0x5b: {  	v21 =	vsub.f32 $1.000000000e+00, v55;
	v16 =	vsel vm2, v16, v56;
	v59 =	vsel vm1, v57, v53  }
0x5c: {  	v10 =	vld.idx.msk [tilespmem:v10+s18+$0x0], $0xffff;
	[tilespmem:$0x380] =	vst v17;
	v12 =	vmul.f32 v55, v58;
	vm1 =	vgt.f32 v11, $-1.000000000e+00;
	vm2 =	vlt.f32 v11, v20  }
0x5d: {  	[tilespmem:$0x480] =	vst v54;
	v11 =	vadd.s32 $0x1, v54;
	v13 =	vsub.f32 v16, v56;
	vm1 =	vmand vm1, vm2  }
0x5e: {  	[tilespmem:$0x400] =	vst v59;
	v62 =	vsel vm1, $0x3E800000, v7;
	vm1 =	vlt.s32 v11, v53  }
0x5f: {  	v60 =	vmul.f32 v21, v58;
	[tilespmem:$0x600] =	vst v12;
	v61 =	vsub.f32 $1.000000000e+00, v13;
	v11 =	vsel vm1, v11, v53  }
0x60: {  	[tilespmem:$0x500] =	vst v11;
	v11 =	vmul.f32 v13, v62  }
0x61: {  	[tilespmem:$0x580] =	vst v60;
	v63 =	vmul.f32 v61, v62  }
0x62: {  	[tilespmem:$0x700] =	vst v11  }
0x63: {  	s1 =	simm.s32 $0x0;
	s13 =	simm.s32 $0x0;
	[tilespmem:$0x680] =	vst v63  }
.LBB2_4:
0x64: {  	s3 =	sshll.u32 s13, $0x1  }
0x65: {  	v11 =	vmov s3;
	_ =	sdelay $0x3  }
0x66: {  	v12 =	vor.u32 $0x80, v11  }
0x67: {  	v13 =	vld.idx.msk [tilespmem:v11+s19+$0x0], $0xffff;
	_ =	sdelay $0x2  }
0x68: {  	v14 =	vld [tilespmem:$0x380]  }
0x69: {  	v15 =	vld.idx.msk [tilespmem:v12+s19+$0x0], $0xffff  }
0x6a: {  	v16 =	vld [tilespmem:$0x400];
	v13 =	vmul.u32 v9, v13;
	_ =	sdelay $0x1  }
0x6b: {  	v13 =	vadd.s32 v10, v13  }
0x6c: {  	v17 =	vadd.s32 v14, v13  }
0x6d: {  	v15 =	vmul.u32 v9, v15  }
0x6e: {  	v13 =	vadd.s32 v16, v13  }
0x6f: {  	v15 =	vadd.s32 v10, v15  }
0x70: {  	s14 =	simm.s32 $0x0;
	v18 =	vadd.s32 v14, v15  }
0x71: {  	[tilespmem:s20], [sflag:$0x1] =	stream.indirect_vreg.gather [hbm4b:s2+s14], $0x80, v17, vm0, $0xb8;
	[tilespmem:$0x7880] =	vst v63  }
0x72: {  	s16 =	sshllo.u32 s13, $0x1;
	v15 =	vadd.s32 v16, v15  }
0x73: {  	[tilespmem:s21], [sflag:$0x1] =	stream.indirect_vreg.gather [hbm4b:s2+s14], $0x80, v13, vm0, $0xb8;
	v13 =	vmov s16;
	[tilespmem:$0x7880] =	vst v63  }
0x74: {  	_ = 	snop  }
0x75: {  	[tilespmem:s22], [sflag:$0x1] =	stream.indirect_vreg.gather [hbm4b:s2+s14], $0x80, v18, vm0, $0xb8;
	[tilespmem:$0x7880] =	vst v63  }
0x76: {  	_ = 	snop  }
0x77: {  	[tilespmem:s23], [sflag:$0x1] =	stream.indirect_vreg.gather [hbm4b:s2+s14], $0x80, v15, vm0, $0xb8;
	v15 =	vor.u32 $0x80, v13;
	[tilespmem:$0x7880] =	vst v63  }
0x78: {  	v17 =	vld.idx.msk [tilespmem:v13+s19+$0x0], $0xffff;
	_ =	sdelay $0x3  }
0x79: {  	v18 =	vld.idx.msk [tilespmem:v15+s19+$0x0], $0xffff  }
0x7a: {  	v17 =	vmul.u32 v9, v17;
	_ =	sdelay $0x1  }
0x7b: {  	v17 =	vadd.s32 v10, v17  }
0x7c: {  	v19 =	vadd.s32 v14, v17  }
0x7d: {  	v18 =	vmul.u32 v9, v18  }
0x7e: {  	v17 =	vadd.s32 v16, v17  }
0x7f: {  	v18 =	vadd.s32 v10, v18  }
0x80: {  	s15 =	simm.s32 $0x2780;
	v14 =	vadd.s32 v14, v18  }
0x81: {  	[tilespmem:s15], [sflag:$0x1] =	stream.indirect_vreg.gather [hbm4b:s2+s14], $0x80, v19, vm0, $0xb8;
	[tilespmem:$0x7880] =	vst v63  }
0x82: {  	v16 =	vadd.s32 v16, v18  }
0x83: {  	[tilespmem:s24], [sflag:$0x1] =	stream.indirect_vreg.gather [hbm4b:s2+s14], $0x80, v17, vm0, $0xb8;
	[tilespmem:$0x7880] =	vst v63  }
0x84: {  	_ = 	snop  }
0x85: {  	[tilespmem:s25], [sflag:$0x1] =	stream.indirect_vreg.gather [hbm4b:s2+s14], $0x80, v14, vm0, $0xb8;
	[tilespmem:$0x7880] =	vst v63  }
0x86: {  	_ = 	snop  }
0x87: {  	[tilespmem:s26], [sflag:$0x1] =	stream.indirect_vreg.gather [hbm4b:s2+s14], $0x80, v16, vm0, $0xb8;
	[tilespmem:$0x7880] =	vst v63  }
0x88: {  	_ =	swait.ge [sflag:s28], $0x800  }
0x89: {  	[sflag:s28] =	ssyncset.done $0x0  }
0x8a: {  	[sflag:s28] =	ssyncadd.s32 $0xFFFFF800  }
0x8b: {  	_ =	swait.ge [sflag:s28], $0x800  }
0x8c: {  	[sflag:s28] =	ssyncset.done $0x0  }
0x8d: {  	[sflag:s28] =	ssyncadd.s32 $0xFFFFF800  }
0x8e: {  	_ =	swait.ge [sflag:s28], $0x800  }
0x8f: {  	[sflag:s28] =	ssyncset.done $0x0  }
0x90: {  	[sflag:s28] =	ssyncadd.s32 $0xFFFFF800  }
0x91: {  	_ =	swait.ge [sflag:s28], $0x800  }
0x92: {  	[sflag:s28] =	ssyncset.done $0x0  }
0x93: {  	[sflag:s28] =	ssyncadd.s32 $0xFFFFF800  }
0x94: {  	_ =	swait.ge [sflag:s28], $0x800  }
0x95: {  	[sflag:s28] =	ssyncset.done $0x0  }
0x96: {  	[sflag:s28] =	ssyncadd.s32 $0xFFFFF800  }
0x97: {  	_ =	swait.ge [sflag:s28], $0x800  }
0x98: {  	[sflag:s28] =	ssyncset.done $0x0  }
0x99: {  	[sflag:s28] =	ssyncadd.s32 $0xFFFFF800  }
0x9a: {  	_ =	swait.ge [sflag:s28], $0x800  }
0x9b: {  	[sflag:s28] =	ssyncset.done $0x0  }
0x9c: {  	[sflag:s28] =	ssyncadd.s32 $0xFFFFF800  }
0x9d: {  	_ =	swait.ge [sflag:s28], $0x800  }
0x9e: {  	[sflag:s28] =	ssyncset.done $0x0  }
0x9f: {  	[sflag:s28] =	ssyncadd.s32 $0xFFFFF800  }
0xa0: {  	v11 =	vld.idx.msk [tilespmem:v11+s29+$0x0], $0xffff  }
0xa1: {  	v12 =	vld.idx.msk [tilespmem:v12+s29+$0x0], $0xffff  }
0xa2: {  	v13 =	vld.idx.msk [tilespmem:v13+s29+$0x0], $0xffff  }
0xa3: {  	s16 =	simm.s32 $0x0;
	v14 =	vld.idx.msk [tilespmem:v15+s29+$0x0], $0xffff  }
.LBB2_5:
0xa4: {  	v21 =	vld [tilespmem:s15+$0xFFFFE000]  }
0xa5: {  	v22 =	vld [tilespmem:s15+$0xFFFFE800]  }
0xa6: {  	v23 =	vld [tilespmem:s15+$0xFFFFE080]  }
0xa7: {  	v25 =	vld [tilespmem:s15+$0xFFFFF000]  }
0xa8: {  	v15 =	vmov s14;
	v26 =	vld [tilespmem:s15+$0xFFFFF800]  }
0xa9: {  	s3 =	sadd.s32 $0x1, s14;
	v27 =	vld [tilespmem:s15+$0xFFFFF080];
	v16 =	vor.u32 $0x80, v15  }
0xaa: {  	v54 =	vld [tilespmem:s15+$0x0];
	v17 =	vmov s3  }
0xab: {  	v57 =	vld [tilespmem:s15+$0x800]  }
0xac: {  	v62 =	vld [tilespmem:s15+$0x1000];
	v18 =	vor.u32 $0x80, v17  }
0xad: {  	v15 =	vld.idx.msk [tilespmem:v15+s30+$0x0], $0xffff  }
0xae: {  	v16 =	vld.idx.msk [tilespmem:v16+s30+$0x0], $0xffff  }
0xaf: {  	v19 =	vld.idx.msk [tilespmem:v17+s30+$0x0], $0xffff  }
0xb0: {  	v59 =	vld [tilespmem:s15+$0x80]  }
0xb1: {  	v20 =	vld.idx.msk [tilespmem:v18+s30+$0x0], $0xffff  }
0xb2: {  	v29 =	vld [tilespmem:s15+$0x1800];
	v18 =	vpack.i.f32.bf16 v15, v15  }
0xb3: {  	v34 =	vld [tilespmem:s15+$0x1080];
	v17 =	vpack.i.f32.bf16 v16, v16;
	v21 =	vmul.bf16 v21, v18;
	v60 =	vmul.bf16 v25, v18  }
0xb4: {  	v24 =	vld [tilespmem:s15+$0xFFFFE880];
	s3 =	sadd.s32 s16, s1;
	v16 =	vpack.i.f32.bf16 v19, v19;
	v19 =	vmul.bf16 v54, v18;
	v38 =	vmul.bf16 v62, v18  }
0xb5: {  	v28 =	vld [tilespmem:s15+$0xFFFFF880];
	v47 =	vadd.s32 s3, v2;
	v22 =	vmul.bf16 v22, v17;
	v56 =	vmul.bf16 v23, v16  }
0xb6: {  	v37 =	vld [tilespmem:s15+$0x1880];
	v15 =	vpack.i.f32.bf16 v20, v20;
	v61 =	vmul.bf16 v26, v17;
	v63 =	vmul.bf16 v27, v16  }
0xb7: {  	v33 =	vld [tilespmem:s15+$0x880];
	v36 =	vmul.bf16 v59, v16;
	v39 =	vmul.bf16 v29, v17;
	v55 =	vadd.bf16 v22, v21  }
0xb8: {  	v42 =	vmul.bf16 v34, v16;
	v21 =	vadd.bf16 v61, v60;
	v22 =	vmul.bf16 v57, v17  }
0xb9: {  	v58 =	vmul.bf16 v24, v15;
	v23 =	vadd.bf16 v39, v38;
	v20 =	vadd.bf16 v56, v55  }
0xba: {  	v35 =	vmul.bf16 v28, v15;
	v21 =	vadd.bf16 v63, v21;
	v19 =	vadd.bf16 v22, v19  }
0xbb: {  	v45 =	vmul.bf16 v37, v15;
	v44 =	vadd.bf16 v42, v23;
	v20 =	vadd.bf16 v58, v20  }
0xbc: {  	v40 =	vmul.bf16 v33, v15;
	v21 =	vadd.bf16 v35, v21;
	v19 =	vadd.bf16 v36, v19  }
0xbd: {  	v48 =	vadd.s32 s3, v8;
	v22 =	vadd.bf16 v45, v44;
	v30 =	vunpack.i.u.bf16.f32 v20  }
0xbe: {  	v20 =	vunpack.i.l.bf16.f32 v20;
	v41 =	vunpack.i.l.bf16.f32 v21;
	v19 =	vadd.bf16 v40, v19  }
0xbf: {  	v21 =	vunpack.i.u.bf16.f32 v21;
	v20 =	vmul.f32 v20, v11;
	v25 =	vmul.f32 v41, v12  }
0xc0: {  	v43 =	vmul.f32 v30, v11;
	v21 =	vmul.f32 v21, v12;
	v46 =	vunpack.i.l.bf16.f32 v19  }
0xc1: {  	v19 =	vunpack.i.u.bf16.f32 v19;
	v20 =	vadd.f32 v25, v20;
	v24 =	vmul.f32 v46, v13  }
0xc2: {  	v23 =	vunpack.i.l.bf16.f32 v22;
	v21 =	vadd.f32 v21, v43;
	v19 =	vmul.f32 v19, v13  }
0xc3: {  	v22 =	vunpack.i.u.bf16.f32 v22;
	v23 =	vmul.f32 v23, v14;
	v20 =	vadd.f32 v24, v20  }
0xc4: {  	v49 =	vmul.f32 v22, v14;
	v19 =	vadd.f32 v19, v21  }
0xc5: {  	v20 =	vadd.f32 v23, v20  }
0xc6: {  	v19 =	vadd.f32 v49, v19  }
0xc7: {  	[tilespmem:v47+s31+$0x0] =	vst.idx.msk $0xffff, v20  }
0xc8: {  	[tilespmem:v48+s31+$0x0] =	vst.idx.msk $0xffff, v19  }
0xc9: {  	v19 =	vld [tilespmem:s15+$0xFFFFE010]  }
0xca: {  	v20 =	vld [tilespmem:s15+$0xFFFFE810]  }
0xcb: {  	v50 =	vld [tilespmem:s15+$0xFFFFE090]  }
0xcc: {  	v51 =	vld [tilespmem:s15+$0xFFFFE890]  }
0xcd: {  	v52 =	vld [tilespmem:s15+$0xFFFFF010]  }
0xce: {  	v24 =	vld [tilespmem:s15+$0xFFFFF810]  }
0xcf: {  	v25 =	vld [tilespmem:s15+$0xFFFFF090]  }
0xd0: {  	v53 =	vld [tilespmem:s15+$0xFFFFF890]  }
0xd1: {  	v54 =	vld [tilespmem:s15+$0x10]  }
0xd2: {  	v56 =	vld [tilespmem:s15+$0x810]  }
0xd3: {  	v57 =	vld [tilespmem:s15+$0x90]  }
0xd4: {  	v60 =	vld [tilespmem:s15+$0x1010];
	v19 =	vmul.bf16 v19, v18  }
0xd5: {  	s6 =	sadd.s32 $0x620, s3;
	v61 =	vld [tilespmem:s15+$0x1810];
	v20 =	vmul.bf16 v20, v17;
	v55 =	vmul.bf16 v50, v16  }
0xd6: {  	v46 =	vadd.s32 s6, v2;
	v63 =	vld [tilespmem:s15+$0x890];
	v22 =	vmul.bf16 v51, v15;
	v58 =	vmul.bf16 v52, v18  }
0xd7: {  	v47 =	vadd.s32 s6, v8;
	v34 =	vld [tilespmem:s15+$0x1090];
	v59 =	vmul.bf16 v24, v17;
	v62 =	vmul.bf16 v25, v16  }
0xd8: {  	v38 =	vld [tilespmem:s15+$0x1890];
	v33 =	vmul.bf16 v54, v18;
	v21 =	vmul.bf16 v56, v17;
	v19 =	vadd.bf16 v20, v19  }
0xd9: {  	v36 =	vmul.bf16 v53, v15;
	v37 =	vmul.bf16 v57, v16;
	v20 =	vadd.bf16 v59, v58  }
0xda: {  	v39 =	vmul.bf16 v60, v18;
	v21 =	vadd.bf16 v21, v33;
	v19 =	vadd.bf16 v55, v19  }
0xdb: {  	v40 =	vmul.bf16 v61, v17;
	v23 =	vmul.bf16 v63, v15;
	v20 =	vadd.bf16 v62, v20  }
0xdc: {  	v42 =	vmul.bf16 v34, v16;
	v21 =	vadd.bf16 v37, v21;
	v19 =	vadd.bf16 v22, v19  }
0xdd: {  	v44 =	vmul.bf16 v38, v15;
	v20 =	vadd.bf16 v36, v20;
	v22 =	vadd.bf16 v40, v39  }
0xde: {  	v21 =	vadd.bf16 v23, v21;
	v35 =	vunpack.i.u.bf16.f32 v19;
	v19 =	vunpack.i.l.bf16.f32 v19  }
0xdf: {  	v41 =	vunpack.i.l.bf16.f32 v20;
	v20 =	vunpack.i.u.bf16.f32 v20;
	v22 =	vadd.bf16 v42, v22  }
0xe0: {  	v45 =	vunpack.i.l.bf16.f32 v21;
	v19 =	vmul.f32 v19, v11;
	v25 =	vmul.f32 v41, v12  }
0xe1: {  	v43 =	vmul.f32 v35, v11;
	v20 =	vmul.f32 v20, v12;
	v22 =	vadd.bf16 v44, v22  }
0xe2: {  	v21 =	vunpack.i.u.bf16.f32 v21;
	v24 =	vmul.f32 v45, v13;
	v19 =	vadd.f32 v25, v19  }
0xe3: {  	v21 =	vmul.f32 v21, v13;
	v20 =	vadd.f32 v20, v43;
	v23 =	vunpack.i.l.bf16.f32 v22  }
0xe4: {  	v22 =	vunpack.i.u.bf16.f32 v22;
	v19 =	vadd.f32 v24, v19;
	v23 =	vmul.f32 v23, v14  }
0xe5: {  	v20 =	vadd.f32 v21, v20;
	v48 =	vmul.f32 v22, v14  }
0xe6: {  	v19 =	vadd.f32 v23, v19  }
0xe7: {  	v20 =	vadd.f32 v48, v20  }
0xe8: {  	[tilespmem:v46+s31+$0x0] =	vst.idx.msk $0xffff, v19  }
0xe9: {  	[tilespmem:v47+s31+$0x0] =	vst.idx.msk $0xffff, v20  }
0xea: {  	v19 =	vld [tilespmem:s15+$0xFFFFE020]  }
0xeb: {  	v20 =	vld [tilespmem:s15+$0xFFFFE820]  }
0xec: {  	v49 =	vld [tilespmem:s15+$0xFFFFE0A0]  }
0xed: {  	v50 =	vld [tilespmem:s15+$0xFFFFE8A0]  }
0xee: {  	v51 =	vld [tilespmem:s15+$0xFFFFF020]  }
0xef: {  	v24 =	vld [tilespmem:s15+$0xFFFFF820]  }
0xf0: {  	v25 =	vld [tilespmem:s15+$0xFFFFF0A0]  }
0xf1: {  	v52 =	vld [tilespmem:s15+$0xFFFFF8A0]  }
0xf2: {  	v53 =	vld [tilespmem:s15+$0x20]  }
0xf3: {  	v55 =	vld [tilespmem:s15+$0x820]  }
0xf4: {  	v56 =	vld [tilespmem:s15+$0xA0]  }
0xf5: {  	v59 =	vld [tilespmem:s15+$0x1020];
	v19 =	vmul.bf16 v19, v18  }
0xf6: {  	s6 =	sadd.s32 $0xC40, s3;
	v60 =	vld [tilespmem:s15+$0x1820];
	v20 =	vmul.bf16 v20, v17;
	v54 =	vmul.bf16 v49, v16  }
0xf7: {  	v45 =	vadd.s32 s6, v2;
	v62 =	vld [tilespmem:s15+$0x8A0];
	v22 =	vmul.bf16 v50, v15;
	v57 =	vmul.bf16 v51, v18  }
0xf8: {  	v46 =	vadd.s32 s6, v8;
	v33 =	vld [tilespmem:s15+$0x10A0];
	v58 =	vmul.bf16 v24, v17;
	v61 =	vmul.bf16 v25, v16  }
0xf9: {  	v37 =	vld [tilespmem:s15+$0x18A0];
	v63 =	vmul.bf16 v53, v18;
	v21 =	vmul.bf16 v55, v17;
	v19 =	vadd.bf16 v20, v19  }
0xfa: {  	v35 =	vmul.bf16 v52, v15;
	v36 =	vmul.bf16 v56, v16;
	v20 =	vadd.bf16 v58, v57  }
0xfb: {  	v38 =	vmul.bf16 v59, v18;
	v21 =	vadd.bf16 v21, v63;
	v19 =	vadd.bf16 v54, v19  }
0xfc: {  	v39 =	vmul.bf16 v60, v17;
	v23 =	vmul.bf16 v62, v15;
	v20 =	vadd.bf16 v61, v20  }
0xfd: {  	v41 =	vmul.bf16 v33, v16;
	v21 =	vadd.bf16 v36, v21;
	v19 =	vadd.bf16 v22, v19  }
0xfe: {  	v43 =	vmul.bf16 v37, v15;
	v20 =	vadd.bf16 v35, v20;
	v22 =	vadd.bf16 v39, v38  }
0xff: {  	v21 =	vadd.bf16 v23, v21;
	v34 =	vunpack.i.u.bf16.f32 v19;
	v19 =	vunpack.i.l.bf16.f32 v19  }
0x100: {  	v40 =	vunpack.i.l.bf16.f32 v20;
	v20 =	vunpack.i.u.bf16.f32 v20;
	v22 =	vadd.bf16 v41, v22  }
0x101: {  	v44 =	vunpack.i.l.bf16.f32 v21;
	v19 =	vmul.f32 v19, v11;
	v25 =	vmul.f32 v40, v12  }
0x102: {  	v42 =	vmul.f32 v34, v11;
	v20 =	vmul.f32 v20, v12;
	v22 =	vadd.bf16 v43, v22  }
0x103: {  	v21 =	vunpack.i.u.bf16.f32 v21;
	v24 =	vmul.f32 v44, v13;
	v19 =	vadd.f32 v25, v19  }
0x104: {  	v21 =	vmul.f32 v21, v13;
	v20 =	vadd.f32 v20, v42;
	v23 =	vunpack.i.l.bf16.f32 v22  }
0x105: {  	v22 =	vunpack.i.u.bf16.f32 v22;
	v19 =	vadd.f32 v24, v19;
	v23 =	vmul.f32 v23, v14  }
0x106: {  	v20 =	vadd.f32 v21, v20;
	v47 =	vmul.f32 v22, v14  }
0x107: {  	v19 =	vadd.f32 v23, v19  }
0x108: {  	v20 =	vadd.f32 v47, v20  }
0x109: {  	[tilespmem:v45+s31+$0x0] =	vst.idx.msk $0xffff, v19  }
0x10a: {  	[tilespmem:v46+s31+$0x0] =	vst.idx.msk $0xffff, v20  }
0x10b: {  	v19 =	vld [tilespmem:s15+$0xFFFFE030]  }
0x10c: {  	v20 =	vld [tilespmem:s15+$0xFFFFE830]  }
0x10d: {  	v48 =	vld [tilespmem:s15+$0xFFFFE0B0]  }
0x10e: {  	v49 =	vld [tilespmem:s15+$0xFFFFE8B0]  }
0x10f: {  	v50 =	vld [tilespmem:s15+$0xFFFFF030]  }
0x110: {  	v24 =	vld [tilespmem:s15+$0xFFFFF830]  }
0x111: {  	v25 =	vld [tilespmem:s15+$0xFFFFF0B0]  }
0x112: {  	v51 =	vld [tilespmem:s15+$0xFFFFF8B0]  }
0x113: {  	v52 =	vld [tilespmem:s15+$0x30]  }
0x114: {  	v54 =	vld [tilespmem:s15+$0x830]  }
0x115: {  	v55 =	vld [tilespmem:s15+$0xB0]  }
0x116: {  	v58 =	vld [tilespmem:s15+$0x1030];
	v19 =	vmul.bf16 v19, v18  }
0x117: {  	s6 =	sadd.s32 $0x1260, s3;
	v59 =	vld [tilespmem:s15+$0x1830];
	v20 =	vmul.bf16 v20, v17;
	v53 =	vmul.bf16 v48, v16  }
0x118: {  	v44 =	vadd.s32 s6, v2;
	v61 =	vld [tilespmem:s15+$0x8B0];
	v22 =	vmul.bf16 v49, v15;
	v56 =	vmul.bf16 v50, v18  }
0x119: {  	v45 =	vadd.s32 s6, v8;
	v63 =	vld [tilespmem:s15+$0x10B0];
	v57 =	vmul.bf16 v24, v17;
	v60 =	vmul.bf16 v25, v16  }
0x11a: {  	v36 =	vld [tilespmem:s15+$0x18B0];
	v62 =	vmul.bf16 v52, v18;
	v21 =	vmul.bf16 v54, v17;
	v19 =	vadd.bf16 v20, v19  }
0x11b: {  	v34 =	vmul.bf16 v51, v15;
	v35 =	vmul.bf16 v55, v16;
	v20 =	vadd.bf16 v57, v56  }
0x11c: {  	v37 =	vmul.bf16 v58, v18;
	v21 =	vadd.bf16 v21, v62;
	v19 =	vadd.bf16 v53, v19  }
0x11d: {  	v38 =	vmul.bf16 v59, v17;
	v23 =	vmul.bf16 v61, v15;
	v20 =	vadd.bf16 v60, v20  }
0x11e: {  	v40 =	vmul.bf16 v63, v16;
	v21 =	vadd.bf16 v35, v21;
	v19 =	vadd.bf16 v22, v19  }
0x11f: {  	v42 =	vmul.bf16 v36, v15;
	v20 =	vadd.bf16 v34, v20;
	v22 =	vadd.bf16 v38, v37  }
0x120: {  	v21 =	vadd.bf16 v23, v21;
	v33 =	vunpack.i.u.bf16.f32 v19;
	v19 =	vunpack.i.l.bf16.f32 v19  }
0x121: {  	v39 =	vunpack.i.l.bf16.f32 v20;
	v20 =	vunpack.i.u.bf16.f32 v20;
	v22 =	vadd.bf16 v40, v22  }
0x122: {  	v43 =	vunpack.i.l.bf16.f32 v21;
	v19 =	vmul.f32 v19, v11;
	v25 =	vmul.f32 v39, v12  }
0x123: {  	v41 =	vmul.f32 v33, v11;
	v20 =	vmul.f32 v20, v12;
	v22 =	vadd.bf16 v42, v22  }
0x124: {  	v21 =	vunpack.i.u.bf16.f32 v21;
	v24 =	vmul.f32 v43, v13;
	v19 =	vadd.f32 v25, v19  }
0x125: {  	v21 =	vmul.f32 v21, v13;
	v20 =	vadd.f32 v20, v41;
	v23 =	vunpack.i.l.bf16.f32 v22  }
0x126: {  	v22 =	vunpack.i.u.bf16.f32 v22;
	v19 =	vadd.f32 v24, v19;
	v23 =	vmul.f32 v23, v14  }
0x127: {  	v20 =	vadd.f32 v21, v20;
	v46 =	vmul.f32 v22, v14  }
0x128: {  	v19 =	vadd.f32 v23, v19  }
0x129: {  	v20 =	vadd.f32 v46, v20  }
0x12a: {  	[tilespmem:v44+s31+$0x0] =	vst.idx.msk $0xffff, v19  }
0x12b: {  	[tilespmem:v45+s31+$0x0] =	vst.idx.msk $0xffff, v20  }
0x12c: {  	v19 =	vld [tilespmem:s15+$0xFFFFE040]  }
0x12d: {  	v20 =	vld [tilespmem:s15+$0xFFFFE840]  }
0x12e: {  	v47 =	vld [tilespmem:s15+$0xFFFFE0C0]  }
0x12f: {  	v48 =	vld [tilespmem:s15+$0xFFFFE8C0]  }
0x130: {  	v49 =	vld [tilespmem:s15+$0xFFFFF040]  }
0x131: {  	v24 =	vld [tilespmem:s15+$0xFFFFF840]  }
0x132: {  	v25 =	vld [tilespmem:s15+$0xFFFFF0C0]  }
0x133: {  	v50 =	vld [tilespmem:s15+$0xFFFFF8C0]  }
0x134: {  	v51 =	vld [tilespmem:s15+$0x40]  }
0x135: {  	v53 =	vld [tilespmem:s15+$0x840]  }
0x136: {  	v54 =	vld [tilespmem:s15+$0xC0]  }
0x137: {  	v57 =	vld [tilespmem:s15+$0x1040];
	v19 =	vmul.bf16 v19, v18  }
0x138: {  	s6 =	sadd.s32 $0x1880, s3;
	v58 =	vld [tilespmem:s15+$0x1840];
	v20 =	vmul.bf16 v20, v17;
	v52 =	vmul.bf16 v47, v16  }
0x139: {  	v42 =	vadd.s32 s6, v8;
	v60 =	vld [tilespmem:s15+$0x8C0];
	v22 =	vmul.bf16 v48, v15;
	v55 =	vmul.bf16 v49, v18  }
0x13a: {  	v41 =	vadd.s32 s6, v2;
	v62 =	vld [tilespmem:s15+$0x10C0];
	v56 =	vmul.bf16 v24, v17;
	v59 =	vmul.bf16 v25, v16  }
0x13b: {  	v33 =	vld [tilespmem:s15+$0x18C0];
	v61 =	vmul.bf16 v51, v18;
	v21 =	vmul.bf16 v53, v17;
	v19 =	vadd.bf16 v20, v19  }
0x13c: {  	v31 =	vmul.bf16 v50, v15;
	v32 =	vmul.bf16 v54, v16;
	v20 =	vadd.bf16 v56, v55  }
0x13d: {  	v34 =	vmul.bf16 v57, v18;
	v21 =	vadd.bf16 v21, v61;
	v19 =	vadd.bf16 v52, v19  }
0x13e: {  	v35 =	vmul.bf16 v58, v17;
	v23 =	vmul.bf16 v60, v15;
	v20 =	vadd.bf16 v59, v20  }
0x13f: {  	v37 =	vmul.bf16 v62, v16;
	v21 =	vadd.bf16 v32, v21;
	v19 =	vadd.bf16 v22, v19  }
0x140: {  	v39 =	vmul.bf16 v33, v15;
	v20 =	vadd.bf16 v31, v20;
	v22 =	vadd.bf16 v35, v34  }
0x141: {  	v21 =	vadd.bf16 v23, v21;
	v63 =	vunpack.i.u.bf16.f32 v19;
	v19 =	vunpack.i.l.bf16.f32 v19  }
0x142: {  	v36 =	vunpack.i.l.bf16.f32 v20;
	v20 =	vunpack.i.u.bf16.f32 v20;
	v22 =	vadd.bf16 v37, v22  }
0x143: {  	v40 =	vunpack.i.l.bf16.f32 v21;
	v19 =	vmul.f32 v19, v11;
	v25 =	vmul.f32 v36, v12  }
0x144: {  	v38 =	vmul.f32 v63, v11;
	v20 =	vmul.f32 v20, v12;
	v22 =	vadd.bf16 v39, v22  }
0x145: {  	v21 =	vunpack.i.u.bf16.f32 v21;
	v24 =	vmul.f32 v40, v13;
	v19 =	vadd.f32 v25, v19  }
0x146: {  	v21 =	vmul.f32 v21, v13;
	v20 =	vadd.f32 v20, v38;
	v23 =	vunpack.i.l.bf16.f32 v22  }
0x147: {  	v22 =	vunpack.i.u.bf16.f32 v22;
	v19 =	vadd.f32 v24, v19;
	v23 =	vmul.f32 v23, v14  }
0x148: {  	v20 =	vadd.f32 v21, v20;
	v43 =	vmul.f32 v22, v14  }
0x149: {  	v19 =	vadd.f32 v23, v19  }
0x14a: {  	v20 =	vadd.f32 v43, v20  }
0x14b: {  	[tilespmem:v41+s31+$0x0] =	vst.idx.msk $0xffff, v19  }
0x14c: {  	[tilespmem:v42+s31+$0x0] =	vst.idx.msk $0xffff, v20  }
0x14d: {  	v19 =	vld [tilespmem:s15+$0xFFFFE050]  }
0x14e: {  	v20 =	vld [tilespmem:s15+$0xFFFFE850]  }
0x14f: {  	v44 =	vld [tilespmem:s15+$0xFFFFE0D0]  }
0x150: {  	v45 =	vld [tilespmem:s15+$0xFFFFE8D0]  }
0x151: {  	v46 =	vld [tilespmem:s15+$0xFFFFF050]  }
0x152: {  	v24 =	vld [tilespmem:s15+$0xFFFFF850]  }
0x153: {  	v25 =	vld [tilespmem:s15+$0xFFFFF0D0]  }
0x154: {  	v47 =	vld [tilespmem:s15+$0xFFFFF8D0]  }
0x155: {  	v48 =	vld [tilespmem:s15+$0x50]  }
0x156: {  	v50 =	vld [tilespmem:s15+$0x850]  }
0x157: {  	v51 =	vld [tilespmem:s15+$0xD0]  }
0x158: {  	v54 =	vld [tilespmem:s15+$0x1050];
	v19 =	vmul.bf16 v19, v18  }
0x159: {  	s6 =	sadd.s32 $0x1EA0, s3;
	v55 =	vld [tilespmem:s15+$0x1850];
	v20 =	vmul.bf16 v20, v17;
	v49 =	vmul.bf16 v44, v16  }
0x15a: {  	v39 =	vadd.s32 s6, v8;
	v57 =	vld [tilespmem:s15+$0x8D0];
	v22 =	vmul.bf16 v45, v15;
	v52 =	vmul.bf16 v46, v18  }
0x15b: {  	v38 =	vadd.s32 s6, v2;
	v59 =	vld [tilespmem:s15+$0x10D0];
	v53 =	vmul.bf16 v24, v17;
	v56 =	vmul.bf16 v25, v16  }
0x15c: {  	v63 =	vld [tilespmem:s15+$0x18D0];
	v58 =	vmul.bf16 v48, v18;
	v21 =	vmul.bf16 v50, v17;
	v19 =	vadd.bf16 v20, v19  }
0x15d: {  	v61 =	vmul.bf16 v47, v15;
	v62 =	vmul.bf16 v51, v16;
	v20 =	vadd.bf16 v53, v52  }
0x15e: {  	v31 =	vmul.bf16 v54, v18;
	v21 =	vadd.bf16 v21, v58;
	v19 =	vadd.bf16 v49, v19  }
0x15f: {  	v32 =	vmul.bf16 v55, v17;
	v23 =	vmul.bf16 v57, v15;
	v20 =	vadd.bf16 v56, v20  }
0x160: {  	v34 =	vmul.bf16 v59, v16;
	v21 =	vadd.bf16 v62, v21;
	v19 =	vadd.bf16 v22, v19  }
0x161: {  	v36 =	vmul.bf16 v63, v15;
	v20 =	vadd.bf16 v61, v20;
	v22 =	vadd.bf16 v32, v31  }
0x162: {  	v21 =	vadd.bf16 v23, v21;
	v60 =	vunpack.i.u.bf16.f32 v19;
	v19 =	vunpack.i.l.bf16.f32 v19  }
0x163: {  	v33 =	vunpack.i.l.bf16.f32 v20;
	v20 =	vunpack.i.u.bf16.f32 v20;
	v22 =	vadd.bf16 v34, v22  }
0x164: {  	v37 =	vunpack.i.l.bf16.f32 v21;
	v19 =	vmul.f32 v19, v11;
	v25 =	vmul.f32 v33, v12  }
0x165: {  	v35 =	vmul.f32 v60, v11;
	v20 =	vmul.f32 v20, v12;
	v22 =	vadd.bf16 v36, v22  }
0x166: {  	v21 =	vunpack.i.u.bf16.f32 v21;
	v24 =	vmul.f32 v37, v13;
	v19 =	vadd.f32 v25, v19  }
0x167: {  	v21 =	vmul.f32 v21, v13;
	v20 =	vadd.f32 v20, v35;
	v23 =	vunpack.i.l.bf16.f32 v22  }
0x168: {  	v22 =	vunpack.i.u.bf16.f32 v22;
	v19 =	vadd.f32 v24, v19;
	v23 =	vmul.f32 v23, v14  }
0x169: {  	v20 =	vadd.f32 v21, v20;
	v40 =	vmul.f32 v22, v14  }
0x16a: {  	v19 =	vadd.f32 v23, v19  }
0x16b: {  	v20 =	vadd.f32 v40, v20  }
0x16c: {  	[tilespmem:v38+s31+$0x0] =	vst.idx.msk $0xffff, v19  }
0x16d: {  	[tilespmem:v39+s31+$0x0] =	vst.idx.msk $0xffff, v20  }
0x16e: {  	v19 =	vld [tilespmem:s15+$0xFFFFE060]  }
0x16f: {  	v20 =	vld [tilespmem:s15+$0xFFFFE860]  }
0x170: {  	v41 =	vld [tilespmem:s15+$0xFFFFE0E0]  }
0x171: {  	v42 =	vld [tilespmem:s15+$0xFFFFE8E0]  }
0x172: {  	v43 =	vld [tilespmem:s15+$0xFFFFF060]  }
0x173: {  	v24 =	vld [tilespmem:s15+$0xFFFFF860]  }
0x174: {  	v25 =	vld [tilespmem:s15+$0xFFFFF0E0]  }
0x175: {  	v44 =	vld [tilespmem:s15+$0xFFFFF8E0]  }
0x176: {  	v45 =	vld [tilespmem:s15+$0x60]  }
0x177: {  	v47 =	vld [tilespmem:s15+$0x860]  }
0x178: {  	v48 =	vld [tilespmem:s15+$0xE0]  }
0x179: {  	v51 =	vld [tilespmem:s15+$0x1060];
	v19 =	vmul.bf16 v19, v18  }
0x17a: {  	s6 =	sadd.s32 $0x24C0, s3;
	v52 =	vld [tilespmem:s15+$0x1860];
	v20 =	vmul.bf16 v20, v17;
	v46 =	vmul.bf16 v41, v16  }
0x17b: {  	v36 =	vadd.s32 s6, v8;
	v54 =	vld [tilespmem:s15+$0x8E0];
	v22 =	vmul.bf16 v42, v15;
	v49 =	vmul.bf16 v43, v18  }
0x17c: {  	v35 =	vadd.s32 s6, v2;
	v56 =	vld [tilespmem:s15+$0x10E0];
	v50 =	vmul.bf16 v24, v17;
	v53 =	vmul.bf16 v25, v16  }
0x17d: {  	v60 =	vld [tilespmem:s15+$0x18E0];
	v55 =	vmul.bf16 v45, v18;
	v21 =	vmul.bf16 v47, v17;
	v19 =	vadd.bf16 v20, v19  }
0x17e: {  	v58 =	vmul.bf16 v44, v15;
	v59 =	vmul.bf16 v48, v16;
	v20 =	vadd.bf16 v50, v49  }
0x17f: {  	v61 =	vmul.bf16 v51, v18;
	v21 =	vadd.bf16 v21, v55;
	v19 =	vadd.bf16 v46, v19  }
0x180: {  	v62 =	vmul.bf16 v52, v17;
	v23 =	vmul.bf16 v54, v15;
	v20 =	vadd.bf16 v53, v20  }
0x181: {  	v31 =	vmul.bf16 v56, v16;
	v21 =	vadd.bf16 v59, v21;
	v19 =	vadd.bf16 v22, v19  }
0x182: {  	v33 =	vmul.bf16 v60, v15;
	v20 =	vadd.bf16 v58, v20;
	v22 =	vadd.bf16 v62, v61  }
0x183: {  	v21 =	vadd.bf16 v23, v21;
	v57 =	vunpack.i.u.bf16.f32 v19;
	v19 =	vunpack.i.l.bf16.f32 v19  }
0x184: {  	v63 =	vunpack.i.l.bf16.f32 v20;
	v20 =	vunpack.i.u.bf16.f32 v20;
	v22 =	vadd.bf16 v31, v22  }
0x185: {  	v34 =	vunpack.i.l.bf16.f32 v21;
	v19 =	vmul.f32 v19, v11;
	v25 =	vmul.f32 v63, v12  }
0x186: {  	v32 =	vmul.f32 v57, v11;
	v20 =	vmul.f32 v20, v12;
	v22 =	vadd.bf16 v33, v22  }
0x187: {  	v21 =	vunpack.i.u.bf16.f32 v21;
	v24 =	vmul.f32 v34, v13;
	v19 =	vadd.f32 v25, v19  }
0x188: {  	v21 =	vmul.f32 v21, v13;
	v20 =	vadd.f32 v20, v32;
	v23 =	vunpack.i.l.bf16.f32 v22  }
0x189: {  	v22 =	vunpack.i.u.bf16.f32 v22;
	v19 =	vadd.f32 v24, v19;
	v23 =	vmul.f32 v23, v14  }
0x18a: {  	v20 =	vadd.f32 v21, v20;
	v37 =	vmul.f32 v22, v14  }
0x18b: {  	v19 =	vadd.f32 v23, v19  }
0x18c: {  	v20 =	vadd.f32 v37, v20  }
0x18d: {  	[tilespmem:v35+s31+$0x0] =	vst.idx.msk $0xffff, v19  }
0x18e: {  	[tilespmem:v36+s31+$0x0] =	vst.idx.msk $0xffff, v20  }
0x18f: {  	v19 =	vld [tilespmem:s15+$0xFFFFE070]  }
0x190: {  	v20 =	vld [tilespmem:s15+$0xFFFFE870]  }
0x191: {  	v38 =	vld [tilespmem:s15+$0xFFFFE0F0]  }
0x192: {  	v39 =	vld [tilespmem:s15+$0xFFFFE8F0]  }
0x193: {  	v40 =	vld [tilespmem:s15+$0xFFFFF070]  }
0x194: {  	v24 =	vld [tilespmem:s15+$0xFFFFF870]  }
0x195: {  	v25 =	vld [tilespmem:s15+$0xFFFFF0F0]  }
0x196: {  	v42 =	vld [tilespmem:s15+$0x70]  }
0x197: {  	v43 =	vld [tilespmem:s15+$0x870]  }
0x198: {  	v44 =	vld [tilespmem:s15+$0x1070]  }
0x199: {  	v45 =	vld [tilespmem:s15+$0xF0]  }
0x19a: {  	v47 =	vld [tilespmem:s15+$0x1870];
	v19 =	vmul.bf16 v19, v18;
	v20 =	vmul.bf16 v20, v17  }
0x19b: {  	v41 =	vld [tilespmem:s15+$0xFFFFF8F0];
	v46 =	vmul.bf16 v38, v16;
	v23 =	vmul.bf16 v40, v18  }
0x19c: {  	v50 =	vld [tilespmem:s15+$0x10F0];
	v24 =	vmul.bf16 v24, v17;
	v48 =	vmul.bf16 v42, v18  }
0x19d: {  	v31 =	vld [tilespmem:s15+$0x8F0];
	v49 =	vmul.bf16 v43, v17;
	v18 =	vmul.bf16 v44, v18  }
0x19e: {  	v55 =	vld [tilespmem:s15+$0x18F0];
	v51 =	vmul.bf16 v25, v16;
	v22 =	vmul.bf16 v39, v15  }
0x19f: {  	v52 =	vmul.bf16 v45, v16;
	v17 =	vmul.bf16 v47, v17  }
0x1a0: {  	v53 =	vmul.bf16 v41, v15;
	v19 =	vadd.bf16 v20, v19;
	v23 =	vadd.bf16 v24, v23  }
0x1a1: {  	v16 =	vmul.bf16 v50, v16;
	v20 =	vadd.bf16 v49, v48;
	v17 =	vadd.bf16 v17, v18  }
0x1a2: {  	v54 =	vmul.bf16 v31, v15;
	v19 =	vadd.bf16 v46, v19;
	v23 =	vadd.bf16 v51, v23  }
0x1a3: {  	s3 =	sadd.s32 $0x2AE0, s3;
	v15 =	vmul.bf16 v55, v15;
	v20 =	vadd.bf16 v52, v20;
	v16 =	vadd.bf16 v16, v17  }
0x1a4: {  	v62 =	vadd.s32 s3, v2;
	v19 =	vadd.bf16 v22, v19;
	v21 =	vadd.bf16 v53, v23  }
0x1a5: {  	v63 =	vadd.s32 s3, v8;
	v56 =	vadd.bf16 v54, v20;
	v15 =	vadd.bf16 v15, v16  }
0x1a6: {  	v57 =	vunpack.i.l.bf16.f32 v19;
	v58 =	vunpack.i.l.bf16.f32 v21;
	v19 =	vunpack.i.u.bf16.f32 v19  }
0x1a7: {  	v21 =	vunpack.i.u.bf16.f32 v21;
	v20 =	vmul.f32 v57, v11;
	v17 =	vmul.f32 v58, v12  }
0x1a8: {  	v59 =	vunpack.i.l.bf16.f32 v56;
	v19 =	vmul.f32 v19, v11;
	v21 =	vmul.f32 v21, v12  }
0x1a9: {  	v18 =	vunpack.i.u.bf16.f32 v56;
	v17 =	vadd.f32 v17, v20;
	v20 =	vmul.f32 v59, v13  }
0x1aa: {  	v61 =	vunpack.i.l.bf16.f32 v15;
	v18 =	vmul.f32 v18, v13;
	v60 =	vadd.f32 v21, v19  }
0x1ab: {  	p1 =	sne.s32 s16, $0x6;
	v15 =	vunpack.i.u.bf16.f32 v15;
	v19 =	vmul.f32 v61, v14;
	v17 =	vadd.f32 v20, v17  }
.Ltmp0:
0x1ac: {  	v15 =	vmul.f32 v15, v14;
	v16 =	vadd.f32 v18, v60;
	(pc) =	sbr.rel @p1 .LBB2_5-.Ltmp0, $4  }
0x1ad: {  	v17 =	vadd.f32 v19, v17  }
0x1ae: {  	v15 =	vadd.f32 v15, v16  }
0x1af: {  	[tilespmem:v62+s31+$0x0] =	vst.idx.msk $0xffff, v17  }
0x1b0: {  	s14 =	sadd.s32 $0x2, s14;
	s16 =	sadd.s32 $0x1, s16;
	s15 =	sadd.s32 $0x100, s15;
	[tilespmem:v63+s31+$0x0] =	vst.idx.msk $0xffff, v15  }
0x1b1: {  	s13 =	sadd.s32 $0x1, s13  }
0x1b2: {  	p1 =	sne.s32 s13, $0x7  }
.Ltmp1:
0x1b3: {  	_ = 	snop;
	(pc) =	sbr.rel @p1 .LBB2_4-.Ltmp1, $2  }
0x1b4: {  	_ =	sdelay $0x2  }
0x1b5: {  	s1 =	sadd.s32 $0x7, s1  }
0x1b6: {  	s1 =	sor.u32 s4, s11  }
0x1b7: {  	s1 =	sshrl.u32 s1, $0x3  }
0x1b8: {  	s3 =	sshll.u32 s11, $0x7;
	s1 =	smul.u32 $0x18800, s1  }
0x1b9: {  	s3 =	sand.u32 $0x380, s3  }
0x1ba: {  	s11 =	sadd.s32 $0x1, s11;
	s1 =	sor.u32 s3, s1  }
0x1bb: {  	p1 =	sne.s32 s11, $0x10;
	s1 =	sshrl.u32 s1, $0x3  }
.Ltmp2:
0x1bc: {  	s1 =	sadd.s32 s5, s1;
	(pc) =	sbr.rel @p1 .LBB2_3-.Ltmp2, $4  }
0x1bd: {  	[hbm4b:s1+s17] =	stream.strided.scatter [tilespmem:s31], [sflag:$0x2], $0x3100, s0, s17, $0x38;
	[tilespmem:$0x7880] =	vst v63  }
0x1be: {  	_ =	swait.ge [sflag:s12], $0x3100  }
0x1bf: {  	[sflag:s12] =	ssyncset.done $0x0  }
0x1c0: {  	[sflag:s12] =	ssyncadd.s32 $0xFFFFCF00  }
.Ltmp3:
0x1c1: {  	(pc) =	sbr.rel @p0 .LBB2_2-.Ltmp3, $2  }
0x1c2: {  	_ =	sdelay $0x2  }
0x1c3: {  	s1 =	simm.s32 $0x10;
	p1 =	por $0x0, $0x0  }
0x1c4: {  	s11 =	rddreg [dreg:$0x2]  }
0x1c5: {  	s1 =	rddreg [dreg:$0x5];
	s11 =	sadd.s32 $0x1, s11  }
0x1c6: {  	p0 =	sne.s32 s11, s1  }
.Ltmp4:
0x1c7: {  	_ = 	snop;
	(pc) =	sbr.rel @p0 .LBB2_1-.Ltmp4, $1  }
0x1c8: {  	_ =	sdelay $0x3  }
0x1c9: {  	_ =	sfence.sel $0x180000  }
0x1ca: {  	[bflag:$0x0] =	sbarrier.arrive $0xFFFF  }
0x1cb: {  	_ =	strace $0x90000047  }
0x1cc: {  	s0 =	stileid.u32;
	[bflag:$0x2] =	sbarrier.arrive $0xFFFF  }
0x1cd: {  	p0 =	sne.s32 s0, $0x0;
	s0 =	rddreg [dreg:$0x1]  }
0x1ce: {  	s0 =	sadd.s32 @!p0 $0x100000, s0  }
0x1cf: {  	[sflag:s0] =	ssyncadd.tile.s32 @!p0 $0x1;
	_ =	shalt  }
.Lfunc_end2:
_tile_overlayer_lowered:
.L_overlay_start_2:
0x1d0: {  	(tag) =	ssettag $0x2  }
0x1d1: {  	s0 =	rddreg [dreg:$0x0];
	s2 =	stileid.u32  }
0x1d2: {  	s1 =	rddreg [dreg:$0x1];
	p0 =	sne.s32 s2, $0x0  }
0x1d3: {  	s3 =	rddreg [dreg:$0x2];
	[bflag:$0x3] =	sbarrier.arrive $0xFFFF;
	s2 =	simm.s32 @!p0 $0x1C02  }
0x1d4: {  	[timem:s3], [sflag:s2] =	dma.local @!p0 [hbm:s0], s1  }
0x1d5: {  	s0 =	simm.s32 @!p0 $0x2  }
0x1d6: {  	_ =	swait.ge @!p0 [sflag:s0], s1  }
0x1d7: {  	s1 =	ssub.s32 @!p0 $0x0, s1;
	[sflag:s0] =	ssyncset.done @!p0 $0x0  }
0x1d8: {  	[sflag:s0] =	ssyncadd.s32 @!p0 s1  }
0x1d9: {  	[bflag:$0x3] =	sbarrier.arrive $0xFFFF  }
0x1da: {  	_ =	shalt  }

// kernel: sparse-core-data-format-call.cloned.1.call-start
scs
called_computation_lowered:
.L_overlay_start_0:
0x0: {  	s2 =	sld [smem:$0x3FD9]  }
0x1: {  	s3 =	sld [smem:$0x3FFE];
	_ =	sdelay $0x1  }
0x2: {  	s1 =	srdreg.scid  }
0x3: {  	s0 =	sand.u32 $0x1, s1  }
0x4: {  	s18 =	sshll.u32 s0, $0xA;
	s2 =	sadd.s32 s3, s2  }
0x5: {  	s2 =	sadd.s32 s2, s18  }
0x6: {  	[smem:$0x3FC3] =	sst s2  }
0x7: {  	_ = 	snop  }
0x8: {  	s2 =	sld [smem:$0x3FD0];
	(tm) =	ssettm $0x1  }
0x9: {  	s19 =	sld [smem:$0x3FFB];
	_ =	sdelay $0x3  }
0xa: {  	_ =	strace s19  }
0xb: {  	s3 =	sld [smem:$0x3FFC];
	_ =	sdelay $0x3  }
0xc: {  	_ =	strace s3  }
0xd: {  	s3 =	sld [smem:$0x3FFD];
	_ =	sdelay $0x3  }
0xe: {  	_ =	strace s3  }
0xf: {  	_ =	strace $0x8FFFFFFF  }
0x10: {  	s20 =	sld [smem:$0x3FDB];
	_ =	sdelay $0x1  }
0x11: {  	s4 =	simm.s32 $_scs_section_size  }
0x12: {  	s5 =	simm.s32 $_size__tile_overlayer_lowered;
	s6 =	simm.s32 $_tile_overlayer_lowered  }
0x13: {  	s23 =	simm.s32 $0x1BFF;
	s22 =	sshll.u32 s6, $0x1;
	s3 =	sadd.s32 s4, s20  }
0x14: {  	s7 =	simm.s32 $0x0;
	s21 =	sshll.u32 s5, $0x1;
	s5 =	sadd.s32 s22, s3  }
0x15: {  	[timem:s7], [sflag:s23] =	dma.local [hbm:s5], s21  }
0x16: {  	_ =	swait.ge [sflag:s23], s21  }
0x17: {  	s4 =	ssub.s32 $0x0, s21;
	[sflag:s23] =	ssyncset.done $0x0  }
0x18: {  	[sflag:s23] =	ssyncadd.s32 s4;
	_ =	sdelay $0x1  }
0x19: {  	s24 =	simm.s32 $0x1B8B  }
0x1a: {  	_ =	swait.ge [sflag:s24], $0x1  }
0x1b: {  	[sflag:s24] =	ssyncset.done $0x0  }
0x1c: {  	s26 =	simm.s32 $0x1B8E;
	s25 =	sld [smem:$0x3FFE];
	[sflag:s24] =	ssyncadd.s32 $0xFFFFFFFF  }
0x1d: {  	s27 =	simm.s32 $execute0_lowered;
	[smem:$0x3FD2] =	sst s26  }
0x1e: {  	s5 =	sshll.u32 s27, $0x1;
	_ =	strace $0x80000049;
	[dreg:$0x1] =	wrdreg $0xFFFFFFFF  }
0x1f: {  	s28 =	simm.s32 $_size_execute0_lowered;
	s3 =	sadd.s32 s3, s5;
	[dreg:$0x0] =	wrdreg $0x0  }
0x20: {  	s5 =	sshll.u32 s28, $0x1;
	[dreg:$0x2] =	wrdreg s3  }
0x21: {  	[dreg:$0x3] =	wrdreg s5  }
0x22: {  	[dreg:$0x4] =	wrdreg $0xC0  }
0x23: {  	_ =	task [dreg:s7], $0x5FFFF  }
0x24: {  	[dreg:$0x1] =	wrdreg $0xFFFFFFFF  }
0x25: {  	[dreg:$0x0] =	wrdreg $0x60  }
0x26: {  	[dreg:$0x2] =	wrdreg s25  }
0x27: {  	[dreg:$0x3] =	wrdreg s2  }
0x28: {  	[dreg:$0x4] =	wrdreg $0x9  }
0x29: {  	_ =	task.clear_ibuf [dreg:s7], $0x5FFFF;
	_ =	strace $0x90000049  }
0x2a: {  	s29 =	simm.s32 $0x9;
	_ =	strace $0x8000004B  }
0x2b: {  	_ =	swait.ge [sflag:s29], $0x1  }
0x2c: {  	[sflag:s29] =	ssyncadd.s32 $0xFFFFFFFF  }
0x2d: {  	_ =	strace $0x9000004B  }
0x2e: {  	_ =	sfence  }
0x2f: {  	s30 =	sld [smem:$0x0];
	_ =	sdelay $0x2  }
0x30: {  	s31 =	sshll.u32 s1, $0xD;
	s1 =	sshrl.u32 s1, $0x2  }
0x31: {  	s3 =	sand.u32 $0x4000, s31;
	s1 =	sadd.s32 s1, s30  }
0x32: {  	s0 =	sor.u32 s3, s0;
	s1 =	sshll.u32 s1, $0x11  }
0x33: {  	s0 =	sor.u32 s1, s0  }
0x34: {  	s0 =	sadd.s32 $0x8F2B, s0  }
0x35: {  	[sflag:s0] =	ssyncadd.remote.s32 $0x1  }
0x36: {  	_ =	sfence.sel $0xFFFF  }
0x37: {  	[dreg:$0x0] =	wrdreg $0xFFFFFFFF;
	(pc) =	sbr.abs _section_cstart, $3  }
0x38: {  	[dreg:$0x1] =	wrdreg $0xFFFFFFFF  }
0x39: {  	_ =	task.clear_ibuf [dreg:s7], $0x2FFFF;
	_ =	strace $0x9FFFFFFF  }
0x3a: {  	(tm) =	ssettm $0x7FFFFFFF  }
0x3b: {  	_ =	shalt  }
tec
execute0_lowered:
.L_overlay_start_1:
0x0: {  	(tag) =	ssettag $0x1  }
0x1: {  	s0 =	stileid.u32  }
0x2: {  	s1 =	srdreg.scid;
	s6 =	rddreg [dreg:$0x0]  }
0x3: {  	s9 =	simm.s32 $0x1;
	s31 =	simm.s32 $0x2;
	s17 =	simm.s32 $0x0  }
0x4: {  	s2 =	sshll.u32 s0, $0x7;
	s3 =	sshll.u32 s0, $0x5;
	s4 =	sshll.u32 s1, $0x9  }
0x5: {  	s10 =	simm.s32 $0x800;
	s1 =	sand.u32 $0x80, s2;
	s24 =	sor.u32 s3, s4  }
0x6: {  	s26 =	sshrl.u32 s0, $0x1;
	s25 =	ssub.s32 $0x100, s1;
	s2 =	sand.u32 $0x380, s24  }
0x7: {  	s3 =	sand.u32 $0x1, s26;
	s5 =	sshrl.u32 s25, $0x7;
	s8 =	ssub.s32 $0x400, s2  }
0x8: {  	s7 =	sshrl.u32 s25, $0x8;
	s5 =	sand.u32 $0x1, s5;
	s28 =	sand.u32 $0x380, s8  }
0x9: {  	s29 =	ssub.s32 $0x4, s3;
	s27 =	sadd.s32 s7, s5;
	p0 =	sne.s32 s28, $0x0  }
0xa: {  	s8 =	sshrl.u32 s8, $0xA;
	s9 =	simm.s32 @!p0 $0x0;
	s7 =	smul.u32 s27, s29  }
0xb: {  	s15 =	simm.s32 $0x0;
	s18 =	simm.s32 $0x0;
	s8 =	sadd.s32 s9, s8  }
0xc: {  	s16 =	simm.s32 $0x0;
	s11 =	simm.s32 $0x0;
	s7 =	smul.u32 s8, s7  }
.Ltmp0:
0xd: {  	s14 =	simm.s32 $0x0;
	s4 =	rddreg [dreg:$0x2];
	(pc) =	sbr.rel .LBB1_1-.Ltmp0, $4  }
0xe: {  	s12 =	smov.u32 s3;
	s30 =	sadd.s32 s2, s6;
	s6 =	simm.s32 $0x1  }
0xf: {  	s5 =	rddreg [dreg:$0x1];
	_ =	strace $0x8000004A;
	s7 =	smul.u32 $0x7, s7  }
0x10: {  	s13 =	smov.u32 s1;
	[sflag:s6] =	ssyncpa.u1 $0x0;
	p0 =	por $0x0, $0x0  }
0x11: {  	[sflag:s31] =	ssyncpa.u1 $0x0;
	s8 =	sadd.s32 $0x400, s30;
	s9 =	sadd.s32 $0x1, s7  }
.LBB1_4:
0x12: {  	v5 =	vld [tilespmem:s22+$0xFFFFFFD0];
	[tilespmem:s21+$0x2040 ss:$0x81] =	vst.msk $0xffff, v1  }
0x13: {  	v58 =	vld [tilespmem:s22+$0xFFFFFFE0];
	[tilespmem:s21+$0x2850 ss:$0x81] =	vst.msk $0xffff, v2  }
0x14: {  	s23 =	sshra.s32 s23, $0x2;
	v59 =	vld [tilespmem:s22+$0xFFFFFFF0];
	[tilespmem:s21+$0x3060 ss:$0x81] =	vst.msk $0xffff, v3  }
0x15: {  	v60 =	vld [tilespmem:s22+$0x0];
	[tilespmem:s21+$0x0 ss:$0x81] =	vst.msk $0xffff, v0;
	s20 =	sadd.s32 s23, s20  }
0x16: {  	v61 =	vld [tilespmem:s22+$0x10];
	[tilespmem:s20+$0x3870 ss:$0x81] =	vst.msk $0xffff, v4  }
0x17: {  	v62 =	vld [tilespmem:s22+$0x20];
	[tilespmem:s20+$0x810 ss:$0x81] =	vst.msk $0xffff, v5  }
0x18: {  	v63 =	vld [tilespmem:s22+$0xFFFFFFC0];
	s18 =	smul.u32 $0x38000, s18;
	[tilespmem:s20+$0x1020 ss:$0x81] =	vst.msk $0xffff, v58  }
0x19: {  	s17 =	sshll.u32 s17, $0x5;
	s28 =	sand.u32 $0x7F80, s16;
	s29 =	sshrl.u32 s16, $0x3;
	[tilespmem:s20+$0x1830 ss:$0x81] =	vst.msk $0xffff, v59  }
0x1a: {  	s15 =	sshll.u32 s15, $0xF;
	s30 =	sand.u32 $0xF, s29;
	s18 =	sadd.s32 s5, s18;
	[tilespmem:s20+$0x2040 ss:$0x81] =	vst.msk $0xffff, v60  }
0x1b: {  	s31 =	sand.u32 $0x7, s16;
	s17 =	sadd.s32 s28, s17;
	s18 =	sadd.s32 s30, s18;
	[tilespmem:s20+$0x2850 ss:$0x81] =	vst.msk $0xffff, v61  }
0x1c: {  	s16 =	sshll.u32 s31, $0x12;
	s17 =	sand.u32 $0x7F80, s17;
	s15 =	sadd.s32 s15, s18;
	[tilespmem:s20+$0x3060 ss:$0x81] =	vst.msk $0xffff, v62  }
0x1d: {  	s16 =	sor.u32 $0x400, s16;
	[tilespmem:s20+$0x0 ss:$0x81] =	vst.msk $0xffff, v63;
	s15 =	sadd.s32 s17, s15  }
0x1e: {  	[hbm4b:s15+s16] =	stream.strided.scatter [tilespmem:s19], [sflag:$0x2], $0x4000, s10, s16, $0x20;
	[tilespmem:$0x10100] =	vst v63  }
.LBB1_5:
0x1f: {  	s19 =	sadd.s32 $0x1, s11  }
0x20: {  	s15 =	sadd.s32 $0x2, s12;
	s20 =	smov.u32 s12;
	p2 =	sgt.s32 s19, $0x6  }
0x21: {  	s20 =	smov.u32 @p2 s15  }
0x22: {  	s21 =	smov.u32 s13;
	s15 =	sadd.s32 $0x100, s13;
	p3 =	sgt.s32 s20, $0x6  }
0x23: {  	s21 =	smov.u32 @p3 s15  }
0x24: {  	s19 =	simm.s32 @p2 $0x0;
	p2 =	sgt.s32 s21, $0xFF  }
0x25: {  	p1 =	slt.u32 s14, $0x2;
	s21 =	smov.u32 @p2 s1;
	p2 =	sne.s32 s14, s9  }
.Ltmp1:
0x26: {  	s18 =	smov.u32 s12;
	s17 =	simm.s32 @!p1 $0x2;
	(pc) =	sbr.rel @!p2 .LBB1_6-.Ltmp1, $4  }
0x27: {  	s16 =	smov.u32 s13;
	p0 =	por !p0, !p0;
	_ =	swait.ge @!p1 [sflag:s17], $0x4000  }
0x28: {  	[sflag:s17] =	ssyncset.done @!p1 $0x0;
	s20 =	smov.u32 @p3 s3;
	s15 =	smov.u32 s11  }
0x29: {  	[sflag:s17] =	ssyncadd.s32 @!p1 $0xFFFFC000;
	s17 =	smov.u32 s2;
	s11 =	smov.u32 s19  }
0x2a: {  	s12 =	smov.u32 s20;
	s14 =	sadd.s32 $0x1, s14;
	s13 =	smov.u32 s21  }
.LBB1_1:
0x2b: {  	p1 =	sge.u32 s14, s7  }
0x2c: {  	s20 =	smul.u32 @!p1 $0x1C00, s13  }
0x2d: {  	s31 =	sadd.s32 $0xFFFFFFFF, s14;
	s19 =	sxor.u32 @!p1 $0xFFFFFFFF, s14;
	s21 =	sshll.u32 @!p1 s12, $0xA  }
0x2e: {  	s22 =	sshll.u32 @!p1 s11, $0x4;
	s19 =	sshll.u32 @!p1 s19, $0xE;
	s20 =	sadd.s32 @!p1 s20, s8  }
0x2f: {  	s22 =	sand.u32 @!p1 $0x70, s22;
	s19 =	sand.u32 @!p1 $0x4000, s19;
	s20 =	sadd.s32 @!p1 s21, s20  }
0x30: {  	s21 =	simm.s32 @!p1 $0x80;
	s20 =	sadd.s32 @!p1 s22, s20;
	s22 =	simm.s32 @!p1 $0xE000  }
0x31: {  	[tilespmem:s19], [sflag:$0x1] =	stream.strided.gather @!p1 [hbm4b:s20+s21], $0x4000, s22, s21, $0x38;
	[tilespmem:$0x10100] =	vst v63  }
0x32: {  	p1 =	sge.u32 s31, s7  }
.Ltmp2:
0x33: {  	_ = 	snop;
	(pc) =	sbr.rel @p1 .LBB1_5-.Ltmp2, $1  }
0x34: {  	_ =	sdelay $0x3  }
0x35: {  	s19 =	simm.s32 $0x1  }
0x36: {  	_ =	swait.ge [sflag:s6], $0x4000;
	s19 =	simm.s32 @!p0 $0x0  }
0x37: {  	[sflag:s6] =	ssyncset.done $0x0;
	s20 =	sshll.u32 s19, $0xE  }
0x38: {  	[sflag:s6] =	ssyncadd.s32 $0xFFFFC000;
	s22 =	sor.u32 $0x40, s20  }
0x39: {  	s19 =	smul.u32 $0x10200, s19;
	v0 =	vld [tilespmem:s22+$0x30]  }
0x3a: {  	v3 =	vld [tilespmem:s22+$0xFFFFFFD0]  }
0x3b: {  	s19 =	sshrl.u32 s19, $0x2;
	v4 =	vld [tilespmem:s22+$0xFFFFFFE0]  }
0x3c: {  	v5 =	vld [tilespmem:s22+$0xFFFFFFF0];
	s20 =	sor.u32 $0x8000, s19  }
0x3d: {  	s31 =	sand.u32 $0x1, s14;
	v1 =	vld [tilespmem:s22+$0x0];
	s21 =	sadd.s32 $0x0, s20  }
0x3e: {  	v2 =	vld [tilespmem:s22+$0x10];
	s19 =	smul.u32 $0x10200, s31;
	[tilespmem:s21+$0x3870 ss:$0x81] =	vst.msk $0xffff, v0  }
0x3f: {  	[tilespmem:s21+$0x810 ss:$0x81] =	vst.msk $0xffff, v3;
	v3 =	vld [tilespmem:s22+$0x20]  }
0x40: {  	s19 =	sshrl.u32 s19, $0x2;
	v0 =	vld [tilespmem:s22+$0xFFFFFFC0];
	[tilespmem:s21+$0x1020 ss:$0x81] =	vst.msk $0xffff, v4;
	s22 =	sadd.s32 $0x80, s22  }
0x41: {  	s23 =	simm.s32 $0x4;
	s24 =	simm.s32 $0x8;
	s19 =	sor.u32 $0x8000, s19;
	[tilespmem:s21+$0x1830 ss:$0x81] =	vst.msk $0xffff, v5;
	v4 =	vld [tilespmem:s22+$0x30]  }
.LBB1_3:
0x42: {  	p1 =	sne.s32 s24, $0x1FC;
	v5 =	vld [tilespmem:s22+$0xFFFFFFD0];
	[tilespmem:s21+$0x2040 ss:$0x81] =	vst.msk $0xffff, v1  }
0x43: {  	v6 =	vld [tilespmem:s22+$0xFFFFFFE0];
	[tilespmem:s21+$0x2850 ss:$0x81] =	vst.msk $0xffff, v2  }
0x44: {  	s25 =	sshra.s32 s23, $0x2;
	s23 =	smov.u32 s24;
	v7 =	vld [tilespmem:s22+$0xFFFFFFF0];
	[tilespmem:s21+$0x3060 ss:$0x81] =	vst.msk $0xffff, v3  }
.Ltmp3:
0x45: {  	v1 =	vld [tilespmem:s22+$0x0];
	[tilespmem:s21+$0x0 ss:$0x81] =	vst.msk $0xffff, v0;
	s21 =	sadd.s32 s25, s20;
	(pc) =	sbr.rel @p1 .LBB1_3-.Ltmp3, $4  }
0x46: {  	v2 =	vld [tilespmem:s22+$0x10];
	[tilespmem:s21+$0x3870 ss:$0x81] =	vst.msk $0xffff, v4  }
0x47: {  	[tilespmem:s21+$0x810 ss:$0x81] =	vst.msk $0xffff, v5;
	v3 =	vld [tilespmem:s22+$0x20]  }
0x48: {  	v0 =	vld [tilespmem:s22+$0xFFFFFFC0];
	[tilespmem:s21+$0x1020 ss:$0x81] =	vst.msk $0xffff, v6;
	s22 =	sadd.s32 $0x80, s22  }
0x49: {  	s24 =	sadd.s32 $0x4, s24;
	v4 =	vld [tilespmem:s22+$0x30];
	[tilespmem:s21+$0x1830 ss:$0x81] =	vst.msk $0xffff, v7  }
.Ltmp4:
0x4a: {  	_ = 	snop;
	(pc) =	sbr.rel .LBB1_4-.Ltmp4, $1  }
0x4b: {  	_ =	sdelay $0x3  }
.LBB1_6:
0x4c: {  	_ =	sfence.sel $0x180000  }
0x4d: {  	s1 =	simm.s32 $0x1;
	[bflag:$0x0] =	sbarrier.arrive $0xFFFF  }
0x4e: {  	s31 =	simm.s32 $0x2;
	[sflag:s1] =	ssyncpa.u1 $0x1  }
0x4f: {  	[sflag:s31] =	ssyncpa.u1 $0x1  }
0x50: {  	p0 =	sne.s32 s0, $0x0;
	_ =	strace $0x9000004A  }
0x51: {  	s0 =	sadd.s32 @!p0 $0x100000, s4;
	[bflag:$0x2] =	sbarrier.arrive $0xFFFF  }
0x52: {  	[sflag:s0] =	ssyncadd.tile.s32 @!p0 $0x1;
	_ =	shalt  }
.Lfunc_end1:
_tile_overlayer_lowered:
.L_overlay_start_2:
0x53: {  	(tag) =	ssettag $0x2  }
0x54: {  	s0 =	rddreg [dreg:$0x0];
	s2 =	stileid.u32  }
0x55: {  	s1 =	rddreg [dreg:$0x1];
	p0 =	sne.s32 s2, $0x0  }
0x56: {  	s3 =	rddreg [dreg:$0x2];
	[bflag:$0x3] =	sbarrier.arrive $0xFFFF;
	s2 =	simm.s32 @!p0 $0x1C01  }
0x57: {  	[timem:s3], [sflag:s2] =	dma.local @!p0 [hbm:s0], s1  }
0x58: {  	s0 =	simm.s32 @!p0 $0x1  }
0x59: {  	_ =	swait.ge @!p0 [sflag:s0], s1  }
0x5a: {  	s1 =	ssub.s32 @!p0 $0x0, s1;
	[sflag:s0] =	ssyncset.done @!p0 $0x0  }
0x5b: {  	[sflag:s0] =	ssyncadd.s32 @!p0 s1  }
0x5c: {  	[bflag:$0x3] =	sbarrier.arrive $0xFFFF  }
0x5d: {  	_ =	shalt  }

</sc_bundles>
